<compile_context>
chip_gen: v7x
topology: tpu7x:2x2x1
jax: 0.10.2.dev20260603
libtpu: 0.0.44.dev20260713+nightly
codegen_flags: <defaults>
</compile_context>

<pallas_src>
import functools

import jax
import jax.numpy as jnp
from jax import lax
from jax.experimental import pallas as pl
from jax.experimental.pallas import tpu as pltpu
from jax.experimental.pallas import tpu_sc as plsc

N = 10000
E = 320000
D = 128
H = 4
OC = D // H
NEG = 0.02

NC = 2
NS = 16
NW = NC * NS
EW = E // NW
K = 80
NCHUNK = EW // K
ROW = D + 16
RPT = N // NS
RZB = 125
SUP = 20
NSUP = 7


def _scores_body(x_ref, w_ref, s_ref):
    s_ref[...] = jnp.dot(x_ref[...], w_ref[...],
                         preferred_element_type=jnp.float32)


def _scores(x, wfull):
    return pl.pallas_call(
        _scores_body,
        out_shape=jax.ShapeDtypeStruct((N, 16), jnp.float32),
    )(x, wfull)


def _edge_body(x_hbm, s_hbm, ei_hbm, ej_hbm, tmax_hbm, out_hbm,
               ivbig, jvbig, sia, sja, xja, sib, sjb, xjb,
               wx, wtmp, tmaxv, acc,
               sa1, sa2, sa3, sb1, sb2, sb3, sems):
    cid = lax.axis_index("c")
    sid = lax.axis_index("s")
    wid = cid * NS + sid

    zero16 = jnp.zeros((16,), jnp.float32)

    @pl.loop(0, K)
    def _(r):
        for c in range(ROW // 16):
            wx[r, pl.ds(c * 16, 16)] = zero16

    rz = sid * RPT

    for g in range(RPT // K):
        pltpu.async_copy(wx, acc.at[pl.ds(rz + g * K, K)], sems)

    pltpu.async_copy(wx.at[pl.ds(0, RPT % K)],
                     acc.at[pl.ds(rz + (RPT // K) * K, RPT % K)], sems)

    for g in range(RPT // K):
        pltpu.make_async_copy(wx, acc.at[pl.ds(rz + g * K, K)], sems).wait()

    pltpu.make_async_copy(wx.at[pl.ds(0, RPT % K)],
                          acc.at[pl.ds(rz + (RPT // K) * K, RPT % K)],
                          sems).wait()

    pltpu.sync_copy(tmax_hbm, tmaxv)
    plsc.subcore_barrier()

    base = wid * (EW // K)
    iota16 = lax.iota(jnp.int32, 16)

    bufs = ((sia, sja, xja, sa1, sa2, sa3),
            (sib, sjb, xjb, sb1, sb2, sb3))

    def fire(q, b):
        six, sjx, xjx, s1, s2, s3 = bufs[b]
        pltpu.async_copy(s_hbm.at[ivbig.at[q]], six, s1)
        pltpu.async_copy(s_hbm.at[jvbig.at[q]], sjx, s2)
        pltpu.async_copy(x_hbm.at[jvbig.at[q]], xjx, s3)

    def wait_gathers(b):
        six, sjx, xjx, s1, s2, s3 = bufs[b]
        pltpu.make_async_copy(s_hbm.at[ivbig.at[0]], six, s1).wait()
        pltpu.make_async_copy(s_hbm.at[jvbig.at[0]], sjx, s2).wait()
        pltpu.make_async_copy(x_hbm.at[jvbig.at[0]], xjx, s3).wait()

    def scatter_drain():
        pltpu.make_async_copy(wx, acc.at[ivbig.at[0]], sems).wait()

    def compute_and_scatter(b, q, cnt):
        six, sjx, xjx, s1, s2, s3 = bufs[b]

        @pl.when(q > 0)
        def _():
            scatter_drain()
        @pl.loop(0, K // 16)
        def _(g):
            lane = iota16 + g * 16
            for h in range(H):
                s_v = plsc.load_gather(six, [lane, jnp.full((16,), 8 + h, jnp.int32)])
                t_v = plsc.load_gather(sjx, [lane, jnp.full((16,), 12 + h, jnp.int32)])
                tm = tmaxv[h]
                u = s_v + t_v
                a = jnp.maximum(u, u * NEG)
                sm = s_v + tm
                m = jnp.maximum(sm, sm * NEG)
                w = jnp.exp(a - m)
                plsc.store_scatter(wx, [lane, jnp.full((16,), D + h, jnp.int32)], w)
                wtmp[pl.ds(16 + h * 16, 16)] = w

            @plsc.parallel_loop(0, 16, unroll=4)
            def _(l):
                e = g * 16 + l
                for h in range(H):
                    wb = plsc.load_gather(
                        wtmp, [jnp.full((16,), 16 + h * 16, jnp.int32) + l])
                    for p in range(2):
                        col = h * OC + p * 16
                        wx[e, pl.ds(col, 16)] = xjx[e, pl.ds(col, 16)] * wb

        pltpu.async_copy(wx, acc.at[ivbig.at[q]], sems, add=True)

        @pl.when(q == cnt - 1)
        def _():
            scatter_drain()

    @pl.loop(0, NSUP)
    def _(sup):
        cnt = jnp.where(sup < NSUP - 1, SUP, NCHUNK - (NSUP - 1) * SUP)
        roff = base + sup * SUP
        pltpu.sync_copy(ei_hbm.at[pl.ds(roff, SUP)], ivbig)
        pltpu.sync_copy(ej_hbm.at[pl.ds(roff, SUP)], jvbig)
        fire(0, 0)
        fire(1, 1)

        @pl.loop(0, (cnt + 1) // 2)
        def _(i):
            c0 = 2 * i
            wait_gathers(0)
            compute_and_scatter(0, c0, cnt)

            @pl.when(c0 + 2 < cnt)
            def _():
                fire(c0 + 2, 0)

            @pl.when(c0 + 1 < cnt)
            def _():
                wait_gathers(1)
                compute_and_scatter(1, c0 + 1, cnt)

                @pl.when(c0 + 3 < cnt)
                def _():
                    fire(c0 + 3, 1)

    plsc.subcore_barrier()

    r0 = sid * RPT

    for g in range(5):
        pltpu.async_copy(acc.at[pl.ds(r0 + g * RZB, RZB)],
                         out_hbm.at[cid, pl.ds(r0 + g * RZB, RZB)], sems)

    for g in range(5):
        pltpu.make_async_copy(acc.at[pl.ds(r0 + g * RZB, RZB)],
                              out_hbm.at[cid, pl.ds(r0 + g * RZB, RZB)],
                              sems).wait()


def _edge_kernel(x, s_tab, ei, ej, tmax16):
    mesh = plsc.VectorSubcoreMesh(core_axis_name="c", subcore_axis_name="s")
    run = functools.partial(
        pl.kernel,
        out_type=jax.ShapeDtypeStruct((NC, N, ROW), jnp.float32),
        mesh=mesh,
        compiler_params=pltpu.CompilerParams(
            use_tc_tiling_on_sc=False, needs_layout_passes=False),
        scratch_types=[
            pltpu.VMEM((SUP, K), jnp.int32),
            pltpu.VMEM((SUP, K), jnp.int32),
            pltpu.VMEM((K, 16), jnp.float32),
            pltpu.VMEM((K, 16), jnp.float32),
            pltpu.VMEM((K, D), jnp.float32),
            pltpu.VMEM((K, 16), jnp.float32),
            pltpu.VMEM((K, 16), jnp.float32),
            pltpu.VMEM((K, D), jnp.float32),
            pltpu.VMEM((K, ROW), jnp.float32),
            pltpu.VMEM((96,), jnp.float32),
            pltpu.VMEM((4, 16), jnp.float32),
            pltpu.VMEM_SHARED((N, ROW), jnp.float32),
            pltpu.SemaphoreType.DMA,
            pltpu.SemaphoreType.DMA,
            pltpu.SemaphoreType.DMA,
            pltpu.SemaphoreType.DMA,
            pltpu.SemaphoreType.DMA,
            pltpu.SemaphoreType.DMA,
            pltpu.SemaphoreType.DMA,
        ],
    )(_edge_body)
    return run(x, s_tab, ei, ej, tmax16)


def _norm_body(p_ref, o_ref):
    p = p_ref[...]
    q = p[0] + p[1]
    parts = []
    for h in range(H):
        den = q[:, D + h][:, None] + 1e-16
        parts.append(q[:, h * OC:(h + 1) * OC] / den)
    o_ref[...] = jnp.concatenate(parts, axis=1)


def _norm(p):
    R = 1000
    return pl.pallas_call(
        _norm_body,
        grid=(N // R,),
        in_specs=[pl.BlockSpec((2, R, ROW), lambda b: (0, b, 0))],
        out_specs=pl.BlockSpec((R, D), lambda b: (b, 0)),
        out_shape=jax.ShapeDtypeStruct((N, D), jnp.float32),
    )(p)


def kernel(x_tangent0, edges, W):
    x = x_tangent0
    w1 = W[0, :OC]
    w2 = W[0, OC:]
    eye = jnp.eye(H, dtype=jnp.float32)
    wf_s = jnp.kron(eye, w1[:, None])
    wf_t = jnp.kron(eye, w2[:, None])
    wfull = jnp.concatenate(
        [jnp.zeros((D, 8), jnp.float32), wf_s, wf_t], axis=1)

    s_tab = _scores(x, wfull)
    tmax = jnp.max(s_tab[:, 3 * H:4 * H], axis=0)
    tmax16 = jnp.broadcast_to(tmax[:, None], (H, 16))

    pad = jnp.zeros((SUP - (NCHUNK % SUP or SUP), K), jnp.int32)
    ei = jnp.concatenate([edges[0].astype(jnp.int32).reshape(E // K, K), pad])
    ej = jnp.concatenate([edges[1].astype(jnp.int32).reshape(E // K, K), pad])
    p = _edge_kernel(x, s_tab, ei, ej, tmax16)
    return _norm(p)

# --- scband reference (transcript-rebuilt; emitter-appended) ---
"""Pipeline reference for scband-pyg-att-55516747268136 (READ-ONLY COPY).

The authoritative reference and input builder live on the scoring server;
editing this copy changes nothing except your own understanding.
"""

import jax, jax.numpy as jnp
import numpy as np

N = 10000
E = 320000
D = 128
HEADS = 4
OC = D // HEADS  # 32
NEG_SLOPE = 0.02


def setup_inputs(seed: int = 0) -> dict:
    key = jax.random.key(seed)
    k1, k2, k3 = jax.random.split(key, 3)
    x_tangent0 = jax.random.normal(k1, (N, D), dtype=jnp.float32)
    edges = jax.random.randint(k2, (2, E), 0, N)
    # Linear(2*OC -> 1, bias=False), xavier_normal_ with gain=1.414
    std = 1.414 * (2.0 / (2 * OC + 1)) ** 0.5
    W = jax.random.normal(k3, (1, 2 * OC), dtype=jnp.float32) * std
    return {"x_tangent0": x_tangent0, "edges": edges, "W": W}


def reference(x_tangent0, edges, W):
    edge_index_i = edges[0]
    edge_index_j = edges[1]
    # embedding lookup == gather rows
    x_i = jnp.take(x_tangent0, edge_index_i, axis=0).reshape(-1, HEADS, OC)
    x_j = jnp.take(x_tangent0, edge_index_j, axis=0).reshape(-1, HEADS, OC)
    cat = jnp.concatenate([x_i, x_j], axis=2)  # (E, HEADS, 2*OC)
    alpha = jnp.squeeze(cat @ W.T, axis=-1)  # (E, HEADS)
    alpha = jax.nn.leaky_relu(alpha, NEG_SLOPE)
    # segment softmax over destination node index
    amax = jax.ops.segment_max(alpha, edge_index_i, num_segments=N)
    amax = jnp.where(jnp.isfinite(amax), amax, 0.0)
    alpha = jnp.exp(alpha - amax[edge_index_i])
    denom = jax.ops.segment_sum(alpha, edge_index_i, num_segments=N)
    alpha = alpha / (denom[edge_index_i] + 1e-16)
    # dropout is a no-op in eval mode
    support_t = jax.ops.segment_sum(x_j * alpha[:, :, None], edge_index_i, num_segments=N)
    # concat=True
    return support_t.reshape(-1, HEADS * OC)

if __name__ == "__main__":
    import jax
    _d = setup_inputs()
    print(jax.jit(kernel)(*tuple(_d.values())))

</pallas_src>

<mosaic_0001>
#map = affine_map<(d0, d1) -> (0, 0)>
#map1 = affine_map<(d0, d1) -> (0, 0, 0)>
module attributes {stable_mosaic.version = 14 : i64} {
  func.func @_edge_body(%arg0: i32, %arg1: i32, %arg2: memref<10000x128xf32, #tpu.memory_space<hbm>>, %arg3: memref<10000x16xf32, #tpu.memory_space<hbm>>, %arg4: memref<4015x80xi32, #tpu.memory_space<hbm>>, %arg5: memref<4015x80xi32, #tpu.memory_space<hbm>>, %arg6: memref<4x16xf32, #tpu.memory_space<hbm>>, %arg7: memref<2x10000x144xf32, #tpu.memory_space<hbm>>, %arg8: memref<20x80xi32, #tpu.memory_space<vmem>>, %arg9: memref<20x80xi32, #tpu.memory_space<vmem>>, %arg10: memref<80x16xf32, #tpu.memory_space<vmem>>, %arg11: memref<80x16xf32, #tpu.memory_space<vmem>>, %arg12: memref<80x128xf32, #tpu.memory_space<vmem>>, %arg13: memref<80x16xf32, #tpu.memory_space<vmem>>, %arg14: memref<80x16xf32, #tpu.memory_space<vmem>>, %arg15: memref<80x128xf32, #tpu.memory_space<vmem>>, %arg16: memref<80x144xf32, #tpu.memory_space<vmem>>, %arg17: memref<96xf32, #tpu.memory_space<vmem>>, %arg18: memref<4x16xf32, #tpu.memory_space<vmem>>, %arg19: memref<10000x144xf32, #tpu.memory_space<vmem_shared>>, %arg20: memref<!tpu.dma_semaphore, #tpu.memory_space<semaphore_mem>>, %arg21: memref<!tpu.dma_semaphore, #tpu.memory_space<semaphore_mem>>, %arg22: memref<!tpu.dma_semaphore, #tpu.memory_space<semaphore_mem>>, %arg23: memref<!tpu.dma_semaphore, #tpu.memory_space<semaphore_mem>>, %arg24: memref<!tpu.dma_semaphore, #tpu.memory_space<semaphore_mem>>, %arg25: memref<!tpu.dma_semaphore, #tpu.memory_space<semaphore_mem>>, %arg26: memref<!tpu.dma_semaphore, #tpu.memory_space<semaphore_mem>>) attributes {dimension_semantics = [#tpu.dimension_semantics<core_parallel>, #tpu.dimension_semantics<subcore_parallel>], iteration_bounds = array<i64: 2, 16>, scalar_prefetch = 0 : i64, scratch_operands = 19 : i64, tpu.core_type = #tpu.core_type<sc_vector_subcore>, window_params = [{transform_indices = #map}, {transform_indices = #map}, {transform_indices = #map}, {transform_indices = #map}, {transform_indices = #map}, {transform_indices = #map1}]} {
    %mul3A = arith.constant 16 : i32
    %mul3A_0 = arith.muli %arg0, %mul3A : i32
    %add3A = arith.addi %mul3A_0, %arg1 : i32
    %broadcast_in_dim3A = arith.constant 0.000000e+00 : f32
    %broadcast_in_dim3A_1 = vector.broadcast %broadcast_in_dim3A : f32 to vector<16xf32>
    %scan3A = arith.constant 0 : i32
    %scan3A_2 = arith.constant 80 : i32
    %scan3A_3 = arith.addi %scan3A, %scan3A_2 : i32
    %scan3A_4 = arith.constant 1 : i32
    scf.for %scan3A_214 = %scan3A to %scan3A_3 step %scan3A_4  : i32 {
      %mul3A_215 = arith.constant 1 : i32
      %mul3A_216 = arith.muli %scan3A_214, %mul3A_215 : i32
      %add3A_217 = arith.constant 0 : i32
      %add3A_218 = arith.addi %add3A_217, %mul3A_216 : i32
      %swap3A = arith.index_cast %add3A_218 : i32 to index
      %swap3A_219 = arith.constant 0 : index
      %swap3A_220 = tpu.vector_load %arg16[%swap3A, %swap3A_219] {strides = array<i32>} : memref<80x144xf32, #tpu.memory_space<vmem>>, vector<16xf32>,
      tpu.vector_store %arg16[%swap3A, %swap3A_219], %broadcast_in_dim3A_1 {strides = array<i32>} : memref<80x144xf32, #tpu.memory_space<vmem>>, vector<16xf32>,
      %swap3A_221 = arith.index_cast %add3A_218 : i32 to index
      %swap3A_222 = arith.constant 16 : index
      %swap3A_223 = tpu.vector_load %arg16[%swap3A_221, %swap3A_222] {strides = array<i32>} : memref<80x144xf32, #tpu.memory_space<vmem>>, vector<16xf32>,
      tpu.vector_store %arg16[%swap3A_221, %swap3A_222], %broadcast_in_dim3A_1 {strides = array<i32>} : memref<80x144xf32, #tpu.memory_space<vmem>>, vector<16xf32>,
      %swap3A_224 = arith.index_cast %add3A_218 : i32 to index
      %swap3A_225 = arith.constant 32 : index
      %swap3A_226 = tpu.vector_load %arg16[%swap3A_224, %swap3A_225] {strides = array<i32>} : memref<80x144xf32, #tpu.memory_space<vmem>>, vector<16xf32>,
      tpu.vector_store %arg16[%swap3A_224, %swap3A_225], %broadcast_in_dim3A_1 {strides = array<i32>} : memref<80x144xf32, #tpu.memory_space<vmem>>, vector<16xf32>,
      %swap3A_227 = arith.index_cast %add3A_218 : i32 to index
      %swap3A_228 = arith.constant 48 : index
      %swap3A_229 = tpu.vector_load %arg16[%swap3A_227, %swap3A_228] {strides = array<i32>} : memref<80x144xf32, #tpu.memory_space<vmem>>, vector<16xf32>,
      tpu.vector_store %arg16[%swap3A_227, %swap3A_228], %broadcast_in_dim3A_1 {strides = array<i32>} : memref<80x144xf32, #tpu.memory_space<vmem>>, vector<16xf32>,
      %swap3A_230 = arith.index_cast %add3A_218 : i32 to index
      %swap3A_231 = arith.constant 64 : index
      %swap3A_232 = tpu.vector_load %arg16[%swap3A_230, %swap3A_231] {strides = array<i32>} : memref<80x144xf32, #tpu.memory_space<vmem>>, vector<16xf32>,
      tpu.vector_store %arg16[%swap3A_230, %swap3A_231], %broadcast_in_dim3A_1 {strides = array<i32>} : memref<80x144xf32, #tpu.memory_space<vmem>>, vector<16xf32>,
      %swap3A_233 = arith.index_cast %add3A_218 : i32 to index
      %swap3A_234 = arith.constant 80 : index
      %swap3A_235 = tpu.vector_load %arg16[%swap3A_233, %swap3A_234] {strides = array<i32>} : memref<80x144xf32, #tpu.memory_space<vmem>>, vector<16xf32>,
      tpu.vector_store %arg16[%swap3A_233, %swap3A_234], %broadcast_in_dim3A_1 {strides = array<i32>} : memref<80x144xf32, #tpu.memory_space<vmem>>, vector<16xf32>,
      %swap3A_236 = arith.index_cast %add3A_218 : i32 to index
      %swap3A_237 = arith.constant 96 : index
      %swap3A_238 = tpu.vector_load %arg16[%swap3A_236, %swap3A_237] {strides = array<i32>} : memref<80x144xf32, #tpu.memory_space<vmem>>, vector<16xf32>,
      tpu.vector_store %arg16[%swap3A_236, %swap3A_237], %broadcast_in_dim3A_1 {strides = array<i32>} : memref<80x144xf32, #tpu.memory_space<vmem>>, vector<16xf32>,
      %swap3A_239 = arith.index_cast %add3A_218 : i32 to index
      %swap3A_240 = arith.constant 112 : index
      %swap3A_241 = tpu.vector_load %arg16[%swap3A_239, %swap3A_240] {strides = array<i32>} : memref<80x144xf32, #tpu.memory_space<vmem>>, vector<16xf32>,
      tpu.vector_store %arg16[%swap3A_239, %swap3A_240], %broadcast_in_dim3A_1 {strides = array<i32>} : memref<80x144xf32, #tpu.memory_space<vmem>>, vector<16xf32>,
      %swap3A_242 = arith.index_cast %add3A_218 : i32 to index
      %swap3A_243 = arith.constant 128 : index
      %swap3A_244 = tpu.vector_load %arg16[%swap3A_242, %swap3A_243] {strides = array<i32>} : memref<80x144xf32, #tpu.memory_space<vmem>>, vector<16xf32>,
      tpu.vector_store %arg16[%swap3A_242, %swap3A_243], %broadcast_in_dim3A_1 {strides = array<i32>} : memref<80x144xf32, #tpu.memory_space<vmem>>, vector<16xf32>,
    }
    %scan3A_5 = arith.constant 80 : i32
    %mul3A_6 = arith.constant 625 : i32
    %mul3A_7 = arith.muli %arg1, %mul3A_6 : i32
    %add3A_8 = arith.constant 0 : i32
    %add3A_9 = arith.addi %mul3A_7, %add3A_8 : i32
    %dma_start3A = arith.constant 0 : i32
    %dma_start3A_10 = tpu.memref_slice %arg19[%add3A_9, %dma_start3A] : memref<10000x144xf32, #tpu.memory_space<vmem_shared>> -> memref<80x144xf32, #tpu.memory_space<vmem_shared>>
    %dma_start3A_11 = arith.constant 0 : i32
    %dma_start3A_12 = tpu.memref_slice %arg19[%add3A_9, %dma_start3A_11] : memref<10000x144xf32, #tpu.memory_space<vmem_shared>> -> memref<80x144xf32, #tpu.memory_space<vmem_shared>>
    tpu.enqueue_dma source(%arg16 : memref<80x144xf32, #tpu.memory_space<vmem>>) target(%dma_start3A_12 : memref<80x144xf32, #tpu.memory_space<vmem_shared>>) target_semaphore(%arg26 : memref<!tpu.dma_semaphore, #tpu.memory_space<semaphore_mem>>)
    %add3A_13 = arith.constant 80 : i32
    %add3A_14 = arith.addi %mul3A_7, %add3A_13 : i32
    %dma_start3A_15 = arith.constant 0 : i32
    %dma_start3A_16 = tpu.memref_slice %arg19[%add3A_14, %dma_start3A_15] : memref<10000x144xf32, #tpu.memory_space<vmem_shared>> -> memref<80x144xf32, #tpu.memory_space<vmem_shared>>
    %dma_start3A_17 = arith.constant 0 : i32
    %dma_start3A_18 = tpu.memref_slice %arg19[%add3A_14, %dma_start3A_17] : memref<10000x144xf32, #tpu.memory_space<vmem_shared>> -> memref<80x144xf32, #tpu.memory_space<vmem_shared>>
    tpu.enqueue_dma source(%arg16 : memref<80x144xf32, #tpu.memory_space<vmem>>) target(%dma_start3A_18 : memref<80x144xf32, #tpu.memory_space<vmem_shared>>) target_semaphore(%arg26 : memref<!tpu.dma_semaphore, #tpu.memory_space<semaphore_mem>>)
    %add3A_19 = arith.constant 160 : i32
    %add3A_20 = arith.addi %mul3A_7, %add3A_19 : i32
    %dma_start3A_21 = arith.constant 0 : i32
    %dma_start3A_22 = tpu.memref_slice %arg19[%add3A_20, %dma_start3A_21] : memref<10000x144xf32, #tpu.memory_space<vmem_shared>> -> memref<80x144xf32, #tpu.memory_space<vmem_shared>>
    %dma_start3A_23 = arith.constant 0 : i32
    %dma_start3A_24 = tpu.memref_slice %arg19[%add3A_20, %dma_start3A_23] : memref<10000x144xf32, #tpu.memory_space<vmem_shared>> -> memref<80x144xf32, #tpu.memory_space<vmem_shared>>
    tpu.enqueue_dma source(%arg16 : memref<80x144xf32, #tpu.memory_space<vmem>>) target(%dma_start3A_24 : memref<80x144xf32, #tpu.memory_space<vmem_shared>>) target_semaphore(%arg26 : memref<!tpu.dma_semaphore, #tpu.memory_space<semaphore_mem>>)
    %add3A_25 = arith.constant 240 : i32
    %add3A_26 = arith.addi %mul3A_7, %add3A_25 : i32
    %dma_start3A_27 = arith.constant 0 : i32
    %dma_start3A_28 = tpu.memref_slice %arg19[%add3A_26, %dma_start3A_27] : memref<10000x144xf32, #tpu.memory_space<vmem_shared>> -> memref<80x144xf32, #tpu.memory_space<vmem_shared>>
    %dma_start3A_29 = arith.constant 0 : i32
    %dma_start3A_30 = tpu.memref_slice %arg19[%add3A_26, %dma_start3A_29] : memref<10000x144xf32, #tpu.memory_space<vmem_shared>> -> memref<80x144xf32, #tpu.memory_space<vmem_shared>>
    tpu.enqueue_dma source(%arg16 : memref<80x144xf32, #tpu.memory_space<vmem>>) target(%dma_start3A_30 : memref<80x144xf32, #tpu.memory_space<vmem_shared>>) target_semaphore(%arg26 : memref<!tpu.dma_semaphore, #tpu.memory_space<semaphore_mem>>)
    %add3A_31 = arith.constant 320 : i32
    %add3A_32 = arith.addi %mul3A_7, %add3A_31 : i32
    %dma_start3A_33 = arith.constant 0 : i32
    %dma_start3A_34 = tpu.memref_slice %arg19[%add3A_32, %dma_start3A_33] : memref<10000x144xf32, #tpu.memory_space<vmem_shared>> -> memref<80x144xf32, #tpu.memory_space<vmem_shared>>
    %dma_start3A_35 = arith.constant 0 : i32
    %dma_start3A_36 = tpu.memref_slice %arg19[%add3A_32, %dma_start3A_35] : memref<10000x144xf32, #tpu.memory_space<vmem_shared>> -> memref<80x144xf32, #tpu.memory_space<vmem_shared>>
    tpu.enqueue_dma source(%arg16 : memref<80x144xf32, #tpu.memory_space<vmem>>) target(%dma_start3A_36 : memref<80x144xf32, #tpu.memory_space<vmem_shared>>) target_semaphore(%arg26 : memref<!tpu.dma_semaphore, #tpu.memory_space<semaphore_mem>>)
    %add3A_37 = arith.constant 400 : i32
    %add3A_38 = arith.addi %mul3A_7, %add3A_37 : i32
    %dma_start3A_39 = arith.constant 0 : i32
    %dma_start3A_40 = tpu.memref_slice %arg19[%add3A_38, %dma_start3A_39] : memref<10000x144xf32, #tpu.memory_space<vmem_shared>> -> memref<80x144xf32, #tpu.memory_space<vmem_shared>>
    %dma_start3A_41 = arith.constant 0 : i32
    %dma_start3A_42 = tpu.memref_slice %arg19[%add3A_38, %dma_start3A_41] : memref<10000x144xf32, #tpu.memory_space<vmem_shared>> -> memref<80x144xf32, #tpu.memory_space<vmem_shared>>
    tpu.enqueue_dma source(%arg16 : memref<80x144xf32, #tpu.memory_space<vmem>>) target(%dma_start3A_42 : memref<80x144xf32, #tpu.memory_space<vmem_shared>>) target_semaphore(%arg26 : memref<!tpu.dma_semaphore, #tpu.memory_space<semaphore_mem>>)
    %add3A_43 = arith.constant 480 : i32
    %add3A_44 = arith.addi %mul3A_7, %add3A_43 : i32
    %dma_start3A_45 = arith.constant 0 : i32
    %dma_start3A_46 = tpu.memref_slice %arg19[%add3A_44, %dma_start3A_45] : memref<10000x144xf32, #tpu.memory_space<vmem_shared>> -> memref<80x144xf32, #tpu.memory_space<vmem_shared>>
    %dma_start3A_47 = arith.constant 0 : i32
    %dma_start3A_48 = tpu.memref_slice %arg19[%add3A_44, %dma_start3A_47] : memref<10000x144xf32, #tpu.memory_space<vmem_shared>> -> memref<80x144xf32, #tpu.memory_space<vmem_shared>>
    tpu.enqueue_dma source(%arg16 : memref<80x144xf32, #tpu.memory_space<vmem>>) target(%dma_start3A_48 : memref<80x144xf32, #tpu.memory_space<vmem_shared>>) target_semaphore(%arg26 : memref<!tpu.dma_semaphore, #tpu.memory_space<semaphore_mem>>)
    %add3A_49 = arith.constant 560 : i32
    %add3A_50 = arith.addi %mul3A_7, %add3A_49 : i32
    %dma_start3A_51 = arith.constant 0 : i32
    %dma_start3A_52 = arith.constant 0 : i32
    %dma_start3A_53 = tpu.memref_slice %arg16[%dma_start3A_51, %dma_start3A_52] : memref<80x144xf32, #tpu.memory_space<vmem>> -> memref<65x144xf32, #tpu.memory_space<vmem>>
    %dma_start3A_54 = arith.constant 0 : i32
    %dma_start3A_55 = tpu.memref_slice %arg19[%add3A_50, %dma_start3A_54] : memref<10000x144xf32, #tpu.memory_space<vmem_shared>> -> memref<65x144xf32, #tpu.memory_space<vmem_shared>>
    %dma_start3A_56 = arith.constant 0 : i32
    %dma_start3A_57 = tpu.memref_slice %arg19[%add3A_50, %dma_start3A_56] : memref<10000x144xf32, #tpu.memory_space<vmem_shared>> -> memref<65x144xf32, #tpu.memory_space<vmem_shared>>
    %dma_start3A_58 = arith.constant 0 : i32
    %dma_start3A_59 = arith.constant 0 : i32
    %dma_start3A_60 = tpu.memref_slice %arg16[%dma_start3A_58, %dma_start3A_59] : memref<80x144xf32, #tpu.memory_space<vmem>> -> memref<65x144xf32, #tpu.memory_space<vmem>>
    tpu.enqueue_dma source(%dma_start3A_60 : memref<65x144xf32, #tpu.memory_space<vmem>>) target(%dma_start3A_57 : memref<65x144xf32, #tpu.memory_space<vmem_shared>>) target_semaphore(%arg26 : memref<!tpu.dma_semaphore, #tpu.memory_space<semaphore_mem>>)
    %add3A_61 = arith.constant 0 : i32
    %add3A_62 = arith.addi %mul3A_7, %add3A_61 : i32
    %dma_wait3A = arith.constant 0 : i32
    %dma_wait3A_63 = tpu.memref_slice %arg19[%add3A_62, %dma_wait3A] : memref<10000x144xf32, #tpu.memory_space<vmem_shared>> -> memref<80x144xf32, #tpu.memory_space<vmem_shared>>
    %dma_wait3A_64 = arith.constant 0 : i32
    %dma_wait3A_65 = tpu.memref_slice %arg19[%add3A_62, %dma_wait3A_64] : memref<10000x144xf32, #tpu.memory_space<vmem_shared>> -> memref<80x144xf32, #tpu.memory_space<vmem_shared>>
    tpu.wait_dma2 semaphore(%arg26 : memref<!tpu.dma_semaphore, #tpu.memory_space<semaphore_mem>>) src(%arg16 : memref<80x144xf32, #tpu.memory_space<vmem>>) dst(%dma_wait3A_65 : memref<80x144xf32, #tpu.memory_space<vmem_shared>>)
    %add3A_66 = arith.constant 80 : i32
    %add3A_67 = arith.addi %mul3A_7, %add3A_66 : i32
    %dma_wait3A_68 = arith.constant 0 : i32
    %dma_wait3A_69 = tpu.memref_slice %arg19[%add3A_67, %dma_wait3A_68] : memref<10000x144xf32, #tpu.memory_space<vmem_shared>> -> memref<80x144xf32, #tpu.memory_space<vmem_shared>>
    %dma_wait3A_70 = arith.constant 0 : i32
    %dma_wait3A_71 = tpu.memref_slice %arg19[%add3A_67, %dma_wait3A_70] : memref<10000x144xf32, #tpu.memory_space<vmem_shared>> -> memref<80x144xf32, #tpu.memory_space<vmem_shared>>
    tpu.wait_dma2 semaphore(%arg26 : memref<!tpu.dma_semaphore, #tpu.memory_space<semaphore_mem>>) src(%arg16 : memref<80x144xf32, #tpu.memory_space<vmem>>) dst(%dma_wait3A_71 : memref<80x144xf32, #tpu.memory_space<vmem_shared>>)
    %add3A_72 = arith.constant 160 : i32
    %add3A_73 = arith.addi %mul3A_7, %add3A_72 : i32
    %dma_wait3A_74 = arith.constant 0 : i32
    %dma_wait3A_75 = tpu.memref_slice %arg19[%add3A_73, %dma_wait3A_74] : memref<10000x144xf32, #tpu.memory_space<vmem_shared>> -> memref<80x144xf32, #tpu.memory_space<vmem_shared>>
    %dma_wait3A_76 = arith.constant 0 : i32
    %dma_wait3A_77 = tpu.memref_slice %arg19[%add3A_73, %dma_wait3A_76] : memref<10000x144xf32, #tpu.memory_space<vmem_shared>> -> memref<80x144xf32, #tpu.memory_space<vmem_shared>>
    tpu.wait_dma2 semaphore(%arg26 : memref<!tpu.dma_semaphore, #tpu.memory_space<semaphore_mem>>) src(%arg16 : memref<80x144xf32, #tpu.memory_space<vmem>>) dst(%dma_wait3A_77 : memref<80x144xf32, #tpu.memory_space<vmem_shared>>)
    %add3A_78 = arith.constant 240 : i32
    %add3A_79 = arith.addi %mul3A_7, %add3A_78 : i32
    %dma_wait3A_80 = arith.constant 0 : i32
    %dma_wait3A_81 = tpu.memref_slice %arg19[%add3A_79, %dma_wait3A_80] : memref<10000x144xf32, #tpu.memory_space<vmem_shared>> -> memref<80x144xf32, #tpu.memory_space<vmem_shared>>
    %dma_wait3A_82 = arith.constant 0 : i32
    %dma_wait3A_83 = tpu.memref_slice %arg19[%add3A_79, %dma_wait3A_82] : memref<10000x144xf32, #tpu.memory_space<vmem_shared>> -> memref<80x144xf32, #tpu.memory_space<vmem_shared>>
    tpu.wait_dma2 semaphore(%arg26 : memref<!tpu.dma_semaphore, #tpu.memory_space<semaphore_mem>>) src(%arg16 : memref<80x144xf32, #tpu.memory_space<vmem>>) dst(%dma_wait3A_83 : memref<80x144xf32, #tpu.memory_space<vmem_shared>>)
    %add3A_84 = arith.constant 320 : i32
    %add3A_85 = arith.addi %mul3A_7, %add3A_84 : i32
    %dma_wait3A_86 = arith.constant 0 : i32
    %dma_wait3A_87 = tpu.memref_slice %arg19[%add3A_85, %dma_wait3A_86] : memref<10000x144xf32, #tpu.memory_space<vmem_shared>> -> memref<80x144xf32, #tpu.memory_space<vmem_shared>>
    %dma_wait3A_88 = arith.constant 0 : i32
    %dma_wait3A_89 = tpu.memref_slice %arg19[%add3A_85, %dma_wait3A_88] : memref<10000x144xf32, #tpu.memory_space<vmem_shared>> -> memref<80x144xf32, #tpu.memory_space<vmem_shared>>
    tpu.wait_dma2 semaphore(%arg26 : memref<!tpu.dma_semaphore, #tpu.memory_space<semaphore_mem>>) src(%arg16 : memref<80x144xf32, #tpu.memory_space<vmem>>) dst(%dma_wait3A_89 : memref<80x144xf32, #tpu.memory_space<vmem_shared>>)
    %add3A_90 = arith.constant 400 : i32
    %add3A_91 = arith.addi %mul3A_7, %add3A_90 : i32
    %dma_wait3A_92 = arith.constant 0 : i32
    %dma_wait3A_93 = tpu.memref_slice %arg19[%add3A_91, %dma_wait3A_92] : memref<10000x144xf32, #tpu.memory_space<vmem_shared>> -> memref<80x144xf32, #tpu.memory_space<vmem_shared>>
    %dma_wait3A_94 = arith.constant 0 : i32
    %dma_wait3A_95 = tpu.memref_slice %arg19[%add3A_91, %dma_wait3A_94] : memref<10000x144xf32, #tpu.memory_space<vmem_shared>> -> memref<80x144xf32, #tpu.memory_space<vmem_shared>>
    tpu.wait_dma2 semaphore(%arg26 : memref<!tpu.dma_semaphore, #tpu.memory_space<semaphore_mem>>) src(%arg16 : memref<80x144xf32, #tpu.memory_space<vmem>>) dst(%dma_wait3A_95 : memref<80x144xf32, #tpu.memory_space<vmem_shared>>)
    %add3A_96 = arith.constant 480 : i32
    %add3A_97 = arith.addi %mul3A_7, %add3A_96 : i32
    %dma_wait3A_98 = arith.constant 0 : i32
    %dma_wait3A_99 = tpu.memref_slice %arg19[%add3A_97, %dma_wait3A_98] : memref<10000x144xf32, #tpu.memory_space<vmem_shared>> -> memref<80x144xf32, #tpu.memory_space<vmem_shared>>
    %dma_wait3A_100 = arith.constant 0 : i32
    %dma_wait3A_101 = tpu.memref_slice %arg19[%add3A_97, %dma_wait3A_100] : memref<10000x144xf32, #tpu.memory_space<vmem_shared>> -> memref<80x144xf32, #tpu.memory_space<vmem_shared>>
    tpu.wait_dma2 semaphore(%arg26 : memref<!tpu.dma_semaphore, #tpu.memory_space<semaphore_mem>>) src(%arg16 : memref<80x144xf32, #tpu.memory_space<vmem>>) dst(%dma_wait3A_101 : memref<80x144xf32, #tpu.memory_space<vmem_shared>>)
    %add3A_102 = arith.constant 560 : i32
    %add3A_103 = arith.addi %mul3A_7, %add3A_102 : i32
    %dma_wait3A_104 = arith.constant 0 : i32
    %dma_wait3A_105 = arith.constant 0 : i32
    %dma_wait3A_106 = tpu.memref_slice %arg16[%dma_wait3A_104, %dma_wait3A_105] : memref<80x144xf32, #tpu.memory_space<vmem>> -> memref<65x144xf32, #tpu.memory_space<vmem>>
    %dma_wait3A_107 = arith.constant 0 : i32
    %dma_wait3A_108 = tpu.memref_slice %arg19[%add3A_103, %dma_wait3A_107] : memref<10000x144xf32, #tpu.memory_space<vmem_shared>> -> memref<65x144xf32, #tpu.memory_space<vmem_shared>>
    %dma_wait3A_109 = arith.constant 0 : i32
    %dma_wait3A_110 = tpu.memref_slice %arg19[%add3A_103, %dma_wait3A_109] : memref<10000x144xf32, #tpu.memory_space<vmem_shared>> -> memref<65x144xf32, #tpu.memory_space<vmem_shared>>
    %dma_wait3A_111 = arith.constant 0 : i32
    %dma_wait3A_112 = arith.constant 0 : i32
    %dma_wait3A_113 = tpu.memref_slice %arg16[%dma_wait3A_111, %dma_wait3A_112] : memref<80x144xf32, #tpu.memory_space<vmem>> -> memref<65x144xf32, #tpu.memory_space<vmem>>
    tpu.wait_dma2 semaphore(%arg26 : memref<!tpu.dma_semaphore, #tpu.memory_space<semaphore_mem>>) src(%dma_wait3A_113 : memref<65x144xf32, #tpu.memory_space<vmem>>) dst(%dma_wait3A_110 : memref<65x144xf32, #tpu.memory_space<vmem_shared>>)
    "tpu.region"() ({
      %run_scoped3A = tpu.sem_alloc : memref<!tpu.dma_semaphore, #tpu.memory_space<semaphore_mem>>
      tpu.enqueue_dma source(%arg6 : memref<4x16xf32, #tpu.memory_space<hbm>>) target(%arg18 : memref<4x16xf32, #tpu.memory_space<vmem>>) target_semaphore(%run_scoped3A : memref<!tpu.dma_semaphore, #tpu.memory_space<semaphore_mem>>)
      tpu.wait_dma2 semaphore(%run_scoped3A : memref<!tpu.dma_semaphore, #tpu.memory_space<semaphore_mem>>) src(%arg6 : memref<4x16xf32, #tpu.memory_space<hbm>>) dst(%arg18 : memref<4x16xf32, #tpu.memory_space<vmem>>)
      tpu.yield
    }) : () -> ()
    %barrier3A = arith.constant 0 : index
    tpu.barrier barrier_id(%barrier3A)
    %mul3A_114 = arith.constant 125 : i32
    %mul3A_115 = arith.muli %add3A, %mul3A_114 : i32
    %iota3A = tpu.iota {dimensions = array<i32: 0>} : vector<16xi32>
    %scan3A_116 = arith.constant 0 : i32
    %scan3A_117 = arith.constant 7 : i32
    %scan3A_118 = arith.addi %scan3A_116, %scan3A_117 : i32
    %scan3A_119 = arith.constant 1 : i32
    scf.for %scan3A_214 = %scan3A_116 to %scan3A_118 step %scan3A_119  : i32 {
      %mul3A_215 = arith.constant 1 : i32
      %mul3A_216 = arith.muli %scan3A_214, %mul3A_215 : i32
      %add3A_217 = arith.constant 0 : i32
      %add3A_218 = arith.addi %add3A_217, %mul3A_216 : i32
      %lt3A = arith.constant 6 : i32
      %lt3A_219 = arith.cmpi slt, %add3A_218, %lt3A : i32
      %jit3A = arith.constant 20 : i32
      %jit3A_220 = arith.constant 5 : i32
      %select_n3A = arith.select %lt3A_219, %jit3A, %jit3A_220 : i32
      %mul3A_221 = arith.constant 20 : i32
      %mul3A_222 = arith.muli %add3A_218, %mul3A_221 : i32
      %add3A_223 = arith.addi %mul3A_115, %mul3A_222 : i32
      "tpu.region"() ({
        %run_scoped3A = tpu.sem_alloc : memref<!tpu.dma_semaphore, #tpu.memory_space<semaphore_mem>>
        %dma_start3A_304 = arith.constant 0 : i32
        %dma_start3A_305 = tpu.memref_slice %arg4[%add3A_223, %dma_start3A_304] : memref<4015x80xi32, #tpu.memory_space<hbm>> -> memref<20x80xi32, #tpu.memory_space<hbm>>
        %dma_start3A_306 = arith.constant 0 : i32
        %dma_start3A_307 = tpu.memref_slice %arg4[%add3A_223, %dma_start3A_306] : memref<4015x80xi32, #tpu.memory_space<hbm>> -> memref<20x80xi32, #tpu.memory_space<hbm>>
        tpu.enqueue_dma source(%dma_start3A_307 : memref<20x80xi32, #tpu.memory_space<hbm>>) target(%arg8 : memref<20x80xi32, #tpu.memory_space<vmem>>) target_semaphore(%run_scoped3A : memref<!tpu.dma_semaphore, #tpu.memory_space<semaphore_mem>>)
        %dma_wait3A_308 = arith.constant 0 : i32
        %dma_wait3A_309 = tpu.memref_slice %arg4[%add3A_223, %dma_wait3A_308] : memref<4015x80xi32, #tpu.memory_space<hbm>> -> memref<20x80xi32, #tpu.memory_space<hbm>>
        %dma_wait3A_310 = arith.constant 0 : i32
        %dma_wait3A_311 = tpu.memref_slice %arg4[%add3A_223, %dma_wait3A_310] : memref<4015x80xi32, #tpu.memory_space<hbm>> -> memref<20x80xi32, #tpu.memory_space<hbm>>
        tpu.wait_dma2 semaphore(%run_scoped3A : memref<!tpu.dma_semaphore, #tpu.memory_space<semaphore_mem>>) src(%dma_wait3A_311 : memref<20x80xi32, #tpu.memory_space<hbm>>) dst(%arg8 : memref<20x80xi32, #tpu.memory_space<vmem>>)
        tpu.yield
      }) : () -> ()
      "tpu.region"() ({
        %run_scoped3A = tpu.sem_alloc : memref<!tpu.dma_semaphore, #tpu.memory_space<semaphore_mem>>
        %dma_start3A_304 = arith.constant 0 : i32
        %dma_start3A_305 = tpu.memref_slice %arg5[%add3A_223, %dma_start3A_304] : memref<4015x80xi32, #tpu.memory_space<hbm>> -> memref<20x80xi32, #tpu.memory_space<hbm>>
        %dma_start3A_306 = arith.constant 0 : i32
        %dma_start3A_307 = tpu.memref_slice %arg5[%add3A_223, %dma_start3A_306] : memref<4015x80xi32, #tpu.memory_space<hbm>> -> memref<20x80xi32, #tpu.memory_space<hbm>>
        tpu.enqueue_dma source(%dma_start3A_307 : memref<20x80xi32, #tpu.memory_space<hbm>>) target(%arg9 : memref<20x80xi32, #tpu.memory_space<vmem>>) target_semaphore(%run_scoped3A : memref<!tpu.dma_semaphore, #tpu.memory_space<semaphore_mem>>)
        %dma_wait3A_308 = arith.constant 0 : i32
        %dma_wait3A_309 = tpu.memref_slice %arg5[%add3A_223, %dma_wait3A_308] : memref<4015x80xi32, #tpu.memory_space<hbm>> -> memref<20x80xi32, #tpu.memory_space<hbm>>
        %dma_wait3A_310 = arith.constant 0 : i32
        %dma_wait3A_311 = tpu.memref_slice %arg5[%add3A_223, %dma_wait3A_310] : memref<4015x80xi32, #tpu.memory_space<hbm>> -> memref<20x80xi32, #tpu.memory_space<hbm>>
        tpu.wait_dma2 semaphore(%run_scoped3A : memref<!tpu.dma_semaphore, #tpu.memory_space<semaphore_mem>>) src(%dma_wait3A_311 : memref<20x80xi32, #tpu.memory_space<hbm>>) dst(%arg9 : memref<20x80xi32, #tpu.memory_space<vmem>>)
        tpu.yield
      }) : () -> ()
      %dma_start3A_224 = arith.constant 0 : i32
      %dma_start3A_225 = arith.constant 0 : i32
      %dma_start3A_226 = tpu.memref_slice %arg8[%dma_start3A_224, %dma_start3A_225] : memref<20x80xi32, #tpu.memory_space<vmem>> -> memref<1x80xi32, #tpu.memory_space<vmem>>
      %dma_start3A_227 = tpu.memref_squeeze %dma_start3A_226 : memref<1x80xi32, #tpu.memory_space<vmem>> -> memref<80xi32, #tpu.memory_space<vmem>>
      %dma_start3A_228 = arith.constant 0 : i32
      %dma_start3A_229 = arith.constant 0 : i32
      %dma_start3A_230 = tpu.memref_slice %arg3[%dma_start3A_228, %dma_start3A_229] : memref<10000x16xf32, #tpu.memory_space<hbm>> -> memref<10000x16xf32, #tpu.memory_space<hbm>>
      tpu.enqueue_indirect_dma source(%dma_start3A_230 : memref<10000x16xf32, #tpu.memory_space<hbm>>) target(%arg10 : memref<80x16xf32, #tpu.memory_space<vmem>>) offsets(%dma_start3A_227 : memref<80xi32, #tpu.memory_space<vmem>>) semaphore(%arg20 : memref<!tpu.dma_semaphore, #tpu.memory_space<semaphore_mem>>)
      %dma_start3A_231 = arith.constant 0 : i32
      %dma_start3A_232 = arith.constant 0 : i32
      %dma_start3A_233 = tpu.memref_slice %arg9[%dma_start3A_231, %dma_start3A_232] : memref<20x80xi32, #tpu.memory_space<vmem>> -> memref<1x80xi32, #tpu.memory_space<vmem>>
      %dma_start3A_234 = tpu.memref_squeeze %dma_start3A_233 : memref<1x80xi32, #tpu.memory_space<vmem>> -> memref<80xi32, #tpu.memory_space<vmem>>
      %dma_start3A_235 = arith.constant 0 : i32
      %dma_start3A_236 = arith.constant 0 : i32
      %dma_start3A_237 = tpu.memref_slice %arg3[%dma_start3A_235, %dma_start3A_236] : memref<10000x16xf32, #tpu.memory_space<hbm>> -> memref<10000x16xf32, #tpu.memory_space<hbm>>
      tpu.enqueue_indirect_dma source(%dma_start3A_237 : memref<10000x16xf32, #tpu.memory_space<hbm>>) target(%arg11 : memref<80x16xf32, #tpu.memory_space<vmem>>) offsets(%dma_start3A_234 : memref<80xi32, #tpu.memory_space<vmem>>) semaphore(%arg21 : memref<!tpu.dma_semaphore, #tpu.memory_space<semaphore_mem>>)
      %dma_start3A_238 = arith.constant 0 : i32
      %dma_start3A_239 = arith.constant 0 : i32
      %dma_start3A_240 = tpu.memref_slice %arg9[%dma_start3A_238, %dma_start3A_239] : memref<20x80xi32, #tpu.memory_space<vmem>> -> memref<1x80xi32, #tpu.memory_space<vmem>>
      %dma_start3A_241 = tpu.memref_squeeze %dma_start3A_240 : memref<1x80xi32, #tpu.memory_space<vmem>> -> memref<80xi32, #tpu.memory_space<vmem>>
      %dma_start3A_242 = arith.constant 0 : i32
      %dma_start3A_243 = arith.constant 0 : i32
      %dma_start3A_244 = tpu.memref_slice %arg2[%dma_start3A_242, %dma_start3A_243] : memref<10000x128xf32, #tpu.memory_space<hbm>> -> memref<10000x128xf32, #tpu.memory_space<hbm>>
      tpu.enqueue_indirect_dma source(%dma_start3A_244 : memref<10000x128xf32, #tpu.memory_space<hbm>>) target(%arg12 : memref<80x128xf32, #tpu.memory_space<vmem>>) offsets(%dma_start3A_241 : memref<80xi32, #tpu.memory_space<vmem>>) semaphore(%arg22 : memref<!tpu.dma_semaphore, #tpu.memory_space<semaphore_mem>>)
      %dma_start3A_245 = arith.constant 1 : i32
      %dma_start3A_246 = arith.constant 0 : i32
      %dma_start3A_247 = tpu.memref_slice %arg8[%dma_start3A_245, %dma_start3A_246] : memref<20x80xi32, #tpu.memory_space<vmem>> -> memref<1x80xi32, #tpu.memory_space<vmem>>
      %dma_start3A_248 = tpu.memref_squeeze %dma_start3A_247 : memref<1x80xi32, #tpu.memory_space<vmem>> -> memref<80xi32, #tpu.memory_space<vmem>>
      %dma_start3A_249 = arith.constant 0 : i32
      %dma_start3A_250 = arith.constant 0 : i32
      %dma_start3A_251 = tpu.memref_slice %arg3[%dma_start3A_249, %dma_start3A_250] : memref<10000x16xf32, #tpu.memory_space<hbm>> -> memref<10000x16xf32, #tpu.memory_space<hbm>>
      tpu.enqueue_indirect_dma source(%dma_start3A_251 : memref<10000x16xf32, #tpu.memory_space<hbm>>) target(%arg13 : memref<80x16xf32, #tpu.memory_space<vmem>>) offsets(%dma_start3A_248 : memref<80xi32, #tpu.memory_space<vmem>>) semaphore(%arg23 : memref<!tpu.dma_semaphore, #tpu.memory_space<semaphore_mem>>)
      %dma_start3A_252 = arith.constant 1 : i32
      %dma_start3A_253 = arith.constant 0 : i32
      %dma_start3A_254 = tpu.memref_slice %arg9[%dma_start3A_252, %dma_start3A_253] : memref<20x80xi32, #tpu.memory_space<vmem>> -> memref<1x80xi32, #tpu.memory_space<vmem>>
      %dma_start3A_255 = tpu.memref_squeeze %dma_start3A_254 : memref<1x80xi32, #tpu.memory_space<vmem>> -> memref<80xi32, #tpu.memory_space<vmem>>
      %dma_start3A_256 = arith.constant 0 : i32
      %dma_start3A_257 = arith.constant 0 : i32
      %dma_start3A_258 = tpu.memref_slice %arg3[%dma_start3A_256, %dma_start3A_257] : memref<10000x16xf32, #tpu.memory_space<hbm>> -> memref<10000x16xf32, #tpu.memory_space<hbm>>
      tpu.enqueue_indirect_dma source(%dma_start3A_258 : memref<10000x16xf32, #tpu.memory_space<hbm>>) target(%arg14 : memref<80x16xf32, #tpu.memory_space<vmem>>) offsets(%dma_start3A_255 : memref<80xi32, #tpu.memory_space<vmem>>) semaphore(%arg24 : memref<!tpu.dma_semaphore, #tpu.memory_space<semaphore_mem>>)
      %dma_start3A_259 = arith.constant 1 : i32
      %dma_start3A_260 = arith.constant 0 : i32
      %dma_start3A_261 = tpu.memref_slice %arg9[%dma_start3A_259, %dma_start3A_260] : memref<20x80xi32, #tpu.memory_space<vmem>> -> memref<1x80xi32, #tpu.memory_space<vmem>>
      %dma_start3A_262 = tpu.memref_squeeze %dma_start3A_261 : memref<1x80xi32, #tpu.memory_space<vmem>> -> memref<80xi32, #tpu.memory_space<vmem>>
      %dma_start3A_263 = arith.constant 0 : i32
      %dma_start3A_264 = arith.constant 0 : i32
      %dma_start3A_265 = tpu.memref_slice %arg2[%dma_start3A_263, %dma_start3A_264] : memref<10000x128xf32, #tpu.memory_space<hbm>> -> memref<10000x128xf32, #tpu.memory_space<hbm>>
      tpu.enqueue_indirect_dma source(%dma_start3A_265 : memref<10000x128xf32, #tpu.memory_space<hbm>>) target(%arg15 : memref<80x128xf32, #tpu.memory_space<vmem>>) offsets(%dma_start3A_262 : memref<80xi32, #tpu.memory_space<vmem>>) semaphore(%arg25 : memref<!tpu.dma_semaphore, #tpu.memory_space<semaphore_mem>>)
      %add3A_266 = arith.constant 1 : i32
      %add3A_267 = arith.addi %select_n3A, %add3A_266 : i32
      %jit3A_268 = arith.constant 2 : i32
      %div3A = arith.divsi %add3A_267, %jit3A_268 : i32
      %sign3A = arith.constant 0 : i32
      %sign3A_269 = arith.cmpi sgt, %add3A_267, %sign3A : i32
      %sign3A_270 = arith.extui %sign3A_269 : i1 to i32
      %sign3A_271 = arith.constant 0 : i32
      %sign3A_272 = arith.cmpi slt, %add3A_267, %sign3A_271 : i32
      %sign3A_273 = arith.extui %sign3A_272 : i1 to i32
      %sign3A_274 = arith.subi %sign3A_270, %sign3A_273 : i32
      %sign3A_275 = arith.constant 0 : i32
      %sign3A_276 = arith.cmpi sgt, %jit3A_268, %sign3A_275 : i32
      %sign3A_277 = arith.extui %sign3A_276 : i1 to i32
      %sign3A_278 = arith.constant 0 : i32
      %sign3A_279 = arith.cmpi slt, %jit3A_268, %sign3A_278 : i32
      %sign3A_280 = arith.extui %sign3A_279 : i1 to i32
      %sign3A_281 = arith.subi %sign3A_277, %sign3A_280 : i32
      %ne3A = arith.cmpi ne, %sign3A_274, %sign3A_281 : i32
      %rem3A = arith.remsi %add3A_267, %jit3A_268 : i32
      %ne3A_282 = arith.constant 0 : i32
      %ne3A_283 = arith.cmpi ne, %rem3A, %ne3A_282 : i32
      %and3A = arith.andi %ne3A, %ne3A_283 : i1
      %sub3A = arith.constant 1 : i32
      %sub3A_284 = arith.subi %div3A, %sub3A : i32
      %select_n3A_285 = arith.select %and3A, %sub3A_284, %div3A : i32
      %sub3A_286 = arith.constant 0 : i32
      %sub3A_287 = arith.subi %select_n3A_285, %sub3A_286 : i32
      %sub3A_288 = arith.constant 1 : i32
      %sub3A_289 = arith.constant 1 : i32
      %sub3A_290 = arith.subi %sub3A_288, %sub3A_289 : i32
      %add3A_291 = arith.addi %sub3A_287, %sub3A_290 : i32
      %div3A_292 = arith.constant 1 : i32
      %div3A_293 = arith.divsi %add3A_291, %div3A_292 : i32
      %while3A = arith.constant 1 : i32
      %while3A_294 = arith.constant 0 : i32
      %while3A_295 = arith.constant 0 : i32
      %while3A_296 = arith.subi %div3A_293, %while3A_295 : i32
      %while3A_297 = arith.addi %while3A_295, %while3A_296 : i32
      %while3A_298 = arith.constant 1 : i32
      %while3A_299 = arith.divsi %while3A_296, %while3A_298 : i32
      %while3A_300 = arith.muli %while3A_299, %while3A_298 : i32
      %while3A_301 = arith.addi %while3A_295, %while3A_300 : i32
      %while3A_302 = arith.constant 1 : i32
      scf.for %while3A_304 = %while3A_295 to %while3A_301 step %while3A_302  : i32 {
        %mul3A_305 = arith.muli %while3A_304, %while3A : i32
        %add3A_306 = arith.addi %while3A_294, %mul3A_305 : i32
        %mul3A_307 = arith.constant 2 : i32
        %mul3A_308 = arith.muli %mul3A_307, %add3A_306 : i32
        %dma_wait3A_309 = arith.constant 0 : i32
        %dma_wait3A_310 = arith.constant 0 : i32
        %dma_wait3A_311 = tpu.memref_slice %arg8[%dma_wait3A_309, %dma_wait3A_310] : memref<20x80xi32, #tpu.memory_space<vmem>> -> memref<1x80xi32, #tpu.memory_space<vmem>>
        %dma_wait3A_312 = tpu.memref_squeeze %dma_wait3A_311 : memref<1x80xi32, #tpu.memory_space<vmem>> -> memref<80xi32, #tpu.memory_space<vmem>>
        %dma_wait3A_313 = arith.constant 0 : i32
        %dma_wait3A_314 = arith.constant 0 : i32
        %dma_wait3A_315 = tpu.memref_slice %arg3[%dma_wait3A_313, %dma_wait3A_314] : memref<10000x16xf32, #tpu.memory_space<hbm>> -> memref<10000x16xf32, #tpu.memory_space<hbm>>
        tpu.wait_indirect_dma semaphore(%arg20 : memref<!tpu.dma_semaphore, #tpu.memory_space<semaphore_mem>>) src(%dma_wait3A_315 : memref<10000x16xf32, #tpu.memory_space<hbm>>) dst(%arg10 : memref<80x16xf32, #tpu.memory_space<vmem>>)
        %dma_wait3A_316 = arith.constant 0 : i32
        %dma_wait3A_317 = arith.constant 0 : i32
        %dma_wait3A_318 = tpu.memref_slice %arg9[%dma_wait3A_316, %dma_wait3A_317] : memref<20x80xi32, #tpu.memory_space<vmem>> -> memref<1x80xi32, #tpu.memory_space<vmem>>
        %dma_wait3A_319 = tpu.memref_squeeze %dma_wait3A_318 : memref<1x80xi32, #tpu.memory_space<vmem>> -> memref<80xi32, #tpu.memory_space<vmem>>
        %dma_wait3A_320 = arith.constant 0 : i32
        %dma_wait3A_321 = arith.constant 0 : i32
        %dma_wait3A_322 = tpu.memref_slice %arg3[%dma_wait3A_320, %dma_wait3A_321] : memref<10000x16xf32, #tpu.memory_space<hbm>> -> memref<10000x16xf32, #tpu.memory_space<hbm>>
        tpu.wait_indirect_dma semaphore(%arg21 : memref<!tpu.dma_semaphore, #tpu.memory_space<semaphore_mem>>) src(%dma_wait3A_322 : memref<10000x16xf32, #tpu.memory_space<hbm>>) dst(%arg11 : memref<80x16xf32, #tpu.memory_space<vmem>>)
        %dma_wait3A_323 = arith.constant 0 : i32
        %dma_wait3A_324 = arith.constant 0 : i32
        %dma_wait3A_325 = tpu.memref_slice %arg9[%dma_wait3A_323, %dma_wait3A_324] : memref<20x80xi32, #tpu.memory_space<vmem>> -> memref<1x80xi32, #tpu.memory_space<vmem>>
        %dma_wait3A_326 = tpu.memref_squeeze %dma_wait3A_325 : memref<1x80xi32, #tpu.memory_space<vmem>> -> memref<80xi32, #tpu.memory_space<vmem>>
        %dma_wait3A_327 = arith.constant 0 : i32
        %dma_wait3A_328 = arith.constant 0 : i32
        %dma_wait3A_329 = tpu.memref_slice %arg2[%dma_wait3A_327, %dma_wait3A_328] : memref<10000x128xf32, #tpu.memory_space<hbm>> -> memref<10000x128xf32, #tpu.memory_space<hbm>>
        tpu.wait_indirect_dma semaphore(%arg22 : memref<!tpu.dma_semaphore, #tpu.memory_space<semaphore_mem>>) src(%dma_wait3A_329 : memref<10000x128xf32, #tpu.memory_space<hbm>>) dst(%arg12 : memref<80x128xf32, #tpu.memory_space<vmem>>)
        %gt3A = arith.constant 0 : i32
        %gt3A_330 = arith.cmpi sgt, %mul3A_308, %gt3A : i32
        %convert_element_type3A = arith.extui %gt3A_330 : i1 to i32
        %cond3A = arith.constant 0 : i32
        %cond3A_331 = arith.cmpi ne, %convert_element_type3A, %cond3A : i32
        scf.if %cond3A_331 {
          %dma_wait3A_360 = arith.constant 0 : i32
          %dma_wait3A_361 = arith.constant 0 : i32
          %dma_wait3A_362 = tpu.memref_slice %arg8[%dma_wait3A_360, %dma_wait3A_361] : memref<20x80xi32, #tpu.memory_space<vmem>> -> memref<1x80xi32, #tpu.memory_space<vmem>>
          %dma_wait3A_363 = tpu.memref_squeeze %dma_wait3A_362 : memref<1x80xi32, #tpu.memory_space<vmem>> -> memref<80xi32, #tpu.memory_space<vmem>>
          %dma_wait3A_364 = arith.constant 0 : i32
          %dma_wait3A_365 = arith.constant 0 : i32
          %dma_wait3A_366 = tpu.memref_slice %arg19[%dma_wait3A_364, %dma_wait3A_365] : memref<10000x144xf32, #tpu.memory_space<vmem_shared>> -> memref<10000x144xf32, #tpu.memory_space<vmem_shared>>
          tpu.wait_indirect_dma semaphore(%arg26 : memref<!tpu.dma_semaphore, #tpu.memory_space<semaphore_mem>>) src(%arg16 : memref<80x144xf32, #tpu.memory_space<vmem>>) dst(%dma_wait3A_366 : memref<10000x144xf32, #tpu.memory_space<vmem_shared>>)
        } else {
        }
        %scan3A_332 = arith.constant 0 : i32
        %scan3A_333 = arith.constant 5 : i32
        %scan3A_334 = arith.addi %scan3A_332, %scan3A_333 : i32
        %scan3A_335 = arith.constant 1 : i32
        scf.for %scan3A_360 = %scan3A_332 to %scan3A_334 step %scan3A_335  : i32 {
          %mul3A_361 = arith.constant 1 : i32
          %mul3A_362 = arith.muli %scan3A_360, %mul3A_361 : i32
          %add3A_363 = arith.constant 0 : i32
          %add3A_364 = arith.addi %add3A_363, %mul3A_362 : i32
          %mul3A_365 = arith.constant 16 : i32
          %mul3A_366 = arith.muli %add3A_364, %mul3A_365 : i32
          %add3A_367 = vector.broadcast %mul3A_366 : i32 to vector<16xi32>
          %add3A_368 = arith.addi %iota3A, %add3A_367 : vector<16xi32>
          %broadcast_in_dim3A_369 = arith.constant 8 : i32
          %broadcast_in_dim3A_370 = vector.broadcast %broadcast_in_dim3A_369 : i32 to vector<16xi32>
          %gather3A = tpu.vector_load_idx %arg10[%add3A_368, %broadcast_in_dim3A_370] : memref<80x16xf32, #tpu.memory_space<vmem>>[vector<16xi32>, vector<16xi32>], vector<16xf32>,
          %broadcast_in_dim3A_371 = arith.constant 12 : i32
          %broadcast_in_dim3A_372 = vector.broadcast %broadcast_in_dim3A_371 : i32 to vector<16xi32>
          %gather3A_373 = tpu.vector_load_idx %arg11[%add3A_368, %broadcast_in_dim3A_372] : memref<80x16xf32, #tpu.memory_space<vmem>>[vector<16xi32>, vector<16xi32>], vector<16xf32>,
          %get3A = arith.constant 0 : i32
          %get3A_374 = arith.index_cast %get3A : i32 to index
          %get3A_375 = arith.constant 0 : index
          %get3A_376 = tpu.vector_load %arg18[%get3A_374, %get3A_375] {strides = array<i32>} : memref<4x16xf32, #tpu.memory_space<vmem>>, vector<16xf32>,
          %add3A_377 = arith.addf %gather3A, %gather3A_373 : vector<16xf32>
          %mul3A_378 = arith.constant 2.000000e-02 : f32
          %mul3A_379 = vector.broadcast %mul3A_378 : f32 to vector<16xf32>
          %mul3A_380 = arith.mulf %add3A_377, %mul3A_379 : vector<16xf32>
          %max3A = arith.maximumf %add3A_377, %mul3A_380 : vector<16xf32>
          %add3A_381 = arith.addf %gather3A, %get3A_376 : vector<16xf32>
          %mul3A_382 = arith.constant 2.000000e-02 : f32
          %mul3A_383 = vector.broadcast %mul3A_382 : f32 to vector<16xf32>
          %mul3A_384 = arith.mulf %add3A_381, %mul3A_383 : vector<16xf32>
          %max3A_385 = arith.maximumf %add3A_381, %mul3A_384 : vector<16xf32>
          %sub3A_386 = arith.subf %max3A, %max3A_385 : vector<16xf32>
          %exp3A = math.exp %sub3A_386 : vector<16xf32>
          %broadcast_in_dim3A_387 = arith.constant 128 : i32
          %broadcast_in_dim3A_388 = vector.broadcast %broadcast_in_dim3A_387 : i32 to vector<16xi32>
          tpu.vector_store_idx %arg16[%add3A_368, %broadcast_in_dim3A_388], %exp3A : memref<80x144xf32, #tpu.memory_space<vmem>>[vector<16xi32>, vector<16xi32>], vector<16xf32>,
          %swap3A = arith.constant 16 : index
          %swap3A_389 = tpu.vector_load %arg17[%swap3A] {strides = array<i32>} : memref<96xf32, #tpu.memory_space<vmem>>, vector<16xf32>,
          tpu.vector_store %arg17[%swap3A], %exp3A {strides = array<i32>} : memref<96xf32, #tpu.memory_space<vmem>>, vector<16xf32>,
          %broadcast_in_dim3A_390 = arith.constant 9 : i32
          %broadcast_in_dim3A_391 = vector.broadcast %broadcast_in_dim3A_390 : i32 to vector<16xi32>
          %gather3A_392 = tpu.vector_load_idx %arg10[%add3A_368, %broadcast_in_dim3A_391] : memref<80x16xf32, #tpu.memory_space<vmem>>[vector<16xi32>, vector<16xi32>], vector<16xf32>,
          %broadcast_in_dim3A_393 = arith.constant 13 : i32
          %broadcast_in_dim3A_394 = vector.broadcast %broadcast_in_dim3A_393 : i32 to vector<16xi32>
          %gather3A_395 = tpu.vector_load_idx %arg11[%add3A_368, %broadcast_in_dim3A_394] : memref<80x16xf32, #tpu.memory_space<vmem>>[vector<16xi32>, vector<16xi32>], vector<16xf32>,
          %get3A_396 = arith.constant 1 : i32
          %get3A_397 = arith.index_cast %get3A_396 : i32 to index
          %get3A_398 = arith.constant 0 : index
          %get3A_399 = tpu.vector_load %arg18[%get3A_397, %get3A_398] {strides = array<i32>} : memref<4x16xf32, #tpu.memory_space<vmem>>, vector<16xf32>,
          %add3A_400 = arith.addf %gather3A_392, %gather3A_395 : vector<16xf32>
          %mul3A_401 = arith.constant 2.000000e-02 : f32
          %mul3A_402 = vector.broadcast %mul3A_401 : f32 to vector<16xf32>
          %mul3A_403 = arith.mulf %add3A_400, %mul3A_402 : vector<16xf32>
          %max3A_404 = arith.maximumf %add3A_400, %mul3A_403 : vector<16xf32>
          %add3A_405 = arith.addf %gather3A_392, %get3A_399 : vector<16xf32>
          %mul3A_406 = arith.constant 2.000000e-02 : f32
          %mul3A_407 = vector.broadcast %mul3A_406 : f32 to vector<16xf32>
          %mul3A_408 = arith.mulf %add3A_405, %mul3A_407 : vector<16xf32>
          %max3A_409 = arith.maximumf %add3A_405, %mul3A_408 : vector<16xf32>
          %sub3A_410 = arith.subf %max3A_404, %max3A_409 : vector<16xf32>
          %exp3A_411 = math.exp %sub3A_410 : vector<16xf32>
          %broadcast_in_dim3A_412 = arith.constant 129 : i32
          %broadcast_in_dim3A_413 = vector.broadcast %broadcast_in_dim3A_412 : i32 to vector<16xi32>
          tpu.vector_store_idx %arg16[%add3A_368, %broadcast_in_dim3A_413], %exp3A_411 : memref<80x144xf32, #tpu.memory_space<vmem>>[vector<16xi32>, vector<16xi32>], vector<16xf32>,
          %swap3A_414 = arith.constant 32 : index
          %swap3A_415 = tpu.vector_load %arg17[%swap3A_414] {strides = array<i32>} : memref<96xf32, #tpu.memory_space<vmem>>, vector<16xf32>,
          tpu.vector_store %arg17[%swap3A_414], %exp3A_411 {strides = array<i32>} : memref<96xf32, #tpu.memory_space<vmem>>, vector<16xf32>,
          %broadcast_in_dim3A_416 = arith.constant 10 : i32
          %broadcast_in_dim3A_417 = vector.broadcast %broadcast_in_dim3A_416 : i32 to vector<16xi32>
          %gather3A_418 = tpu.vector_load_idx %arg10[%add3A_368, %broadcast_in_dim3A_417] : memref<80x16xf32, #tpu.memory_space<vmem>>[vector<16xi32>, vector<16xi32>], vector<16xf32>,
          %broadcast_in_dim3A_419 = arith.constant 14 : i32
          %broadcast_in_dim3A_420 = vector.broadcast %broadcast_in_dim3A_419 : i32 to vector<16xi32>
          %gather3A_421 = tpu.vector_load_idx %arg11[%add3A_368, %broadcast_in_dim3A_420] : memref<80x16xf32, #tpu.memory_space<vmem>>[vector<16xi32>, vector<16xi32>], vector<16xf32>,
          %get3A_422 = arith.constant 2 : i32
          %get3A_423 = arith.index_cast %get3A_422 : i32 to index
          %get3A_424 = arith.constant 0 : index
          %get3A_425 = tpu.vector_load %arg18[%get3A_423, %get3A_424] {strides = array<i32>} : memref<4x16xf32, #tpu.memory_space<vmem>>, vector<16xf32>,
          %add3A_426 = arith.addf %gather3A_418, %gather3A_421 : vector<16xf32>
          %mul3A_427 = arith.constant 2.000000e-02 : f32
          %mul3A_428 = vector.broadcast %mul3A_427 : f32 to vector<16xf32>
          %mul3A_429 = arith.mulf %add3A_426, %mul3A_428 : vector<16xf32>
          %max3A_430 = arith.maximumf %add3A_426, %mul3A_429 : vector<16xf32>
          %add3A_431 = arith.addf %gather3A_418, %get3A_425 : vector<16xf32>
          %mul3A_432 = arith.constant 2.000000e-02 : f32
          %mul3A_433 = vector.broadcast %mul3A_432 : f32 to vector<16xf32>
          %mul3A_434 = arith.mulf %add3A_431, %mul3A_433 : vector<16xf32>
          %max3A_435 = arith.maximumf %add3A_431, %mul3A_434 : vector<16xf32>
          %sub3A_436 = arith.subf %max3A_430, %max3A_435 : vector<16xf32>
          %exp3A_437 = math.exp %sub3A_436 : vector<16xf32>
          %broadcast_in_dim3A_438 = arith.constant 130 : i32
          %broadcast_in_dim3A_439 = vector.broadcast %broadcast_in_dim3A_438 : i32 to vector<16xi32>
          tpu.vector_store_idx %arg16[%add3A_368, %broadcast_in_dim3A_439], %exp3A_437 : memref<80x144xf32, #tpu.memory_space<vmem>>[vector<16xi32>, vector<16xi32>], vector<16xf32>,
          %swap3A_440 = arith.constant 48 : index
          %swap3A_441 = tpu.vector_load %arg17[%swap3A_440] {strides = array<i32>} : memref<96xf32, #tpu.memory_space<vmem>>, vector<16xf32>,
          tpu.vector_store %arg17[%swap3A_440], %exp3A_437 {strides = array<i32>} : memref<96xf32, #tpu.memory_space<vmem>>, vector<16xf32>,
          %broadcast_in_dim3A_442 = arith.constant 11 : i32
          %broadcast_in_dim3A_443 = vector.broadcast %broadcast_in_dim3A_442 : i32 to vector<16xi32>
          %gather3A_444 = tpu.vector_load_idx %arg10[%add3A_368, %broadcast_in_dim3A_443] : memref<80x16xf32, #tpu.memory_space<vmem>>[vector<16xi32>, vector<16xi32>], vector<16xf32>,
          %broadcast_in_dim3A_445 = arith.constant 15 : i32
          %broadcast_in_dim3A_446 = vector.broadcast %broadcast_in_dim3A_445 : i32 to vector<16xi32>
          %gather3A_447 = tpu.vector_load_idx %arg11[%add3A_368, %broadcast_in_dim3A_446] : memref<80x16xf32, #tpu.memory_space<vmem>>[vector<16xi32>, vector<16xi32>], vector<16xf32>,
          %get3A_448 = arith.constant 3 : i32
          %get3A_449 = arith.index_cast %get3A_448 : i32 to index
          %get3A_450 = arith.constant 0 : index
          %get3A_451 = tpu.vector_load %arg18[%get3A_449, %get3A_450] {strides = array<i32>} : memref<4x16xf32, #tpu.memory_space<vmem>>, vector<16xf32>,
          %add3A_452 = arith.addf %gather3A_444, %gather3A_447 : vector<16xf32>
          %mul3A_453 = arith.constant 2.000000e-02 : f32
          %mul3A_454 = vector.broadcast %mul3A_453 : f32 to vector<16xf32>
          %mul3A_455 = arith.mulf %add3A_452, %mul3A_454 : vector<16xf32>
          %max3A_456 = arith.maximumf %add3A_452, %mul3A_455 : vector<16xf32>
          %add3A_457 = arith.addf %gather3A_444, %get3A_451 : vector<16xf32>
          %mul3A_458 = arith.constant 2.000000e-02 : f32
          %mul3A_459 = vector.broadcast %mul3A_458 : f32 to vector<16xf32>
          %mul3A_460 = arith.mulf %add3A_457, %mul3A_459 : vector<16xf32>
          %max3A_461 = arith.maximumf %add3A_457, %mul3A_460 : vector<16xf32>
          %sub3A_462 = arith.subf %max3A_456, %max3A_461 : vector<16xf32>
          %exp3A_463 = math.exp %sub3A_462 : vector<16xf32>
          %broadcast_in_dim3A_464 = arith.constant 131 : i32
          %broadcast_in_dim3A_465 = vector.broadcast %broadcast_in_dim3A_464 : i32 to vector<16xi32>
          tpu.vector_store_idx %arg16[%add3A_368, %broadcast_in_dim3A_465], %exp3A_463 : memref<80x144xf32, #tpu.memory_space<vmem>>[vector<16xi32>, vector<16xi32>], vector<16xf32>,
          %swap3A_466 = arith.constant 64 : index
          %swap3A_467 = tpu.vector_load %arg17[%swap3A_466] {strides = array<i32>} : memref<96xf32, #tpu.memory_space<vmem>>, vector<16xf32>,
          tpu.vector_store %arg17[%swap3A_466], %exp3A_463 {strides = array<i32>} : memref<96xf32, #tpu.memory_space<vmem>>, vector<16xf32>,
          %parallel_loop3A = arith.constant 0 : i32
          %parallel_loop3A_468 = arith.constant 16 : i32
          %parallel_loop3A_469 = arith.constant 1 : i32
          scf.for %parallel_loop3A_470 = %parallel_loop3A to %parallel_loop3A_468 step %parallel_loop3A_469  : i32 {
            %parallel_loop3A_471 = arith.constant 16 : i32
            %parallel_loop3A_472 = arith.muli %add3A_364, %parallel_loop3A_471 : i32
            %parallel_loop3A_473 = arith.addi %parallel_loop3A_472, %parallel_loop3A_470 : i32
            %parallel_loop3A_474 = arith.constant 16 : i32
            %parallel_loop3A_475 = vector.broadcast %parallel_loop3A_474 : i32 to vector<16xi32>
            %parallel_loop3A_476 = vector.broadcast %parallel_loop3A_470 : i32 to vector<16xi32>
            %parallel_loop3A_477 = arith.addi %parallel_loop3A_475, %parallel_loop3A_476 : vector<16xi32>
            %parallel_loop3A_478 = tpu.vector_load_idx %arg17[%parallel_loop3A_477] : memref<96xf32, #tpu.memory_space<vmem>>[vector<16xi32>], vector<16xf32>,
            %parallel_loop3A_479 = arith.index_cast %parallel_loop3A_473 : i32 to index
            %parallel_loop3A_480 = arith.constant 0 : index
            %parallel_loop3A_481 = tpu.vector_load %arg12[%parallel_loop3A_479, %parallel_loop3A_480] {strides = array<i32>} : memref<80x128xf32, #tpu.memory_space<vmem>>, vector<16xf32>,
            %parallel_loop3A_482 = arith.mulf %parallel_loop3A_481, %parallel_loop3A_478 : vector<16xf32>
            %parallel_loop3A_483 = arith.index_cast %parallel_loop3A_473 : i32 to index
            %parallel_loop3A_484 = arith.constant 0 : index
            %parallel_loop3A_485 = tpu.vector_load %arg16[%parallel_loop3A_483, %parallel_loop3A_484] {strides = array<i32>} : memref<80x144xf32, #tpu.memory_space<vmem>>, vector<16xf32>,
            tpu.vector_store %arg16[%parallel_loop3A_483, %parallel_loop3A_484], %parallel_loop3A_482 {strides = array<i32>} : memref<80x144xf32, #tpu.memory_space<vmem>>, vector<16xf32>,
            %parallel_loop3A_486 = arith.index_cast %parallel_loop3A_473 : i32 to index
            %parallel_loop3A_487 = arith.constant 16 : index
            %parallel_loop3A_488 = tpu.vector_load %arg12[%parallel_loop3A_486, %parallel_loop3A_487] {strides = array<i32>} : memref<80x128xf32, #tpu.memory_space<vmem>>, vector<16xf32>,
            %parallel_loop3A_489 = arith.mulf %parallel_loop3A_488, %parallel_loop3A_478 : vector<16xf32>
            %parallel_loop3A_490 = arith.index_cast %parallel_loop3A_473 : i32 to index
            %parallel_loop3A_491 = arith.constant 16 : index
            %parallel_loop3A_492 = tpu.vector_load %arg16[%parallel_loop3A_490, %parallel_loop3A_491] {strides = array<i32>} : memref<80x144xf32, #tpu.memory_space<vmem>>, vector<16xf32>,
            tpu.vector_store %arg16[%parallel_loop3A_490, %parallel_loop3A_491], %parallel_loop3A_489 {strides = array<i32>} : memref<80x144xf32, #tpu.memory_space<vmem>>, vector<16xf32>,
            %parallel_loop3A_493 = arith.constant 32 : i32
            %parallel_loop3A_494 = vector.broadcast %parallel_loop3A_493 : i32 to vector<16xi32>
            %parallel_loop3A_495 = vector.broadcast %parallel_loop3A_470 : i32 to vector<16xi32>
            %parallel_loop3A_496 = arith.addi %parallel_loop3A_494, %parallel_loop3A_495 : vector<16xi32>
            %parallel_loop3A_497 = tpu.vector_load_idx %arg17[%parallel_loop3A_496] : memref<96xf32, #tpu.memory_space<vmem>>[vector<16xi32>], vector<16xf32>,
            %parallel_loop3A_498 = arith.index_cast %parallel_loop3A_473 : i32 to index
            %parallel_loop3A_499 = arith.constant 32 : index
            %parallel_loop3A_500 = tpu.vector_load %arg12[%parallel_loop3A_498, %parallel_loop3A_499] {strides = array<i32>} : memref<80x128xf32, #tpu.memory_space<vmem>>, vector<16xf32>,
            %parallel_loop3A_501 = arith.mulf %parallel_loop3A_500, %parallel_loop3A_497 : vector<16xf32>
            %parallel_loop3A_502 = arith.index_cast %parallel_loop3A_473 : i32 to index
            %parallel_loop3A_503 = arith.constant 32 : index
            %parallel_loop3A_504 = tpu.vector_load %arg16[%parallel_loop3A_502, %parallel_loop3A_503] {strides = array<i32>} : memref<80x144xf32, #tpu.memory_space<vmem>>, vector<16xf32>,
            tpu.vector_store %arg16[%parallel_loop3A_502, %parallel_loop3A_503], %parallel_loop3A_501 {strides = array<i32>} : memref<80x144xf32, #tpu.memory_space<vmem>>, vector<16xf32>,
            %parallel_loop3A_505 = arith.index_cast %parallel_loop3A_473 : i32 to index
            %parallel_loop3A_506 = arith.constant 48 : index
            %parallel_loop3A_507 = tpu.vector_load %arg12[%parallel_loop3A_505, %parallel_loop3A_506] {strides = array<i32>} : memref<80x128xf32, #tpu.memory_space<vmem>>, vector<16xf32>,
            %parallel_loop3A_508 = arith.mulf %parallel_loop3A_507, %parallel_loop3A_497 : vector<16xf32>
            %parallel_loop3A_509 = arith.index_cast %parallel_loop3A_473 : i32 to index
            %parallel_loop3A_510 = arith.constant 48 : index
            %parallel_loop3A_511 = tpu.vector_load %arg16[%parallel_loop3A_509, %parallel_loop3A_510] {strides = array<i32>} : memref<80x144xf32, #tpu.memory_space<vmem>>, vector<16xf32>,
            tpu.vector_store %arg16[%parallel_loop3A_509, %parallel_loop3A_510], %parallel_loop3A_508 {strides = array<i32>} : memref<80x144xf32, #tpu.memory_space<vmem>>, vector<16xf32>,
            %parallel_loop3A_512 = arith.constant 48 : i32
            %parallel_loop3A_513 = vector.broadcast %parallel_loop3A_512 : i32 to vector<16xi32>
            %parallel_loop3A_514 = vector.broadcast %parallel_loop3A_470 : i32 to vector<16xi32>
            %parallel_loop3A_515 = arith.addi %parallel_loop3A_513, %parallel_loop3A_514 : vector<16xi32>
            %parallel_loop3A_516 = tpu.vector_load_idx %arg17[%parallel_loop3A_515] : memref<96xf32, #tpu.memory_space<vmem>>[vector<16xi32>], vector<16xf32>,
            %parallel_loop3A_517 = arith.index_cast %parallel_loop3A_473 : i32 to index
            %parallel_loop3A_518 = arith.constant 64 : index
            %parallel_loop3A_519 = tpu.vector_load %arg12[%parallel_loop3A_517, %parallel_loop3A_518] {strides = array<i32>} : memref<80x128xf32, #tpu.memory_space<vmem>>, vector<16xf32>,
            %parallel_loop3A_520 = arith.mulf %parallel_loop3A_519, %parallel_loop3A_516 : vector<16xf32>
            %parallel_loop3A_521 = arith.index_cast %parallel_loop3A_473 : i32 to index
            %parallel_loop3A_522 = arith.constant 64 : index
            %parallel_loop3A_523 = tpu.vector_load %arg16[%parallel_loop3A_521, %parallel_loop3A_522] {strides = array<i32>} : memref<80x144xf32, #tpu.memory_space<vmem>>, vector<16xf32>,
            tpu.vector_store %arg16[%parallel_loop3A_521, %parallel_loop3A_522], %parallel_loop3A_520 {strides = array<i32>} : memref<80x144xf32, #tpu.memory_space<vmem>>, vector<16xf32>,
            %parallel_loop3A_524 = arith.index_cast %parallel_loop3A_473 : i32 to index
            %parallel_loop3A_525 = arith.constant 80 : index
            %parallel_loop3A_526 = tpu.vector_load %arg12[%parallel_loop3A_524, %parallel_loop3A_525] {strides = array<i32>} : memref<80x128xf32, #tpu.memory_space<vmem>>, vector<16xf32>,
            %parallel_loop3A_527 = arith.mulf %parallel_loop3A_526, %parallel_loop3A_516 : vector<16xf32>
            %parallel_loop3A_528 = arith.index_cast %parallel_loop3A_473 : i32 to index
            %parallel_loop3A_529 = arith.constant 80 : index
            %parallel_loop3A_530 = tpu.vector_load %arg16[%parallel_loop3A_528, %parallel_loop3A_529] {strides = array<i32>} : memref<80x144xf32, #tpu.memory_space<vmem>>, vector<16xf32>,
            tpu.vector_store %arg16[%parallel_loop3A_528, %parallel_loop3A_529], %parallel_loop3A_527 {strides = array<i32>} : memref<80x144xf32, #tpu.memory_space<vmem>>, vector<16xf32>,
            %parallel_loop3A_531 = arith.constant 64 : i32
            %parallel_loop3A_532 = vector.broadcast %parallel_loop3A_531 : i32 to vector<16xi32>
            %parallel_loop3A_533 = vector.broadcast %parallel_loop3A_470 : i32 to vector<16xi32>
            %parallel_loop3A_534 = arith.addi %parallel_loop3A_532, %parallel_loop3A_533 : vector<16xi32>
            %parallel_loop3A_535 = tpu.vector_load_idx %arg17[%parallel_loop3A_534] : memref<96xf32, #tpu.memory_space<vmem>>[vector<16xi32>], vector<16xf32>,
            %parallel_loop3A_536 = arith.index_cast %parallel_loop3A_473 : i32 to index
            %parallel_loop3A_537 = arith.constant 96 : index
            %parallel_loop3A_538 = tpu.vector_load %arg12[%parallel_loop3A_536, %parallel_loop3A_537] {strides = array<i32>} : memref<80x128xf32, #tpu.memory_space<vmem>>, vector<16xf32>,
            %parallel_loop3A_539 = arith.mulf %parallel_loop3A_538, %parallel_loop3A_535 : vector<16xf32>
            %parallel_loop3A_540 = arith.index_cast %parallel_loop3A_473 : i32 to index
            %parallel_loop3A_541 = arith.constant 96 : index
            %parallel_loop3A_542 = tpu.vector_load %arg16[%parallel_loop3A_540, %parallel_loop3A_541] {strides = array<i32>} : memref<80x144xf32, #tpu.memory_space<vmem>>, vector<16xf32>,
            tpu.vector_store %arg16[%parallel_loop3A_540, %parallel_loop3A_541], %parallel_loop3A_539 {strides = array<i32>} : memref<80x144xf32, #tpu.memory_space<vmem>>, vector<16xf32>,
            %parallel_loop3A_543 = arith.index_cast %parallel_loop3A_473 : i32 to index
            %parallel_loop3A_544 = arith.constant 112 : index
            %parallel_loop3A_545 = tpu.vector_load %arg12[%parallel_loop3A_543, %parallel_loop3A_544] {strides = array<i32>} : memref<80x128xf32, #tpu.memory_space<vmem>>, vector<16xf32>,
            %parallel_loop3A_546 = arith.mulf %parallel_loop3A_545, %parallel_loop3A_535 : vector<16xf32>
            %parallel_loop3A_547 = arith.index_cast %parallel_loop3A_473 : i32 to index
            %parallel_loop3A_548 = arith.constant 112 : index
            %parallel_loop3A_549 = tpu.vector_load %arg16[%parallel_loop3A_547, %parallel_loop3A_548] {strides = array<i32>} : memref<80x144xf32, #tpu.memory_space<vmem>>, vector<16xf32>,
            tpu.vector_store %arg16[%parallel_loop3A_547, %parallel_loop3A_548], %parallel_loop3A_546 {strides = array<i32>} : memref<80x144xf32, #tpu.memory_space<vmem>>, vector<16xf32>,
          } {sc.loop_unroll_factor = 4 : i64, sc.parallel_access}
        }
        %scan3A_336 = arith.constant 5 : i32
        %dma_start3A_337 = arith.constant 0 : i32
        %dma_start3A_338 = tpu.memref_slice %arg8[%mul3A_308, %dma_start3A_337] : memref<20x80xi32, #tpu.memory_space<vmem>> -> memref<1x80xi32, #tpu.memory_space<vmem>>
        %dma_start3A_339 = tpu.memref_squeeze %dma_start3A_338 : memref<1x80xi32, #tpu.memory_space<vmem>> -> memref<80xi32, #tpu.memory_space<vmem>>
        %dma_start3A_340 = arith.constant 0 : i32
        %dma_start3A_341 = arith.constant 0 : i32
        %dma_start3A_342 = tpu.memref_slice %arg19[%dma_start3A_340, %dma_start3A_341] : memref<10000x144xf32, #tpu.memory_space<vmem_shared>> -> memref<10000x144xf32, #tpu.memory_space<vmem_shared>>
        tpu.enqueue_indirect_dma source(%arg16 : memref<80x144xf32, #tpu.memory_space<vmem>>) target(%dma_start3A_342 : memref<10000x144xf32, #tpu.memory_space<vmem_shared>>) offsets(%dma_start3A_339 : memref<80xi32, #tpu.memory_space<vmem>>) semaphore(%arg26 : memref<!tpu.dma_semaphore, #tpu.memory_space<semaphore_mem>>) {add = true}
        %sub3A_343 = arith.constant 1 : i32
        %sub3A_344 = arith.subi %select_n3A, %sub3A_343 : i32
        %eq3A = arith.cmpi eq, %mul3A_308, %sub3A_344 : i32
        %convert_element_type3A_345 = arith.extui %eq3A : i1 to i32
        %cond3A_346 = arith.constant 0 : i32
        %cond3A_347 = arith.cmpi ne, %convert_element_type3A_345, %cond3A_346 : i32
        scf.if %cond3A_347 {
          %dma_wait3A_360 = arith.constant 0 : i32
          %dma_wait3A_361 = arith.constant 0 : i32
          %dma_wait3A_362 = tpu.memref_slice %arg8[%dma_wait3A_360, %dma_wait3A_361] : memref<20x80xi32, #tpu.memory_space<vmem>> -> memref<1x80xi32, #tpu.memory_space<vmem>>
          %dma_wait3A_363 = tpu.memref_squeeze %dma_wait3A_362 : memref<1x80xi32, #tpu.memory_space<vmem>> -> memref<80xi32, #tpu.memory_space<vmem>>
          %dma_wait3A_364 = arith.constant 0 : i32
          %dma_wait3A_365 = arith.constant 0 : i32
          %dma_wait3A_366 = tpu.memref_slice %arg19[%dma_wait3A_364, %dma_wait3A_365] : memref<10000x144xf32, #tpu.memory_space<vmem_shared>> -> memref<10000x144xf32, #tpu.memory_space<vmem_shared>>
          tpu.wait_indirect_dma semaphore(%arg26 : memref<!tpu.dma_semaphore, #tpu.memory_space<semaphore_mem>>) src(%arg16 : memref<80x144xf32, #tpu.memory_space<vmem>>) dst(%dma_wait3A_366 : memref<10000x144xf32, #tpu.memory_space<vmem_shared>>)
        } else {
        }
        %add3A_348 = arith.constant 2 : i32
        %add3A_349 = arith.addi %mul3A_308, %add3A_348 : i32
        %lt3A_350 = arith.cmpi slt, %add3A_349, %select_n3A : i32
        %convert_element_type3A_351 = arith.extui %lt3A_350 : i1 to i32
        %cond3A_352 = arith.constant 0 : i32
        %cond3A_353 = arith.cmpi ne, %convert_element_type3A_351, %cond3A_352 : i32
        scf.if %cond3A_353 {
          %add3A_360 = arith.constant 2 : i32
          %add3A_361 = arith.addi %mul3A_308, %add3A_360 : i32
          %dma_start3A_362 = arith.constant 0 : i32
          %dma_start3A_363 = tpu.memref_slice %arg8[%add3A_361, %dma_start3A_362] : memref<20x80xi32, #tpu.memory_space<vmem>> -> memref<1x80xi32, #tpu.memory_space<vmem>>
          %dma_start3A_364 = tpu.memref_squeeze %dma_start3A_363 : memref<1x80xi32, #tpu.memory_space<vmem>> -> memref<80xi32, #tpu.memory_space<vmem>>
          %dma_start3A_365 = arith.constant 0 : i32
          %dma_start3A_366 = arith.constant 0 : i32
          %dma_start3A_367 = tpu.memref_slice %arg3[%dma_start3A_365, %dma_start3A_366] : memref<10000x16xf32, #tpu.memory_space<hbm>> -> memref<10000x16xf32, #tpu.memory_space<hbm>>
          tpu.enqueue_indirect_dma source(%dma_start3A_367 : memref<10000x16xf32, #tpu.memory_space<hbm>>) target(%arg10 : memref<80x16xf32, #tpu.memory_space<vmem>>) offsets(%dma_start3A_364 : memref<80xi32, #tpu.memory_space<vmem>>) semaphore(%arg20 : memref<!tpu.dma_semaphore, #tpu.memory_space<semaphore_mem>>)
          %dma_start3A_368 = arith.constant 0 : i32
          %dma_start3A_369 = tpu.memref_slice %arg9[%add3A_361, %dma_start3A_368] : memref<20x80xi32, #tpu.memory_space<vmem>> -> memref<1x80xi32, #tpu.memory_space<vmem>>
          %dma_start3A_370 = tpu.memref_squeeze %dma_start3A_369 : memref<1x80xi32, #tpu.memory_space<vmem>> -> memref<80xi32, #tpu.memory_space<vmem>>
          %dma_start3A_371 = arith.constant 0 : i32
          %dma_start3A_372 = arith.constant 0 : i32
          %dma_start3A_373 = tpu.memref_slice %arg3[%dma_start3A_371, %dma_start3A_372] : memref<10000x16xf32, #tpu.memory_space<hbm>> -> memref<10000x16xf32, #tpu.memory_space<hbm>>
          tpu.enqueue_indirect_dma source(%dma_start3A_373 : memref<10000x16xf32, #tpu.memory_space<hbm>>) target(%arg11 : memref<80x16xf32, #tpu.memory_space<vmem>>) offsets(%dma_start3A_370 : memref<80xi32, #tpu.memory_space<vmem>>) semaphore(%arg21 : memref<!tpu.dma_semaphore, #tpu.memory_space<semaphore_mem>>)
          %dma_start3A_374 = arith.constant 0 : i32
          %dma_start3A_375 = tpu.memref_slice %arg9[%add3A_361, %dma_start3A_374] : memref<20x80xi32, #tpu.memory_space<vmem>> -> memref<1x80xi32, #tpu.memory_space<vmem>>
          %dma_start3A_376 = tpu.memref_squeeze %dma_start3A_375 : memref<1x80xi32, #tpu.memory_space<vmem>> -> memref<80xi32, #tpu.memory_space<vmem>>
          %dma_start3A_377 = arith.constant 0 : i32
          %dma_start3A_378 = arith.constant 0 : i32
          %dma_start3A_379 = tpu.memref_slice %arg2[%dma_start3A_377, %dma_start3A_378] : memref<10000x128xf32, #tpu.memory_space<hbm>> -> memref<10000x128xf32, #tpu.memory_space<hbm>>
          tpu.enqueue_indirect_dma source(%dma_start3A_379 : memref<10000x128xf32, #tpu.memory_space<hbm>>) target(%arg12 : memref<80x128xf32, #tpu.memory_space<vmem>>) offsets(%dma_start3A_376 : memref<80xi32, #tpu.memory_space<vmem>>) semaphore(%arg22 : memref<!tpu.dma_semaphore, #tpu.memory_space<semaphore_mem>>)
        } else {
        }
        %add3A_354 = arith.constant 1 : i32
        %add3A_355 = arith.addi %mul3A_308, %add3A_354 : i32
        %lt3A_356 = arith.cmpi slt, %add3A_355, %select_n3A : i32
        %convert_element_type3A_357 = arith.extui %lt3A_356 : i1 to i32
        %cond3A_358 = arith.constant 0 : i32
        %cond3A_359 = arith.cmpi ne, %convert_element_type3A_357, %cond3A_358 : i32
        scf.if %cond3A_359 {
          %dma_wait3A_360 = arith.constant 0 : i32
          %dma_wait3A_361 = arith.constant 0 : i32
          %dma_wait3A_362 = tpu.memref_slice %arg8[%dma_wait3A_360, %dma_wait3A_361] : memref<20x80xi32, #tpu.memory_space<vmem>> -> memref<1x80xi32, #tpu.memory_space<vmem>>
          %dma_wait3A_363 = tpu.memref_squeeze %dma_wait3A_362 : memref<1x80xi32, #tpu.memory_space<vmem>> -> memref<80xi32, #tpu.memory_space<vmem>>
          %dma_wait3A_364 = arith.constant 0 : i32
          %dma_wait3A_365 = arith.constant 0 : i32
          %dma_wait3A_366 = tpu.memref_slice %arg3[%dma_wait3A_364, %dma_wait3A_365] : memref<10000x16xf32, #tpu.memory_space<hbm>> -> memref<10000x16xf32, #tpu.memory_space<hbm>>
          tpu.wait_indirect_dma semaphore(%arg23 : memref<!tpu.dma_semaphore, #tpu.memory_space<semaphore_mem>>) src(%dma_wait3A_366 : memref<10000x16xf32, #tpu.memory_space<hbm>>) dst(%arg13 : memref<80x16xf32, #tpu.memory_space<vmem>>)
          %dma_wait3A_367 = arith.constant 0 : i32
          %dma_wait3A_368 = arith.constant 0 : i32
          %dma_wait3A_369 = tpu.memref_slice %arg9[%dma_wait3A_367, %dma_wait3A_368] : memref<20x80xi32, #tpu.memory_space<vmem>> -> memref<1x80xi32, #tpu.memory_space<vmem>>
          %dma_wait3A_370 = tpu.memref_squeeze %dma_wait3A_369 : memref<1x80xi32, #tpu.memory_space<vmem>> -> memref<80xi32, #tpu.memory_space<vmem>>
          %dma_wait3A_371 = arith.constant 0 : i32
          %dma_wait3A_372 = arith.constant 0 : i32
          %dma_wait3A_373 = tpu.memref_slice %arg3[%dma_wait3A_371, %dma_wait3A_372] : memref<10000x16xf32, #tpu.memory_space<hbm>> -> memref<10000x16xf32, #tpu.memory_space<hbm>>
          tpu.wait_indirect_dma semaphore(%arg24 : memref<!tpu.dma_semaphore, #tpu.memory_space<semaphore_mem>>) src(%dma_wait3A_373 : memref<10000x16xf32, #tpu.memory_space<hbm>>) dst(%arg14 : memref<80x16xf32, #tpu.memory_space<vmem>>)
          %dma_wait3A_374 = arith.constant 0 : i32
          %dma_wait3A_375 = arith.constant 0 : i32
          %dma_wait3A_376 = tpu.memref_slice %arg9[%dma_wait3A_374, %dma_wait3A_375] : memref<20x80xi32, #tpu.memory_space<vmem>> -> memref<1x80xi32, #tpu.memory_space<vmem>>
          %dma_wait3A_377 = tpu.memref_squeeze %dma_wait3A_376 : memref<1x80xi32, #tpu.memory_space<vmem>> -> memref<80xi32, #tpu.memory_space<vmem>>
          %dma_wait3A_378 = arith.constant 0 : i32
          %dma_wait3A_379 = arith.constant 0 : i32
          %dma_wait3A_380 = tpu.memref_slice %arg2[%dma_wait3A_378, %dma_wait3A_379] : memref<10000x128xf32, #tpu.memory_space<hbm>> -> memref<10000x128xf32, #tpu.memory_space<hbm>>
          tpu.wait_indirect_dma semaphore(%arg25 : memref<!tpu.dma_semaphore, #tpu.memory_space<semaphore_mem>>) src(%dma_wait3A_380 : memref<10000x128xf32, #tpu.memory_space<hbm>>) dst(%arg15 : memref<80x128xf32, #tpu.memory_space<vmem>>)
          %add3A_381 = arith.constant 1 : i32
          %add3A_382 = arith.addi %mul3A_308, %add3A_381 : i32
          %gt3A_383 = arith.constant 0 : i32
          %gt3A_384 = arith.cmpi sgt, %add3A_382, %gt3A_383 : i32
          %convert_element_type3A_385 = arith.extui %gt3A_384 : i1 to i32
          %cond3A_386 = arith.constant 0 : i32
          %cond3A_387 = arith.cmpi ne, %convert_element_type3A_385, %cond3A_386 : i32
          scf.if %cond3A_387 {
            %dma_wait3A_411 = arith.constant 0 : i32
            %dma_wait3A_412 = arith.constant 0 : i32
            %dma_wait3A_413 = tpu.memref_slice %arg8[%dma_wait3A_411, %dma_wait3A_412] : memref<20x80xi32, #tpu.memory_space<vmem>> -> memref<1x80xi32, #tpu.memory_space<vmem>>
            %dma_wait3A_414 = tpu.memref_squeeze %dma_wait3A_413 : memref<1x80xi32, #tpu.memory_space<vmem>> -> memref<80xi32, #tpu.memory_space<vmem>>
            %dma_wait3A_415 = arith.constant 0 : i32
            %dma_wait3A_416 = arith.constant 0 : i32
            %dma_wait3A_417 = tpu.memref_slice %arg19[%dma_wait3A_415, %dma_wait3A_416] : memref<10000x144xf32, #tpu.memory_space<vmem_shared>> -> memref<10000x144xf32, #tpu.memory_space<vmem_shared>>
            tpu.wait_indirect_dma semaphore(%arg26 : memref<!tpu.dma_semaphore, #tpu.memory_space<semaphore_mem>>) src(%arg16 : memref<80x144xf32, #tpu.memory_space<vmem>>) dst(%dma_wait3A_417 : memref<10000x144xf32, #tpu.memory_space<vmem_shared>>)
          } else {
          }
          %scan3A_388 = arith.constant 0 : i32
          %scan3A_389 = arith.constant 5 : i32
          %scan3A_390 = arith.addi %scan3A_388, %scan3A_389 : i32
          %scan3A_391 = arith.constant 1 : i32
          scf.for %scan3A_411 = %scan3A_388 to %scan3A_390 step %scan3A_391  : i32 {
            %mul3A_412 = arith.constant 1 : i32
            %mul3A_413 = arith.muli %scan3A_411, %mul3A_412 : i32
            %add3A_414 = arith.constant 0 : i32
            %add3A_415 = arith.addi %add3A_414, %mul3A_413 : i32
            %mul3A_416 = arith.constant 16 : i32
            %mul3A_417 = arith.muli %add3A_415, %mul3A_416 : i32
            %add3A_418 = vector.broadcast %mul3A_417 : i32 to vector<16xi32>
            %add3A_419 = arith.addi %iota3A, %add3A_418 : vector<16xi32>
            %broadcast_in_dim3A_420 = arith.constant 8 : i32
            %broadcast_in_dim3A_421 = vector.broadcast %broadcast_in_dim3A_420 : i32 to vector<16xi32>
            %gather3A = tpu.vector_load_idx %arg13[%add3A_419, %broadcast_in_dim3A_421] : memref<80x16xf32, #tpu.memory_space<vmem>>[vector<16xi32>, vector<16xi32>], vector<16xf32>,
            %broadcast_in_dim3A_422 = arith.constant 12 : i32
            %broadcast_in_dim3A_423 = vector.broadcast %broadcast_in_dim3A_422 : i32 to vector<16xi32>
            %gather3A_424 = tpu.vector_load_idx %arg14[%add3A_419, %broadcast_in_dim3A_423] : memref<80x16xf32, #tpu.memory_space<vmem>>[vector<16xi32>, vector<16xi32>], vector<16xf32>,
            %get3A = arith.constant 0 : i32
            %get3A_425 = arith.index_cast %get3A : i32 to index
            %get3A_426 = arith.constant 0 : index
            %get3A_427 = tpu.vector_load %arg18[%get3A_425, %get3A_426] {strides = array<i32>} : memref<4x16xf32, #tpu.memory_space<vmem>>, vector<16xf32>,
            %add3A_428 = arith.addf %gather3A, %gather3A_424 : vector<16xf32>
            %mul3A_429 = arith.constant 2.000000e-02 : f32
            %mul3A_430 = vector.broadcast %mul3A_429 : f32 to vector<16xf32>
            %mul3A_431 = arith.mulf %add3A_428, %mul3A_430 : vector<16xf32>
            %max3A = arith.maximumf %add3A_428, %mul3A_431 : vector<16xf32>
            %add3A_432 = arith.addf %gather3A, %get3A_427 : vector<16xf32>
            %mul3A_433 = arith.constant 2.000000e-02 : f32
            %mul3A_434 = vector.broadcast %mul3A_433 : f32 to vector<16xf32>
            %mul3A_435 = arith.mulf %add3A_432, %mul3A_434 : vector<16xf32>
            %max3A_436 = arith.maximumf %add3A_432, %mul3A_435 : vector<16xf32>
            %sub3A_437 = arith.subf %max3A, %max3A_436 : vector<16xf32>
            %exp3A = math.exp %sub3A_437 : vector<16xf32>
            %broadcast_in_dim3A_438 = arith.constant 128 : i32
            %broadcast_in_dim3A_439 = vector.broadcast %broadcast_in_dim3A_438 : i32 to vector<16xi32>
            tpu.vector_store_idx %arg16[%add3A_419, %broadcast_in_dim3A_439], %exp3A : memref<80x144xf32, #tpu.memory_space<vmem>>[vector<16xi32>, vector<16xi32>], vector<16xf32>,
            %swap3A = arith.constant 16 : index
            %swap3A_440 = tpu.vector_load %arg17[%swap3A] {strides = array<i32>} : memref<96xf32, #tpu.memory_space<vmem>>, vector<16xf32>,
            tpu.vector_store %arg17[%swap3A], %exp3A {strides = array<i32>} : memref<96xf32, #tpu.memory_space<vmem>>, vector<16xf32>,
            %broadcast_in_dim3A_441 = arith.constant 9 : i32
            %broadcast_in_dim3A_442 = vector.broadcast %broadcast_in_dim3A_441 : i32 to vector<16xi32>
            %gather3A_443 = tpu.vector_load_idx %arg13[%add3A_419, %broadcast_in_dim3A_442] : memref<80x16xf32, #tpu.memory_space<vmem>>[vector<16xi32>, vector<16xi32>], vector<16xf32>,
            %broadcast_in_dim3A_444 = arith.constant 13 : i32
            %broadcast_in_dim3A_445 = vector.broadcast %broadcast_in_dim3A_444 : i32 to vector<16xi32>
            %gather3A_446 = tpu.vector_load_idx %arg14[%add3A_419, %broadcast_in_dim3A_445] : memref<80x16xf32, #tpu.memory_space<vmem>>[vector<16xi32>, vector<16xi32>], vector<16xf32>,
            %get3A_447 = arith.constant 1 : i32
            %get3A_448 = arith.index_cast %get3A_447 : i32 to index
            %get3A_449 = arith.constant 0 : index
            %get3A_450 = tpu.vector_load %arg18[%get3A_448, %get3A_449] {strides = array<i32>} : memref<4x16xf32, #tpu.memory_space<vmem>>, vector<16xf32>,
            %add3A_451 = arith.addf %gather3A_443, %gather3A_446 : vector<16xf32>
            %mul3A_452 = arith.constant 2.000000e-02 : f32
            %mul3A_453 = vector.broadcast %mul3A_452 : f32 to vector<16xf32>
            %mul3A_454 = arith.mulf %add3A_451, %mul3A_453 : vector<16xf32>
            %max3A_455 = arith.maximumf %add3A_451, %mul3A_454 : vector<16xf32>
            %add3A_456 = arith.addf %gather3A_443, %get3A_450 : vector<16xf32>
            %mul3A_457 = arith.constant 2.000000e-02 : f32
            %mul3A_458 = vector.broadcast %mul3A_457 : f32 to vector<16xf32>
            %mul3A_459 = arith.mulf %add3A_456, %mul3A_458 : vector<16xf32>
            %max3A_460 = arith.maximumf %add3A_456, %mul3A_459 : vector<16xf32>
            %sub3A_461 = arith.subf %max3A_455, %max3A_460 : vector<16xf32>
            %exp3A_462 = math.exp %sub3A_461 : vector<16xf32>
            %broadcast_in_dim3A_463 = arith.constant 129 : i32
            %broadcast_in_dim3A_464 = vector.broadcast %broadcast_in_dim3A_463 : i32 to vector<16xi32>
            tpu.vector_store_idx %arg16[%add3A_419, %broadcast_in_dim3A_464], %exp3A_462 : memref<80x144xf32, #tpu.memory_space<vmem>>[vector<16xi32>, vector<16xi32>], vector<16xf32>,
            %swap3A_465 = arith.constant 32 : index
            %swap3A_466 = tpu.vector_load %arg17[%swap3A_465] {strides = array<i32>} : memref<96xf32, #tpu.memory_space<vmem>>, vector<16xf32>,
            tpu.vector_store %arg17[%swap3A_465], %exp3A_462 {strides = array<i32>} : memref<96xf32, #tpu.memory_space<vmem>>, vector<16xf32>,
            %broadcast_in_dim3A_467 = arith.constant 10 : i32
            %broadcast_in_dim3A_468 = vector.broadcast %broadcast_in_dim3A_467 : i32 to vector<16xi32>
            %gather3A_469 = tpu.vector_load_idx %arg13[%add3A_419, %broadcast_in_dim3A_468] : memref<80x16xf32, #tpu.memory_space<vmem>>[vector<16xi32>, vector<16xi32>], vector<16xf32>,
            %broadcast_in_dim3A_470 = arith.constant 14 : i32
            %broadcast_in_dim3A_471 = vector.broadcast %broadcast_in_dim3A_470 : i32 to vector<16xi32>
            %gather3A_472 = tpu.vector_load_idx %arg14[%add3A_419, %broadcast_in_dim3A_471] : memref<80x16xf32, #tpu.memory_space<vmem>>[vector<16xi32>, vector<16xi32>], vector<16xf32>,
            %get3A_473 = arith.constant 2 : i32
            %get3A_474 = arith.index_cast %get3A_473 : i32 to index
            %get3A_475 = arith.constant 0 : index
            %get3A_476 = tpu.vector_load %arg18[%get3A_474, %get3A_475] {strides = array<i32>} : memref<4x16xf32, #tpu.memory_space<vmem>>, vector<16xf32>,
            %add3A_477 = arith.addf %gather3A_469, %gather3A_472 : vector<16xf32>
            %mul3A_478 = arith.constant 2.000000e-02 : f32
            %mul3A_479 = vector.broadcast %mul3A_478 : f32 to vector<16xf32>
            %mul3A_480 = arith.mulf %add3A_477, %mul3A_479 : vector<16xf32>
            %max3A_481 = arith.maximumf %add3A_477, %mul3A_480 : vector<16xf32>
            %add3A_482 = arith.addf %gather3A_469, %get3A_476 : vector<16xf32>
            %mul3A_483 = arith.constant 2.000000e-02 : f32
            %mul3A_484 = vector.broadcast %mul3A_483 : f32 to vector<16xf32>
            %mul3A_485 = arith.mulf %add3A_482, %mul3A_484 : vector<16xf32>
            %max3A_486 = arith.maximumf %add3A_482, %mul3A_485 : vector<16xf32>
            %sub3A_487 = arith.subf %max3A_481, %max3A_486 : vector<16xf32>
            %exp3A_488 = math.exp %sub3A_487 : vector<16xf32>
            %broadcast_in_dim3A_489 = arith.constant 130 : i32
            %broadcast_in_dim3A_490 = vector.broadcast %broadcast_in_dim3A_489 : i32 to vector<16xi32>
            tpu.vector_store_idx %arg16[%add3A_419, %broadcast_in_dim3A_490], %exp3A_488 : memref<80x144xf32, #tpu.memory_space<vmem>>[vector<16xi32>, vector<16xi32>], vector<16xf32>,
            %swap3A_491 = arith.constant 48 : index
            %swap3A_492 = tpu.vector_load %arg17[%swap3A_491] {strides = array<i32>} : memref<96xf32, #tpu.memory_space<vmem>>, vector<16xf32>,
            tpu.vector_store %arg17[%swap3A_491], %exp3A_488 {strides = array<i32>} : memref<96xf32, #tpu.memory_space<vmem>>, vector<16xf32>,
            %broadcast_in_dim3A_493 = arith.constant 11 : i32
            %broadcast_in_dim3A_494 = vector.broadcast %broadcast_in_dim3A_493 : i32 to vector<16xi32>
            %gather3A_495 = tpu.vector_load_idx %arg13[%add3A_419, %broadcast_in_dim3A_494] : memref<80x16xf32, #tpu.memory_space<vmem>>[vector<16xi32>, vector<16xi32>], vector<16xf32>,
            %broadcast_in_dim3A_496 = arith.constant 15 : i32
            %broadcast_in_dim3A_497 = vector.broadcast %broadcast_in_dim3A_496 : i32 to vector<16xi32>
            %gather3A_498 = tpu.vector_load_idx %arg14[%add3A_419, %broadcast_in_dim3A_497] : memref<80x16xf32, #tpu.memory_space<vmem>>[vector<16xi32>, vector<16xi32>], vector<16xf32>,
            %get3A_499 = arith.constant 3 : i32
            %get3A_500 = arith.index_cast %get3A_499 : i32 to index
            %get3A_501 = arith.constant 0 : index
            %get3A_502 = tpu.vector_load %arg18[%get3A_500, %get3A_501] {strides = array<i32>} : memref<4x16xf32, #tpu.memory_space<vmem>>, vector<16xf32>,
            %add3A_503 = arith.addf %gather3A_495, %gather3A_498 : vector<16xf32>
            %mul3A_504 = arith.constant 2.000000e-02 : f32
            %mul3A_505 = vector.broadcast %mul3A_504 : f32 to vector<16xf32>
            %mul3A_506 = arith.mulf %add3A_503, %mul3A_505 : vector<16xf32>
            %max3A_507 = arith.maximumf %add3A_503, %mul3A_506 : vector<16xf32>
            %add3A_508 = arith.addf %gather3A_495, %get3A_502 : vector<16xf32>
            %mul3A_509 = arith.constant 2.000000e-02 : f32
            %mul3A_510 = vector.broadcast %mul3A_509 : f32 to vector<16xf32>
            %mul3A_511 = arith.mulf %add3A_508, %mul3A_510 : vector<16xf32>
            %max3A_512 = arith.maximumf %add3A_508, %mul3A_511 : vector<16xf32>
            %sub3A_513 = arith.subf %max3A_507, %max3A_512 : vector<16xf32>
            %exp3A_514 = math.exp %sub3A_513 : vector<16xf32>
            %broadcast_in_dim3A_515 = arith.constant 131 : i32
            %broadcast_in_dim3A_516 = vector.broadcast %broadcast_in_dim3A_515 : i32 to vector<16xi32>
            tpu.vector_store_idx %arg16[%add3A_419, %broadcast_in_dim3A_516], %exp3A_514 : memref<80x144xf32, #tpu.memory_space<vmem>>[vector<16xi32>, vector<16xi32>], vector<16xf32>,
            %swap3A_517 = arith.constant 64 : index
            %swap3A_518 = tpu.vector_load %arg17[%swap3A_517] {strides = array<i32>} : memref<96xf32, #tpu.memory_space<vmem>>, vector<16xf32>,
            tpu.vector_store %arg17[%swap3A_517], %exp3A_514 {strides = array<i32>} : memref<96xf32, #tpu.memory_space<vmem>>, vector<16xf32>,
            %parallel_loop3A = arith.constant 0 : i32
            %parallel_loop3A_519 = arith.constant 16 : i32
            %parallel_loop3A_520 = arith.constant 1 : i32
            scf.for %parallel_loop3A_521 = %parallel_loop3A to %parallel_loop3A_519 step %parallel_loop3A_520  : i32 {
              %parallel_loop3A_522 = arith.constant 16 : i32
              %parallel_loop3A_523 = arith.muli %add3A_415, %parallel_loop3A_522 : i32
              %parallel_loop3A_524 = arith.addi %parallel_loop3A_523, %parallel_loop3A_521 : i32
              %parallel_loop3A_525 = arith.constant 16 : i32
              %parallel_loop3A_526 = vector.broadcast %parallel_loop3A_525 : i32 to vector<16xi32>
              %parallel_loop3A_527 = vector.broadcast %parallel_loop3A_521 : i32 to vector<16xi32>
              %parallel_loop3A_528 = arith.addi %parallel_loop3A_526, %parallel_loop3A_527 : vector<16xi32>
              %parallel_loop3A_529 = tpu.vector_load_idx %arg17[%parallel_loop3A_528] : memref<96xf32, #tpu.memory_space<vmem>>[vector<16xi32>], vector<16xf32>,
              %parallel_loop3A_530 = arith.index_cast %parallel_loop3A_524 : i32 to index
              %parallel_loop3A_531 = arith.constant 0 : index
              %parallel_loop3A_532 = tpu.vector_load %arg15[%parallel_loop3A_530, %parallel_loop3A_531] {strides = array<i32>} : memref<80x128xf32, #tpu.memory_space<vmem>>, vector<16xf32>,
              %parallel_loop3A_533 = arith.mulf %parallel_loop3A_532, %parallel_loop3A_529 : vector<16xf32>
              %parallel_loop3A_534 = arith.index_cast %parallel_loop3A_524 : i32 to index
              %parallel_loop3A_535 = arith.constant 0 : index
              %parallel_loop3A_536 = tpu.vector_load %arg16[%parallel_loop3A_534, %parallel_loop3A_535] {strides = array<i32>} : memref<80x144xf32, #tpu.memory_space<vmem>>, vector<16xf32>,
              tpu.vector_store %arg16[%parallel_loop3A_534, %parallel_loop3A_535], %parallel_loop3A_533 {strides = array<i32>} : memref<80x144xf32, #tpu.memory_space<vmem>>, vector<16xf32>,
              %parallel_loop3A_537 = arith.index_cast %parallel_loop3A_524 : i32 to index
              %parallel_loop3A_538 = arith.constant 16 : index
              %parallel_loop3A_539 = tpu.vector_load %arg15[%parallel_loop3A_537, %parallel_loop3A_538] {strides = array<i32>} : memref<80x128xf32, #tpu.memory_space<vmem>>, vector<16xf32>,
              %parallel_loop3A_540 = arith.mulf %parallel_loop3A_539, %parallel_loop3A_529 : vector<16xf32>
              %parallel_loop3A_541 = arith.index_cast %parallel_loop3A_524 : i32 to index
              %parallel_loop3A_542 = arith.constant 16 : index
              %parallel_loop3A_543 = tpu.vector_load %arg16[%parallel_loop3A_541, %parallel_loop3A_542] {strides = array<i32>} : memref<80x144xf32, #tpu.memory_space<vmem>>, vector<16xf32>,
              tpu.vector_store %arg16[%parallel_loop3A_541, %parallel_loop3A_542], %parallel_loop3A_540 {strides = array<i32>} : memref<80x144xf32, #tpu.memory_space<vmem>>, vector<16xf32>,
              %parallel_loop3A_544 = arith.constant 32 : i32
              %parallel_loop3A_545 = vector.broadcast %parallel_loop3A_544 : i32 to vector<16xi32>
              %parallel_loop3A_546 = vector.broadcast %parallel_loop3A_521 : i32 to vector<16xi32>
              %parallel_loop3A_547 = arith.addi %parallel_loop3A_545, %parallel_loop3A_546 : vector<16xi32>
              %parallel_loop3A_548 = tpu.vector_load_idx %arg17[%parallel_loop3A_547] : memref<96xf32, #tpu.memory_space<vmem>>[vector<16xi32>], vector<16xf32>,
              %parallel_loop3A_549 = arith.index_cast %parallel_loop3A_524 : i32 to index
              %parallel_loop3A_550 = arith.constant 32 : index
              %parallel_loop3A_551 = tpu.vector_load %arg15[%parallel_loop3A_549, %parallel_loop3A_550] {strides = array<i32>} : memref<80x128xf32, #tpu.memory_space<vmem>>, vector<16xf32>,
              %parallel_loop3A_552 = arith.mulf %parallel_loop3A_551, %parallel_loop3A_548 : vector<16xf32>
              %parallel_loop3A_553 = arith.index_cast %parallel_loop3A_524 : i32 to index
              %parallel_loop3A_554 = arith.constant 32 : index
              %parallel_loop3A_555 = tpu.vector_load %arg16[%parallel_loop3A_553, %parallel_loop3A_554] {strides = array<i32>} : memref<80x144xf32, #tpu.memory_space<vmem>>, vector<16xf32>,
              tpu.vector_store %arg16[%parallel_loop3A_553, %parallel_loop3A_554], %parallel_loop3A_552 {strides = array<i32>} : memref<80x144xf32, #tpu.memory_space<vmem>>, vector<16xf32>,
              %parallel_loop3A_556 = arith.index_cast %parallel_loop3A_524 : i32 to index
              %parallel_loop3A_557 = arith.constant 48 : index
              %parallel_loop3A_558 = tpu.vector_load %arg15[%parallel_loop3A_556, %parallel_loop3A_557] {strides = array<i32>} : memref<80x128xf32, #tpu.memory_space<vmem>>, vector<16xf32>,
              %parallel_loop3A_559 = arith.mulf %parallel_loop3A_558, %parallel_loop3A_548 : vector<16xf32>
              %parallel_loop3A_560 = arith.index_cast %parallel_loop3A_524 : i32 to index
              %parallel_loop3A_561 = arith.constant 48 : index
              %parallel_loop3A_562 = tpu.vector_load %arg16[%parallel_loop3A_560, %parallel_loop3A_561] {strides = array<i32>} : memref<80x144xf32, #tpu.memory_space<vmem>>, vector<16xf32>,
              tpu.vector_store %arg16[%parallel_loop3A_560, %parallel_loop3A_561], %parallel_loop3A_559 {strides = array<i32>} : memref<80x144xf32, #tpu.memory_space<vmem>>, vector<16xf32>,
              %parallel_loop3A_563 = arith.constant 48 : i32
              %parallel_loop3A_564 = vector.broadcast %parallel_loop3A_563 : i32 to vector<16xi32>
              %parallel_loop3A_565 = vector.broadcast %parallel_loop3A_521 : i32 to vector<16xi32>
              %parallel_loop3A_566 = arith.addi %parallel_loop3A_564, %parallel_loop3A_565 : vector<16xi32>
              %parallel_loop3A_567 = tpu.vector_load_idx %arg17[%parallel_loop3A_566] : memref<96xf32, #tpu.memory_space<vmem>>[vector<16xi32>], vector<16xf32>,
              %parallel_loop3A_568 = arith.index_cast %parallel_loop3A_524 : i32 to index
              %parallel_loop3A_569 = arith.constant 64 : index
              %parallel_loop3A_570 = tpu.vector_load %arg15[%parallel_loop3A_568, %parallel_loop3A_569] {strides = array<i32>} : memref<80x128xf32, #tpu.memory_space<vmem>>, vector<16xf32>,
              %parallel_loop3A_571 = arith.mulf %parallel_loop3A_570, %parallel_loop3A_567 : vector<16xf32>
              %parallel_loop3A_572 = arith.index_cast %parallel_loop3A_524 : i32 to index
              %parallel_loop3A_573 = arith.constant 64 : index
              %parallel_loop3A_574 = tpu.vector_load %arg16[%parallel_loop3A_572, %parallel_loop3A_573] {strides = array<i32>} : memref<80x144xf32, #tpu.memory_space<vmem>>, vector<16xf32>,
              tpu.vector_store %arg16[%parallel_loop3A_572, %parallel_loop3A_573], %parallel_loop3A_571 {strides = array<i32>} : memref<80x144xf32, #tpu.memory_space<vmem>>, vector<16xf32>,
              %parallel_loop3A_575 = arith.index_cast %parallel_loop3A_524 : i32 to index
              %parallel_loop3A_576 = arith.constant 80 : index
              %parallel_loop3A_577 = tpu.vector_load %arg15[%parallel_loop3A_575, %parallel_loop3A_576] {strides = array<i32>} : memref<80x128xf32, #tpu.memory_space<vmem>>, vector<16xf32>,
              %parallel_loop3A_578 = arith.mulf %parallel_loop3A_577, %parallel_loop3A_567 : vector<16xf32>
              %parallel_loop3A_579 = arith.index_cast %parallel_loop3A_524 : i32 to index
              %parallel_loop3A_580 = arith.constant 80 : index
              %parallel_loop3A_581 = tpu.vector_load %arg16[%parallel_loop3A_579, %parallel_loop3A_580] {strides = array<i32>} : memref<80x144xf32, #tpu.memory_space<vmem>>, vector<16xf32>,
              tpu.vector_store %arg16[%parallel_loop3A_579, %parallel_loop3A_580], %parallel_loop3A_578 {strides = array<i32>} : memref<80x144xf32, #tpu.memory_space<vmem>>, vector<16xf32>,
              %parallel_loop3A_582 = arith.constant 64 : i32
              %parallel_loop3A_583 = vector.broadcast %parallel_loop3A_582 : i32 to vector<16xi32>
              %parallel_loop3A_584 = vector.broadcast %parallel_loop3A_521 : i32 to vector<16xi32>
              %parallel_loop3A_585 = arith.addi %parallel_loop3A_583, %parallel_loop3A_584 : vector<16xi32>
              %parallel_loop3A_586 = tpu.vector_load_idx %arg17[%parallel_loop3A_585] : memref<96xf32, #tpu.memory_space<vmem>>[vector<16xi32>], vector<16xf32>,
              %parallel_loop3A_587 = arith.index_cast %parallel_loop3A_524 : i32 to index
              %parallel_loop3A_588 = arith.constant 96 : index
              %parallel_loop3A_589 = tpu.vector_load %arg15[%parallel_loop3A_587, %parallel_loop3A_588] {strides = array<i32>} : memref<80x128xf32, #tpu.memory_space<vmem>>, vector<16xf32>,
              %parallel_loop3A_590 = arith.mulf %parallel_loop3A_589, %parallel_loop3A_586 : vector<16xf32>
              %parallel_loop3A_591 = arith.index_cast %parallel_loop3A_524 : i32 to index
              %parallel_loop3A_592 = arith.constant 96 : index
              %parallel_loop3A_593 = tpu.vector_load %arg16[%parallel_loop3A_591, %parallel_loop3A_592] {strides = array<i32>} : memref<80x144xf32, #tpu.memory_space<vmem>>, vector<16xf32>,
              tpu.vector_store %arg16[%parallel_loop3A_591, %parallel_loop3A_592], %parallel_loop3A_590 {strides = array<i32>} : memref<80x144xf32, #tpu.memory_space<vmem>>, vector<16xf32>,
              %parallel_loop3A_594 = arith.index_cast %parallel_loop3A_524 : i32 to index
              %parallel_loop3A_595 = arith.constant 112 : index
              %parallel_loop3A_596 = tpu.vector_load %arg15[%parallel_loop3A_594, %parallel_loop3A_595] {strides = array<i32>} : memref<80x128xf32, #tpu.memory_space<vmem>>, vector<16xf32>,
              %parallel_loop3A_597 = arith.mulf %parallel_loop3A_596, %parallel_loop3A_586 : vector<16xf32>
              %parallel_loop3A_598 = arith.index_cast %parallel_loop3A_524 : i32 to index
              %parallel_loop3A_599 = arith.constant 112 : index
              %parallel_loop3A_600 = tpu.vector_load %arg16[%parallel_loop3A_598, %parallel_loop3A_599] {strides = array<i32>} : memref<80x144xf32, #tpu.memory_space<vmem>>, vector<16xf32>,
              tpu.vector_store %arg16[%parallel_loop3A_598, %parallel_loop3A_599], %parallel_loop3A_597 {strides = array<i32>} : memref<80x144xf32, #tpu.memory_space<vmem>>, vector<16xf32>,
            } {sc.loop_unroll_factor = 4 : i64, sc.parallel_access}
          }
          %scan3A_392 = arith.constant 5 : i32
          %dma_start3A_393 = arith.constant 0 : i32
          %dma_start3A_394 = tpu.memref_slice %arg8[%add3A_382, %dma_start3A_393] : memref<20x80xi32, #tpu.memory_space<vmem>> -> memref<1x80xi32, #tpu.memory_space<vmem>>
          %dma_start3A_395 = tpu.memref_squeeze %dma_start3A_394 : memref<1x80xi32, #tpu.memory_space<vmem>> -> memref<80xi32, #tpu.memory_space<vmem>>
          %dma_start3A_396 = arith.constant 0 : i32
          %dma_start3A_397 = arith.constant 0 : i32
          %dma_start3A_398 = tpu.memref_slice %arg19[%dma_start3A_396, %dma_start3A_397] : memref<10000x144xf32, #tpu.memory_space<vmem_shared>> -> memref<10000x144xf32, #tpu.memory_space<vmem_shared>>
          tpu.enqueue_indirect_dma source(%arg16 : memref<80x144xf32, #tpu.memory_space<vmem>>) target(%dma_start3A_398 : memref<10000x144xf32, #tpu.memory_space<vmem_shared>>) offsets(%dma_start3A_395 : memref<80xi32, #tpu.memory_space<vmem>>) semaphore(%arg26 : memref<!tpu.dma_semaphore, #tpu.memory_space<semaphore_mem>>) {add = true}
          %sub3A_399 = arith.constant 1 : i32
          %sub3A_400 = arith.subi %select_n3A, %sub3A_399 : i32
          %eq3A_401 = arith.cmpi eq, %add3A_382, %sub3A_400 : i32
          %convert_element_type3A_402 = arith.extui %eq3A_401 : i1 to i32
          %cond3A_403 = arith.constant 0 : i32
          %cond3A_404 = arith.cmpi ne, %convert_element_type3A_402, %cond3A_403 : i32
          scf.if %cond3A_404 {
            %dma_wait3A_411 = arith.constant 0 : i32
            %dma_wait3A_412 = arith.constant 0 : i32
            %dma_wait3A_413 = tpu.memref_slice %arg8[%dma_wait3A_411, %dma_wait3A_412] : memref<20x80xi32, #tpu.memory_space<vmem>> -> memref<1x80xi32, #tpu.memory_space<vmem>>
            %dma_wait3A_414 = tpu.memref_squeeze %dma_wait3A_413 : memref<1x80xi32, #tpu.memory_space<vmem>> -> memref<80xi32, #tpu.memory_space<vmem>>
            %dma_wait3A_415 = arith.constant 0 : i32
            %dma_wait3A_416 = arith.constant 0 : i32
            %dma_wait3A_417 = tpu.memref_slice %arg19[%dma_wait3A_415, %dma_wait3A_416] : memref<10000x144xf32, #tpu.memory_space<vmem_shared>> -> memref<10000x144xf32, #tpu.memory_space<vmem_shared>>
            tpu.wait_indirect_dma semaphore(%arg26 : memref<!tpu.dma_semaphore, #tpu.memory_space<semaphore_mem>>) src(%arg16 : memref<80x144xf32, #tpu.memory_space<vmem>>) dst(%dma_wait3A_417 : memref<10000x144xf32, #tpu.memory_space<vmem_shared>>)
          } else {
          }
          %add3A_405 = arith.constant 3 : i32
          %add3A_406 = arith.addi %mul3A_308, %add3A_405 : i32
          %lt3A_407 = arith.cmpi slt, %add3A_406, %select_n3A : i32
          %convert_element_type3A_408 = arith.extui %lt3A_407 : i1 to i32
          %cond3A_409 = arith.constant 0 : i32
          %cond3A_410 = arith.cmpi ne, %convert_element_type3A_408, %cond3A_409 : i32
          scf.if %cond3A_410 {
            %add3A_411 = arith.constant 3 : i32
            %add3A_412 = arith.addi %mul3A_308, %add3A_411 : i32
            %dma_start3A_413 = arith.constant 0 : i32
            %dma_start3A_414 = tpu.memref_slice %arg8[%add3A_412, %dma_start3A_413] : memref<20x80xi32, #tpu.memory_space<vmem>> -> memref<1x80xi32, #tpu.memory_space<vmem>>
            %dma_start3A_415 = tpu.memref_squeeze %dma_start3A_414 : memref<1x80xi32, #tpu.memory_space<vmem>> -> memref<80xi32, #tpu.memory_space<vmem>>
            %dma_start3A_416 = arith.constant 0 : i32
            %dma_start3A_417 = arith.constant 0 : i32
            %dma_start3A_418 = tpu.memref_slice %arg3[%dma_start3A_416, %dma_start3A_417] : memref<10000x16xf32, #tpu.memory_space<hbm>> -> memref<10000x16xf32, #tpu.memory_space<hbm>>
            tpu.enqueue_indirect_dma source(%dma_start3A_418 : memref<10000x16xf32, #tpu.memory_space<hbm>>) target(%arg13 : memref<80x16xf32, #tpu.memory_space<vmem>>) offsets(%dma_start3A_415 : memref<80xi32, #tpu.memory_space<vmem>>) semaphore(%arg23 : memref<!tpu.dma_semaphore, #tpu.memory_space<semaphore_mem>>)
            %dma_start3A_419 = arith.constant 0 : i32
            %dma_start3A_420 = tpu.memref_slice %arg9[%add3A_412, %dma_start3A_419] : memref<20x80xi32, #tpu.memory_space<vmem>> -> memref<1x80xi32, #tpu.memory_space<vmem>>
            %dma_start3A_421 = tpu.memref_squeeze %dma_start3A_420 : memref<1x80xi32, #tpu.memory_space<vmem>> -> memref<80xi32, #tpu.memory_space<vmem>>
            %dma_start3A_422 = arith.constant 0 : i32
            %dma_start3A_423 = arith.constant 0 : i32
            %dma_start3A_424 = tpu.memref_slice %arg3[%dma_start3A_422, %dma_start3A_423] : memref<10000x16xf32, #tpu.memory_space<hbm>> -> memref<10000x16xf32, #tpu.memory_space<hbm>>
            tpu.enqueue_indirect_dma source(%dma_start3A_424 : memref<10000x16xf32, #tpu.memory_space<hbm>>) target(%arg14 : memref<80x16xf32, #tpu.memory_space<vmem>>) offsets(%dma_start3A_421 : memref<80xi32, #tpu.memory_space<vmem>>) semaphore(%arg24 : memref<!tpu.dma_semaphore, #tpu.memory_space<semaphore_mem>>)
            %dma_start3A_425 = arith.constant 0 : i32
            %dma_start3A_426 = tpu.memref_slice %arg9[%add3A_412, %dma_start3A_425] : memref<20x80xi32, #tpu.memory_space<vmem>> -> memref<1x80xi32, #tpu.memory_space<vmem>>
            %dma_start3A_427 = tpu.memref_squeeze %dma_start3A_426 : memref<1x80xi32, #tpu.memory_space<vmem>> -> memref<80xi32, #tpu.memory_space<vmem>>
            %dma_start3A_428 = arith.constant 0 : i32
            %dma_start3A_429 = arith.constant 0 : i32
            %dma_start3A_430 = tpu.memref_slice %arg2[%dma_start3A_428, %dma_start3A_429] : memref<10000x128xf32, #tpu.memory_space<hbm>> -> memref<10000x128xf32, #tpu.memory_space<hbm>>
            tpu.enqueue_indirect_dma source(%dma_start3A_430 : memref<10000x128xf32, #tpu.memory_space<hbm>>) target(%arg15 : memref<80x128xf32, #tpu.memory_space<vmem>>) offsets(%dma_start3A_427 : memref<80xi32, #tpu.memory_space<vmem>>) semaphore(%arg25 : memref<!tpu.dma_semaphore, #tpu.memory_space<semaphore_mem>>)
          } else {
          }
        } else {
        }
      }
      %while3A_303 = arith.constant 1 : i32
      scf.for %while3A_304 = %while3A_301 to %while3A_297 step %while3A_303  : i32 {
        %mul3A_305 = arith.muli %while3A_304, %while3A : i32
        %add3A_306 = arith.addi %while3A_294, %mul3A_305 : i32
        %mul3A_307 = arith.constant 2 : i32
        %mul3A_308 = arith.muli %mul3A_307, %add3A_306 : i32
        %dma_wait3A_309 = arith.constant 0 : i32
        %dma_wait3A_310 = arith.constant 0 : i32
        %dma_wait3A_311 = tpu.memref_slice %arg8[%dma_wait3A_309, %dma_wait3A_310] : memref<20x80xi32, #tpu.memory_space<vmem>> -> memref<1x80xi32, #tpu.memory_space<vmem>>
        %dma_wait3A_312 = tpu.memref_squeeze %dma_wait3A_311 : memref<1x80xi32, #tpu.memory_space<vmem>> -> memref<80xi32, #tpu.memory_space<vmem>>
        %dma_wait3A_313 = arith.constant 0 : i32
        %dma_wait3A_314 = arith.constant 0 : i32
        %dma_wait3A_315 = tpu.memref_slice %arg3[%dma_wait3A_313, %dma_wait3A_314] : memref<10000x16xf32, #tpu.memory_space<hbm>> -> memref<10000x16xf32, #tpu.memory_space<hbm>>
        tpu.wait_indirect_dma semaphore(%arg20 : memref<!tpu.dma_semaphore, #tpu.memory_space<semaphore_mem>>) src(%dma_wait3A_315 : memref<10000x16xf32, #tpu.memory_space<hbm>>) dst(%arg10 : memref<80x16xf32, #tpu.memory_space<vmem>>)
        %dma_wait3A_316 = arith.constant 0 : i32
        %dma_wait3A_317 = arith.constant 0 : i32
        %dma_wait3A_318 = tpu.memref_slice %arg9[%dma_wait3A_316, %dma_wait3A_317] : memref<20x80xi32, #tpu.memory_space<vmem>> -> memref<1x80xi32, #tpu.memory_space<vmem>>
        %dma_wait3A_319 = tpu.memref_squeeze %dma_wait3A_318 : memref<1x80xi32, #tpu.memory_space<vmem>> -> memref<80xi32, #tpu.memory_space<vmem>>
        %dma_wait3A_320 = arith.constant 0 : i32
        %dma_wait3A_321 = arith.constant 0 : i32
        %dma_wait3A_322 = tpu.memref_slice %arg3[%dma_wait3A_320, %dma_wait3A_321] : memref<10000x16xf32, #tpu.memory_space<hbm>> -> memref<10000x16xf32, #tpu.memory_space<hbm>>
        tpu.wait_indirect_dma semaphore(%arg21 : memref<!tpu.dma_semaphore, #tpu.memory_space<semaphore_mem>>) src(%dma_wait3A_322 : memref<10000x16xf32, #tpu.memory_space<hbm>>) dst(%arg11 : memref<80x16xf32, #tpu.memory_space<vmem>>)
        %dma_wait3A_323 = arith.constant 0 : i32
        %dma_wait3A_324 = arith.constant 0 : i32
        %dma_wait3A_325 = tpu.memref_slice %arg9[%dma_wait3A_323, %dma_wait3A_324] : memref<20x80xi32, #tpu.memory_space<vmem>> -> memref<1x80xi32, #tpu.memory_space<vmem>>
        %dma_wait3A_326 = tpu.memref_squeeze %dma_wait3A_325 : memref<1x80xi32, #tpu.memory_space<vmem>> -> memref<80xi32, #tpu.memory_space<vmem>>
        %dma_wait3A_327 = arith.constant 0 : i32
        %dma_wait3A_328 = arith.constant 0 : i32
        %dma_wait3A_329 = tpu.memref_slice %arg2[%dma_wait3A_327, %dma_wait3A_328] : memref<10000x128xf32, #tpu.memory_space<hbm>> -> memref<10000x128xf32, #tpu.memory_space<hbm>>
        tpu.wait_indirect_dma semaphore(%arg22 : memref<!tpu.dma_semaphore, #tpu.memory_space<semaphore_mem>>) src(%dma_wait3A_329 : memref<10000x128xf32, #tpu.memory_space<hbm>>) dst(%arg12 : memref<80x128xf32, #tpu.memory_space<vmem>>)
        %gt3A = arith.constant 0 : i32
        %gt3A_330 = arith.cmpi sgt, %mul3A_308, %gt3A : i32
        %convert_element_type3A = arith.extui %gt3A_330 : i1 to i32
        %cond3A = arith.constant 0 : i32
        %cond3A_331 = arith.cmpi ne, %convert_element_type3A, %cond3A : i32
        scf.if %cond3A_331 {
          %dma_wait3A_360 = arith.constant 0 : i32
          %dma_wait3A_361 = arith.constant 0 : i32
          %dma_wait3A_362 = tpu.memref_slice %arg8[%dma_wait3A_360, %dma_wait3A_361] : memref<20x80xi32, #tpu.memory_space<vmem>> -> memref<1x80xi32, #tpu.memory_space<vmem>>
          %dma_wait3A_363 = tpu.memref_squeeze %dma_wait3A_362 : memref<1x80xi32, #tpu.memory_space<vmem>> -> memref<80xi32, #tpu.memory_space<vmem>>
          %dma_wait3A_364 = arith.constant 0 : i32
          %dma_wait3A_365 = arith.constant 0 : i32
          %dma_wait3A_366 = tpu.memref_slice %arg19[%dma_wait3A_364, %dma_wait3A_365] : memref<10000x144xf32, #tpu.memory_space<vmem_shared>> -> memref<10000x144xf32, #tpu.memory_space<vmem_shared>>
          tpu.wait_indirect_dma semaphore(%arg26 : memref<!tpu.dma_semaphore, #tpu.memory_space<semaphore_mem>>) src(%arg16 : memref<80x144xf32, #tpu.memory_space<vmem>>) dst(%dma_wait3A_366 : memref<10000x144xf32, #tpu.memory_space<vmem_shared>>)
        } else {
        }
        %scan3A_332 = arith.constant 0 : i32
        %scan3A_333 = arith.constant 5 : i32
        %scan3A_334 = arith.addi %scan3A_332, %scan3A_333 : i32
        %scan3A_335 = arith.constant 1 : i32
        scf.for %scan3A_360 = %scan3A_332 to %scan3A_334 step %scan3A_335  : i32 {
          %mul3A_361 = arith.constant 1 : i32
          %mul3A_362 = arith.muli %scan3A_360, %mul3A_361 : i32
          %add3A_363 = arith.constant 0 : i32
          %add3A_364 = arith.addi %add3A_363, %mul3A_362 : i32
          %mul3A_365 = arith.constant 16 : i32
          %mul3A_366 = arith.muli %add3A_364, %mul3A_365 : i32
          %add3A_367 = vector.broadcast %mul3A_366 : i32 to vector<16xi32>
          %add3A_368 = arith.addi %iota3A, %add3A_367 : vector<16xi32>
          %broadcast_in_dim3A_369 = arith.constant 8 : i32
          %broadcast_in_dim3A_370 = vector.broadcast %broadcast_in_dim3A_369 : i32 to vector<16xi32>
          %gather3A = tpu.vector_load_idx %arg10[%add3A_368, %broadcast_in_dim3A_370] : memref<80x16xf32, #tpu.memory_space<vmem>>[vector<16xi32>, vector<16xi32>], vector<16xf32>,
          %broadcast_in_dim3A_371 = arith.constant 12 : i32
          %broadcast_in_dim3A_372 = vector.broadcast %broadcast_in_dim3A_371 : i32 to vector<16xi32>
          %gather3A_373 = tpu.vector_load_idx %arg11[%add3A_368, %broadcast_in_dim3A_372] : memref<80x16xf32, #tpu.memory_space<vmem>>[vector<16xi32>, vector<16xi32>], vector<16xf32>,
          %get3A = arith.constant 0 : i32
          %get3A_374 = arith.index_cast %get3A : i32 to index
          %get3A_375 = arith.constant 0 : index
          %get3A_376 = tpu.vector_load %arg18[%get3A_374, %get3A_375] {strides = array<i32>} : memref<4x16xf32, #tpu.memory_space<vmem>>, vector<16xf32>,
          %add3A_377 = arith.addf %gather3A, %gather3A_373 : vector<16xf32>
          %mul3A_378 = arith.constant 2.000000e-02 : f32
          %mul3A_379 = vector.broadcast %mul3A_378 : f32 to vector<16xf32>
          %mul3A_380 = arith.mulf %add3A_377, %mul3A_379 : vector<16xf32>
          %max3A = arith.maximumf %add3A_377, %mul3A_380 : vector<16xf32>
          %add3A_381 = arith.addf %gather3A, %get3A_376 : vector<16xf32>
          %mul3A_382 = arith.constant 2.000000e-02 : f32
          %mul3A_383 = vector.broadcast %mul3A_382 : f32 to vector<16xf32>
          %mul3A_384 = arith.mulf %add3A_381, %mul3A_383 : vector<16xf32>
          %max3A_385 = arith.maximumf %add3A_381, %mul3A_384 : vector<16xf32>
          %sub3A_386 = arith.subf %max3A, %max3A_385 : vector<16xf32>
          %exp3A = math.exp %sub3A_386 : vector<16xf32>
          %broadcast_in_dim3A_387 = arith.constant 128 : i32
          %broadcast_in_dim3A_388 = vector.broadcast %broadcast_in_dim3A_387 : i32 to vector<16xi32>
          tpu.vector_store_idx %arg16[%add3A_368, %broadcast_in_dim3A_388], %exp3A : memref<80x144xf32, #tpu.memory_space<vmem>>[vector<16xi32>, vector<16xi32>], vector<16xf32>,
          %swap3A = arith.constant 16 : index
          %swap3A_389 = tpu.vector_load %arg17[%swap3A] {strides = array<i32>} : memref<96xf32, #tpu.memory_space<vmem>>, vector<16xf32>,
          tpu.vector_store %arg17[%swap3A], %exp3A {strides = array<i32>} : memref<96xf32, #tpu.memory_space<vmem>>, vector<16xf32>,
          %broadcast_in_dim3A_390 = arith.constant 9 : i32
          %broadcast_in_dim3A_391 = vector.broadcast %broadcast_in_dim3A_390 : i32 to vector<16xi32>
          %gather3A_392 = tpu.vector_load_idx %arg10[%add3A_368, %broadcast_in_dim3A_391] : memref<80x16xf32, #tpu.memory_space<vmem>>[vector<16xi32>, vector<16xi32>], vector<16xf32>,
          %broadcast_in_dim3A_393 = arith.constant 13 : i32
          %broadcast_in_dim3A_394 = vector.broadcast %broadcast_in_dim3A_393 : i32 to vector<16xi32>
          %gather3A_395 = tpu.vector_load_idx %arg11[%add3A_368, %broadcast_in_dim3A_394] : memref<80x16xf32, #tpu.memory_space<vmem>>[vector<16xi32>, vector<16xi32>], vector<16xf32>,
          %get3A_396 = arith.constant 1 : i32
          %get3A_397 = arith.index_cast %get3A_396 : i32 to index
          %get3A_398 = arith.constant 0 : index
          %get3A_399 = tpu.vector_load %arg18[%get3A_397, %get3A_398] {strides = array<i32>} : memref<4x16xf32, #tpu.memory_space<vmem>>, vector<16xf32>,
          %add3A_400 = arith.addf %gather3A_392, %gather3A_395 : vector<16xf32>
          %mul3A_401 = arith.constant 2.000000e-02 : f32
          %mul3A_402 = vector.broadcast %mul3A_401 : f32 to vector<16xf32>
          %mul3A_403 = arith.mulf %add3A_400, %mul3A_402 : vector<16xf32>
          %max3A_404 = arith.maximumf %add3A_400, %mul3A_403 : vector<16xf32>
          %add3A_405 = arith.addf %gather3A_392, %get3A_399 : vector<16xf32>
          %mul3A_406 = arith.constant 2.000000e-02 : f32
          %mul3A_407 = vector.broadcast %mul3A_406 : f32 to vector<16xf32>
          %mul3A_408 = arith.mulf %add3A_405, %mul3A_407 : vector<16xf32>
          %max3A_409 = arith.maximumf %add3A_405, %mul3A_408 : vector<16xf32>
          %sub3A_410 = arith.subf %max3A_404, %max3A_409 : vector<16xf32>
          %exp3A_411 = math.exp %sub3A_410 : vector<16xf32>
          %broadcast_in_dim3A_412 = arith.constant 129 : i32
          %broadcast_in_dim3A_413 = vector.broadcast %broadcast_in_dim3A_412 : i32 to vector<16xi32>
          tpu.vector_store_idx %arg16[%add3A_368, %broadcast_in_dim3A_413], %exp3A_411 : memref<80x144xf32, #tpu.memory_space<vmem>>[vector<16xi32>, vector<16xi32>], vector<16xf32>,
          %swap3A_414 = arith.constant 32 : index
          %swap3A_415 = tpu.vector_load %arg17[%swap3A_414] {strides = array<i32>} : memref<96xf32, #tpu.memory_space<vmem>>, vector<16xf32>,
          tpu.vector_store %arg17[%swap3A_414], %exp3A_411 {strides = array<i32>} : memref<96xf32, #tpu.memory_space<vmem>>, vector<16xf32>,
          %broadcast_in_dim3A_416 = arith.constant 10 : i32
          %broadcast_in_dim3A_417 = vector.broadcast %broadcast_in_dim3A_416 : i32 to vector<16xi32>
          %gather3A_418 = tpu.vector_load_idx %arg10[%add3A_368, %broadcast_in_dim3A_417] : memref<80x16xf32, #tpu.memory_space<vmem>>[vector<16xi32>, vector<16xi32>], vector<16xf32>,
          %broadcast_in_dim3A_419 = arith.constant 14 : i32
          %broadcast_in_dim3A_420 = vector.broadcast %broadcast_in_dim3A_419 : i32 to vector<16xi32>
          %gather3A_421 = tpu.vector_load_idx %arg11[%add3A_368, %broadcast_in_dim3A_420] : memref<80x16xf32, #tpu.memory_space<vmem>>[vector<16xi32>, vector<16xi32>], vector<16xf32>,
          %get3A_422 = arith.constant 2 : i32
          %get3A_423 = arith.index_cast %get3A_422 : i32 to index
          %get3A_424 = arith.constant 0 : index
          %get3A_425 = tpu.vector_load %arg18[%get3A_423, %get3A_424] {strides = array<i32>} : memref<4x16xf32, #tpu.memory_space<vmem>>, vector<16xf32>,
          %add3A_426 = arith.addf %gather3A_418, %gather3A_421 : vector<16xf32>
          %mul3A_427 = arith.constant 2.000000e-02 : f32
          %mul3A_428 = vector.broadcast %mul3A_427 : f32 to vector<16xf32>
          %mul3A_429 = arith.mulf %add3A_426, %mul3A_428 : vector<16xf32>
          %max3A_430 = arith.maximumf %add3A_426, %mul3A_429 : vector<16xf32>
          %add3A_431 = arith.addf %gather3A_418, %get3A_425 : vector<16xf32>
          %mul3A_432 = arith.constant 2.000000e-02 : f32
          %mul3A_433 = vector.broadcast %mul3A_432 : f32 to vector<16xf32>
          %mul3A_434 = arith.mulf %add3A_431, %mul3A_433 : vector<16xf32>
          %max3A_435 = arith.maximumf %add3A_431, %mul3A_434 : vector<16xf32>
          %sub3A_436 = arith.subf %max3A_430, %max3A_435 : vector<16xf32>
          %exp3A_437 = math.exp %sub3A_436 : vector<16xf32>
          %broadcast_in_dim3A_438 = arith.constant 130 : i32
          %broadcast_in_dim3A_439 = vector.broadcast %broadcast_in_dim3A_438 : i32 to vector<16xi32>
          tpu.vector_store_idx %arg16[%add3A_368, %broadcast_in_dim3A_439], %exp3A_437 : memref<80x144xf32, #tpu.memory_space<vmem>>[vector<16xi32>, vector<16xi32>], vector<16xf32>,
          %swap3A_440 = arith.constant 48 : index
          %swap3A_441 = tpu.vector_load %arg17[%swap3A_440] {strides = array<i32>} : memref<96xf32, #tpu.memory_space<vmem>>, vector<16xf32>,
          tpu.vector_store %arg17[%swap3A_440], %exp3A_437 {strides = array<i32>} : memref<96xf32, #tpu.memory_space<vmem>>, vector<16xf32>,
          %broadcast_in_dim3A_442 = arith.constant 11 : i32
          %broadcast_in_dim3A_443 = vector.broadcast %broadcast_in_dim3A_442 : i32 to vector<16xi32>
          %gather3A_444 = tpu.vector_load_idx %arg10[%add3A_368, %broadcast_in_dim3A_443] : memref<80x16xf32, #tpu.memory_space<vmem>>[vector<16xi32>, vector<16xi32>], vector<16xf32>,
          %broadcast_in_dim3A_445 = arith.constant 15 : i32
          %broadcast_in_dim3A_446 = vector.broadcast %broadcast_in_dim3A_445 : i32 to vector<16xi32>
          %gather3A_447 = tpu.vector_load_idx %arg11[%add3A_368, %broadcast_in_dim3A_446] : memref<80x16xf32, #tpu.memory_space<vmem>>[vector<16xi32>, vector<16xi32>], vector<16xf32>,
          %get3A_448 = arith.constant 3 : i32
          %get3A_449 = arith.index_cast %get3A_448 : i32 to index
          %get3A_450 = arith.constant 0 : index
          %get3A_451 = tpu.vector_load %arg18[%get3A_449, %get3A_450] {strides = array<i32>} : memref<4x16xf32, #tpu.memory_space<vmem>>, vector<16xf32>,
          %add3A_452 = arith.addf %gather3A_444, %gather3A_447 : vector<16xf32>
          %mul3A_453 = arith.constant 2.000000e-02 : f32
          %mul3A_454 = vector.broadcast %mul3A_453 : f32 to vector<16xf32>
          %mul3A_455 = arith.mulf %add3A_452, %mul3A_454 : vector<16xf32>
          %max3A_456 = arith.maximumf %add3A_452, %mul3A_455 : vector<16xf32>
          %add3A_457 = arith.addf %gather3A_444, %get3A_451 : vector<16xf32>
          %mul3A_458 = arith.constant 2.000000e-02 : f32
          %mul3A_459 = vector.broadcast %mul3A_458 : f32 to vector<16xf32>
          %mul3A_460 = arith.mulf %add3A_457, %mul3A_459 : vector<16xf32>
          %max3A_461 = arith.maximumf %add3A_457, %mul3A_460 : vector<16xf32>
          %sub3A_462 = arith.subf %max3A_456, %max3A_461 : vector<16xf32>
          %exp3A_463 = math.exp %sub3A_462 : vector<16xf32>
          %broadcast_in_dim3A_464 = arith.constant 131 : i32
          %broadcast_in_dim3A_465 = vector.broadcast %broadcast_in_dim3A_464 : i32 to vector<16xi32>
          tpu.vector_store_idx %arg16[%add3A_368, %broadcast_in_dim3A_465], %exp3A_463 : memref<80x144xf32, #tpu.memory_space<vmem>>[vector<16xi32>, vector<16xi32>], vector<16xf32>,
          %swap3A_466 = arith.constant 64 : index
          %swap3A_467 = tpu.vector_load %arg17[%swap3A_466] {strides = array<i32>} : memref<96xf32, #tpu.memory_space<vmem>>, vector<16xf32>,
          tpu.vector_store %arg17[%swap3A_466], %exp3A_463 {strides = array<i32>} : memref<96xf32, #tpu.memory_space<vmem>>, vector<16xf32>,
          %parallel_loop3A = arith.constant 0 : i32
          %parallel_loop3A_468 = arith.constant 16 : i32
          %parallel_loop3A_469 = arith.constant 1 : i32
          scf.for %parallel_loop3A_470 = %parallel_loop3A to %parallel_loop3A_468 step %parallel_loop3A_469  : i32 {
            %parallel_loop3A_471 = arith.constant 16 : i32
            %parallel_loop3A_472 = arith.muli %add3A_364, %parallel_loop3A_471 : i32
            %parallel_loop3A_473 = arith.addi %parallel_loop3A_472, %parallel_loop3A_470 : i32
            %parallel_loop3A_474 = arith.constant 16 : i32
            %parallel_loop3A_475 = vector.broadcast %parallel_loop3A_474 : i32 to vector<16xi32>
            %parallel_loop3A_476 = vector.broadcast %parallel_loop3A_470 : i32 to vector<16xi32>
            %parallel_loop3A_477 = arith.addi %parallel_loop3A_475, %parallel_loop3A_476 : vector<16xi32>
            %parallel_loop3A_478 = tpu.vector_load_idx %arg17[%parallel_loop3A_477] : memref<96xf32, #tpu.memory_space<vmem>>[vector<16xi32>], vector<16xf32>,
            %parallel_loop3A_479 = arith.index_cast %parallel_loop3A_473 : i32 to index
            %parallel_loop3A_480 = arith.constant 0 : index
            %parallel_loop3A_481 = tpu.vector_load %arg12[%parallel_loop3A_479, %parallel_loop3A_480] {strides = array<i32>} : memref<80x128xf32, #tpu.memory_space<vmem>>, vector<16xf32>,
            %parallel_loop3A_482 = arith.mulf %parallel_loop3A_481, %parallel_loop3A_478 : vector<16xf32>
            %parallel_loop3A_483 = arith.index_cast %parallel_loop3A_473 : i32 to index
            %parallel_loop3A_484 = arith.constant 0 : index
            %parallel_loop3A_485 = tpu.vector_load %arg16[%parallel_loop3A_483, %parallel_loop3A_484] {strides = array<i32>} : memref<80x144xf32, #tpu.memory_space<vmem>>, vector<16xf32>,
            tpu.vector_store %arg16[%parallel_loop3A_483, %parallel_loop3A_484], %parallel_loop3A_482 {strides = array<i32>} : memref<80x144xf32, #tpu.memory_space<vmem>>, vector<16xf32>,
            %parallel_loop3A_486 = arith.index_cast %parallel_loop3A_473 : i32 to index
            %parallel_loop3A_487 = arith.constant 16 : index
            %parallel_loop3A_488 = tpu.vector_load %arg12[%parallel_loop3A_486, %parallel_loop3A_487] {strides = array<i32>} : memref<80x128xf32, #tpu.memory_space<vmem>>, vector<16xf32>,
            %parallel_loop3A_489 = arith.mulf %parallel_loop3A_488, %parallel_loop3A_478 : vector<16xf32>
            %parallel_loop3A_490 = arith.index_cast %parallel_loop3A_473 : i32 to index
            %parallel_loop3A_491 = arith.constant 16 : index
            %parallel_loop3A_492 = tpu.vector_load %arg16[%parallel_loop3A_490, %parallel_loop3A_491] {strides = array<i32>} : memref<80x144xf32, #tpu.memory_space<vmem>>, vector<16xf32>,
            tpu.vector_store %arg16[%parallel_loop3A_490, %parallel_loop3A_491], %parallel_loop3A_489 {strides = array<i32>} : memref<80x144xf32, #tpu.memory_space<vmem>>, vector<16xf32>,
            %parallel_loop3A_493 = arith.constant 32 : i32
            %parallel_loop3A_494 = vector.broadcast %parallel_loop3A_493 : i32 to vector<16xi32>
            %parallel_loop3A_495 = vector.broadcast %parallel_loop3A_470 : i32 to vector<16xi32>
            %parallel_loop3A_496 = arith.addi %parallel_loop3A_494, %parallel_loop3A_495 : vector<16xi32>
            %parallel_loop3A_497 = tpu.vector_load_idx %arg17[%parallel_loop3A_496] : memref<96xf32, #tpu.memory_space<vmem>>[vector<16xi32>], vector<16xf32>,
            %parallel_loop3A_498 = arith.index_cast %parallel_loop3A_473 : i32 to index
            %parallel_loop3A_499 = arith.constant 32 : index
            %parallel_loop3A_500 = tpu.vector_load %arg12[%parallel_loop3A_498, %parallel_loop3A_499] {strides = array<i32>} : memref<80x128xf32, #tpu.memory_space<vmem>>, vector<16xf32>,
            %parallel_loop3A_501 = arith.mulf %parallel_loop3A_500, %parallel_loop3A_497 : vector<16xf32>
            %parallel_loop3A_502 = arith.index_cast %parallel_loop3A_473 : i32 to index
            %parallel_loop3A_503 = arith.constant 32 : index
            %parallel_loop3A_504 = tpu.vector_load %arg16[%parallel_loop3A_502, %parallel_loop3A_503] {strides = array<i32>} : memref<80x144xf32, #tpu.memory_space<vmem>>, vector<16xf32>,
            tpu.vector_store %arg16[%parallel_loop3A_502, %parallel_loop3A_503], %parallel_loop3A_501 {strides = array<i32>} : memref<80x144xf32, #tpu.memory_space<vmem>>, vector<16xf32>,
            %parallel_loop3A_505 = arith.index_cast %parallel_loop3A_473 : i32 to index
            %parallel_loop3A_506 = arith.constant 48 : index
            %parallel_loop3A_507 = tpu.vector_load %arg12[%parallel_loop3A_505, %parallel_loop3A_506] {strides = array<i32>} : memref<80x128xf32, #tpu.memory_space<vmem>>, vector<16xf32>,
            %parallel_loop3A_508 = arith.mulf %parallel_loop3A_507, %parallel_loop3A_497 : vector<16xf32>
            %parallel_loop3A_509 = arith.index_cast %parallel_loop3A_473 : i32 to index
            %parallel_loop3A_510 = arith.constant 48 : index
            %parallel_loop3A_511 = tpu.vector_load %arg16[%parallel_loop3A_509, %parallel_loop3A_510] {strides = array<i32>} : memref<80x144xf32, #tpu.memory_space<vmem>>, vector<16xf32>,
            tpu.vector_store %arg16[%parallel_loop3A_509, %parallel_loop3A_510], %parallel_loop3A_508 {strides = array<i32>} : memref<80x144xf32, #tpu.memory_space<vmem>>, vector<16xf32>,
            %parallel_loop3A_512 = arith.constant 48 : i32
            %parallel_loop3A_513 = vector.broadcast %parallel_loop3A_512 : i32 to vector<16xi32>
            %parallel_loop3A_514 = vector.broadcast %parallel_loop3A_470 : i32 to vector<16xi32>
            %parallel_loop3A_515 = arith.addi %parallel_loop3A_513, %parallel_loop3A_514 : vector<16xi32>
            %parallel_loop3A_516 = tpu.vector_load_idx %arg17[%parallel_loop3A_515] : memref<96xf32, #tpu.memory_space<vmem>>[vector<16xi32>], vector<16xf32>,
            %parallel_loop3A_517 = arith.index_cast %parallel_loop3A_473 : i32 to index
            %parallel_loop3A_518 = arith.constant 64 : index
            %parallel_loop3A_519 = tpu.vector_load %arg12[%parallel_loop3A_517, %parallel_loop3A_518] {strides = array<i32>} : memref<80x128xf32, #tpu.memory_space<vmem>>, vector<16xf32>,
            %parallel_loop3A_520 = arith.mulf %parallel_loop3A_519, %parallel_loop3A_516 : vector<16xf32>
            %parallel_loop3A_521 = arith.index_cast %parallel_loop3A_473 : i32 to index
            %parallel_loop3A_522 = arith.constant 64 : index
            %parallel_loop3A_523 = tpu.vector_load %arg16[%parallel_loop3A_521, %parallel_loop3A_522] {strides = array<i32>} : memref<80x144xf32, #tpu.memory_space<vmem>>, vector<16xf32>,
            tpu.vector_store %arg16[%parallel_loop3A_521, %parallel_loop3A_522], %parallel_loop3A_520 {strides = array<i32>} : memref<80x144xf32, #tpu.memory_space<vmem>>, vector<16xf32>,
            %parallel_loop3A_524 = arith.index_cast %parallel_loop3A_473 : i32 to index
            %parallel_loop3A_525 = arith.constant 80 : index
            %parallel_loop3A_526 = tpu.vector_load %arg12[%parallel_loop3A_524, %parallel_loop3A_525] {strides = array<i32>} : memref<80x128xf32, #tpu.memory_space<vmem>>, vector<16xf32>,
            %parallel_loop3A_527 = arith.mulf %parallel_loop3A_526, %parallel_loop3A_516 : vector<16xf32>
            %parallel_loop3A_528 = arith.index_cast %parallel_loop3A_473 : i32 to index
            %parallel_loop3A_529 = arith.constant 80 : index
            %parallel_loop3A_530 = tpu.vector_load %arg16[%parallel_loop3A_528, %parallel_loop3A_529] {strides = array<i32>} : memref<80x144xf32, #tpu.memory_space<vmem>>, vector<16xf32>,
            tpu.vector_store %arg16[%parallel_loop3A_528, %parallel_loop3A_529], %parallel_loop3A_527 {strides = array<i32>} : memref<80x144xf32, #tpu.memory_space<vmem>>, vector<16xf32>,
            %parallel_loop3A_531 = arith.constant 64 : i32
            %parallel_loop3A_532 = vector.broadcast %parallel_loop3A_531 : i32 to vector<16xi32>
            %parallel_loop3A_533 = vector.broadcast %parallel_loop3A_470 : i32 to vector<16xi32>
            %parallel_loop3A_534 = arith.addi %parallel_loop3A_532, %parallel_loop3A_533 : vector<16xi32>
            %parallel_loop3A_535 = tpu.vector_load_idx %arg17[%parallel_loop3A_534] : memref<96xf32, #tpu.memory_space<vmem>>[vector<16xi32>], vector<16xf32>,
            %parallel_loop3A_536 = arith.index_cast %parallel_loop3A_473 : i32 to index
            %parallel_loop3A_537 = arith.constant 96 : index
            %parallel_loop3A_538 = tpu.vector_load %arg12[%parallel_loop3A_536, %parallel_loop3A_537] {strides = array<i32>} : memref<80x128xf32, #tpu.memory_space<vmem>>, vector<16xf32>,
            %parallel_loop3A_539 = arith.mulf %parallel_loop3A_538, %parallel_loop3A_535 : vector<16xf32>
            %parallel_loop3A_540 = arith.index_cast %parallel_loop3A_473 : i32 to index
            %parallel_loop3A_541 = arith.constant 96 : index
            %parallel_loop3A_542 = tpu.vector_load %arg16[%parallel_loop3A_540, %parallel_loop3A_541] {strides = array<i32>} : memref<80x144xf32, #tpu.memory_space<vmem>>, vector<16xf32>,
            tpu.vector_store %arg16[%parallel_loop3A_540, %parallel_loop3A_541], %parallel_loop3A_539 {strides = array<i32>} : memref<80x144xf32, #tpu.memory_space<vmem>>, vector<16xf32>,
            %parallel_loop3A_543 = arith.index_cast %parallel_loop3A_473 : i32 to index
            %parallel_loop3A_544 = arith.constant 112 : index
            %parallel_loop3A_545 = tpu.vector_load %arg12[%parallel_loop3A_543, %parallel_loop3A_544] {strides = array<i32>} : memref<80x128xf32, #tpu.memory_space<vmem>>, vector<16xf32>,
            %parallel_loop3A_546 = arith.mulf %parallel_loop3A_545, %parallel_loop3A_535 : vector<16xf32>
            %parallel_loop3A_547 = arith.index_cast %parallel_loop3A_473 : i32 to index
            %parallel_loop3A_548 = arith.constant 112 : index
            %parallel_loop3A_549 = tpu.vector_load %arg16[%parallel_loop3A_547, %parallel_loop3A_548] {strides = array<i32>} : memref<80x144xf32, #tpu.memory_space<vmem>>, vector<16xf32>,
            tpu.vector_store %arg16[%parallel_loop3A_547, %parallel_loop3A_548], %parallel_loop3A_546 {strides = array<i32>} : memref<80x144xf32, #tpu.memory_space<vmem>>, vector<16xf32>,
          } {sc.loop_unroll_factor = 4 : i64, sc.parallel_access}
        }
        %scan3A_336 = arith.constant 5 : i32
        %dma_start3A_337 = arith.constant 0 : i32
        %dma_start3A_338 = tpu.memref_slice %arg8[%mul3A_308, %dma_start3A_337] : memref<20x80xi32, #tpu.memory_space<vmem>> -> memref<1x80xi32, #tpu.memory_space<vmem>>
        %dma_start3A_339 = tpu.memref_squeeze %dma_start3A_338 : memref<1x80xi32, #tpu.memory_space<vmem>> -> memref<80xi32, #tpu.memory_space<vmem>>
        %dma_start3A_340 = arith.constant 0 : i32
        %dma_start3A_341 = arith.constant 0 : i32
        %dma_start3A_342 = tpu.memref_slice %arg19[%dma_start3A_340, %dma_start3A_341] : memref<10000x144xf32, #tpu.memory_space<vmem_shared>> -> memref<10000x144xf32, #tpu.memory_space<vmem_shared>>
        tpu.enqueue_indirect_dma source(%arg16 : memref<80x144xf32, #tpu.memory_space<vmem>>) target(%dma_start3A_342 : memref<10000x144xf32, #tpu.memory_space<vmem_shared>>) offsets(%dma_start3A_339 : memref<80xi32, #tpu.memory_space<vmem>>) semaphore(%arg26 : memref<!tpu.dma_semaphore, #tpu.memory_space<semaphore_mem>>) {add = true}
        %sub3A_343 = arith.constant 1 : i32
        %sub3A_344 = arith.subi %select_n3A, %sub3A_343 : i32
        %eq3A = arith.cmpi eq, %mul3A_308, %sub3A_344 : i32
        %convert_element_type3A_345 = arith.extui %eq3A : i1 to i32
        %cond3A_346 = arith.constant 0 : i32
        %cond3A_347 = arith.cmpi ne, %convert_element_type3A_345, %cond3A_346 : i32
        scf.if %cond3A_347 {
          %dma_wait3A_360 = arith.constant 0 : i32
          %dma_wait3A_361 = arith.constant 0 : i32
          %dma_wait3A_362 = tpu.memref_slice %arg8[%dma_wait3A_360, %dma_wait3A_361] : memref<20x80xi32, #tpu.memory_space<vmem>> -> memref<1x80xi32, #tpu.memory_space<vmem>>
          %dma_wait3A_363 = tpu.memref_squeeze %dma_wait3A_362 : memref<1x80xi32, #tpu.memory_space<vmem>> -> memref<80xi32, #tpu.memory_space<vmem>>
          %dma_wait3A_364 = arith.constant 0 : i32
          %dma_wait3A_365 = arith.constant 0 : i32
          %dma_wait3A_366 = tpu.memref_slice %arg19[%dma_wait3A_364, %dma_wait3A_365] : memref<10000x144xf32, #tpu.memory_space<vmem_shared>> -> memref<10000x144xf32, #tpu.memory_space<vmem_shared>>
          tpu.wait_indirect_dma semaphore(%arg26 : memref<!tpu.dma_semaphore, #tpu.memory_space<semaphore_mem>>) src(%arg16 : memref<80x144xf32, #tpu.memory_space<vmem>>) dst(%dma_wait3A_366 : memref<10000x144xf32, #tpu.memory_space<vmem_shared>>)
        } else {
        }
        %add3A_348 = arith.constant 2 : i32
        %add3A_349 = arith.addi %mul3A_308, %add3A_348 : i32
        %lt3A_350 = arith.cmpi slt, %add3A_349, %select_n3A : i32
        %convert_element_type3A_351 = arith.extui %lt3A_350 : i1 to i32
        %cond3A_352 = arith.constant 0 : i32
        %cond3A_353 = arith.cmpi ne, %convert_element_type3A_351, %cond3A_352 : i32
        scf.if %cond3A_353 {
          %add3A_360 = arith.constant 2 : i32
          %add3A_361 = arith.addi %mul3A_308, %add3A_360 : i32
          %dma_start3A_362 = arith.constant 0 : i32
          %dma_start3A_363 = tpu.memref_slice %arg8[%add3A_361, %dma_start3A_362] : memref<20x80xi32, #tpu.memory_space<vmem>> -> memref<1x80xi32, #tpu.memory_space<vmem>>
          %dma_start3A_364 = tpu.memref_squeeze %dma_start3A_363 : memref<1x80xi32, #tpu.memory_space<vmem>> -> memref<80xi32, #tpu.memory_space<vmem>>
          %dma_start3A_365 = arith.constant 0 : i32
          %dma_start3A_366 = arith.constant 0 : i32
          %dma_start3A_367 = tpu.memref_slice %arg3[%dma_start3A_365, %dma_start3A_366] : memref<10000x16xf32, #tpu.memory_space<hbm>> -> memref<10000x16xf32, #tpu.memory_space<hbm>>
          tpu.enqueue_indirect_dma source(%dma_start3A_367 : memref<10000x16xf32, #tpu.memory_space<hbm>>) target(%arg10 : memref<80x16xf32, #tpu.memory_space<vmem>>) offsets(%dma_start3A_364 : memref<80xi32, #tpu.memory_space<vmem>>) semaphore(%arg20 : memref<!tpu.dma_semaphore, #tpu.memory_space<semaphore_mem>>)
          %dma_start3A_368 = arith.constant 0 : i32
          %dma_start3A_369 = tpu.memref_slice %arg9[%add3A_361, %dma_start3A_368] : memref<20x80xi32, #tpu.memory_space<vmem>> -> memref<1x80xi32, #tpu.memory_space<vmem>>
          %dma_start3A_370 = tpu.memref_squeeze %dma_start3A_369 : memref<1x80xi32, #tpu.memory_space<vmem>> -> memref<80xi32, #tpu.memory_space<vmem>>
          %dma_start3A_371 = arith.constant 0 : i32
          %dma_start3A_372 = arith.constant 0 : i32
          %dma_start3A_373 = tpu.memref_slice %arg3[%dma_start3A_371, %dma_start3A_372] : memref<10000x16xf32, #tpu.memory_space<hbm>> -> memref<10000x16xf32, #tpu.memory_space<hbm>>
          tpu.enqueue_indirect_dma source(%dma_start3A_373 : memref<10000x16xf32, #tpu.memory_space<hbm>>) target(%arg11 : memref<80x16xf32, #tpu.memory_space<vmem>>) offsets(%dma_start3A_370 : memref<80xi32, #tpu.memory_space<vmem>>) semaphore(%arg21 : memref<!tpu.dma_semaphore, #tpu.memory_space<semaphore_mem>>)
          %dma_start3A_374 = arith.constant 0 : i32
          %dma_start3A_375 = tpu.memref_slice %arg9[%add3A_361, %dma_start3A_374] : memref<20x80xi32, #tpu.memory_space<vmem>> -> memref<1x80xi32, #tpu.memory_space<vmem>>
          %dma_start3A_376 = tpu.memref_squeeze %dma_start3A_375 : memref<1x80xi32, #tpu.memory_space<vmem>> -> memref<80xi32, #tpu.memory_space<vmem>>
          %dma_start3A_377 = arith.constant 0 : i32
          %dma_start3A_378 = arith.constant 0 : i32
          %dma_start3A_379 = tpu.memref_slice %arg2[%dma_start3A_377, %dma_start3A_378] : memref<10000x128xf32, #tpu.memory_space<hbm>> -> memref<10000x128xf32, #tpu.memory_space<hbm>>
          tpu.enqueue_indirect_dma source(%dma_start3A_379 : memref<10000x128xf32, #tpu.memory_space<hbm>>) target(%arg12 : memref<80x128xf32, #tpu.memory_space<vmem>>) offsets(%dma_start3A_376 : memref<80xi32, #tpu.memory_space<vmem>>) semaphore(%arg22 : memref<!tpu.dma_semaphore, #tpu.memory_space<semaphore_mem>>)
        } else {
        }
        %add3A_354 = arith.constant 1 : i32
        %add3A_355 = arith.addi %mul3A_308, %add3A_354 : i32
        %lt3A_356 = arith.cmpi slt, %add3A_355, %select_n3A : i32
        %convert_element_type3A_357 = arith.extui %lt3A_356 : i1 to i32
        %cond3A_358 = arith.constant 0 : i32
        %cond3A_359 = arith.cmpi ne, %convert_element_type3A_357, %cond3A_358 : i32
        scf.if %cond3A_359 {
          %dma_wait3A_360 = arith.constant 0 : i32
          %dma_wait3A_361 = arith.constant 0 : i32
          %dma_wait3A_362 = tpu.memref_slice %arg8[%dma_wait3A_360, %dma_wait3A_361] : memref<20x80xi32, #tpu.memory_space<vmem>> -> memref<1x80xi32, #tpu.memory_space<vmem>>
          %dma_wait3A_363 = tpu.memref_squeeze %dma_wait3A_362 : memref<1x80xi32, #tpu.memory_space<vmem>> -> memref<80xi32, #tpu.memory_space<vmem>>
          %dma_wait3A_364 = arith.constant 0 : i32
          %dma_wait3A_365 = arith.constant 0 : i32
          %dma_wait3A_366 = tpu.memref_slice %arg3[%dma_wait3A_364, %dma_wait3A_365] : memref<10000x16xf32, #tpu.memory_space<hbm>> -> memref<10000x16xf32, #tpu.memory_space<hbm>>
          tpu.wait_indirect_dma semaphore(%arg23 : memref<!tpu.dma_semaphore, #tpu.memory_space<semaphore_mem>>) src(%dma_wait3A_366 : memref<10000x16xf32, #tpu.memory_space<hbm>>) dst(%arg13 : memref<80x16xf32, #tpu.memory_space<vmem>>)
          %dma_wait3A_367 = arith.constant 0 : i32
          %dma_wait3A_368 = arith.constant 0 : i32
          %dma_wait3A_369 = tpu.memref_slice %arg9[%dma_wait3A_367, %dma_wait3A_368] : memref<20x80xi32, #tpu.memory_space<vmem>> -> memref<1x80xi32, #tpu.memory_space<vmem>>
          %dma_wait3A_370 = tpu.memref_squeeze %dma_wait3A_369 : memref<1x80xi32, #tpu.memory_space<vmem>> -> memref<80xi32, #tpu.memory_space<vmem>>
          %dma_wait3A_371 = arith.constant 0 : i32
          %dma_wait3A_372 = arith.constant 0 : i32
          %dma_wait3A_373 = tpu.memref_slice %arg3[%dma_wait3A_371, %dma_wait3A_372] : memref<10000x16xf32, #tpu.memory_space<hbm>> -> memref<10000x16xf32, #tpu.memory_space<hbm>>
          tpu.wait_indirect_dma semaphore(%arg24 : memref<!tpu.dma_semaphore, #tpu.memory_space<semaphore_mem>>) src(%dma_wait3A_373 : memref<10000x16xf32, #tpu.memory_space<hbm>>) dst(%arg14 : memref<80x16xf32, #tpu.memory_space<vmem>>)
          %dma_wait3A_374 = arith.constant 0 : i32
          %dma_wait3A_375 = arith.constant 0 : i32
          %dma_wait3A_376 = tpu.memref_slice %arg9[%dma_wait3A_374, %dma_wait3A_375] : memref<20x80xi32, #tpu.memory_space<vmem>> -> memref<1x80xi32, #tpu.memory_space<vmem>>
          %dma_wait3A_377 = tpu.memref_squeeze %dma_wait3A_376 : memref<1x80xi32, #tpu.memory_space<vmem>> -> memref<80xi32, #tpu.memory_space<vmem>>
          %dma_wait3A_378 = arith.constant 0 : i32
          %dma_wait3A_379 = arith.constant 0 : i32
          %dma_wait3A_380 = tpu.memref_slice %arg2[%dma_wait3A_378, %dma_wait3A_379] : memref<10000x128xf32, #tpu.memory_space<hbm>> -> memref<10000x128xf32, #tpu.memory_space<hbm>>
          tpu.wait_indirect_dma semaphore(%arg25 : memref<!tpu.dma_semaphore, #tpu.memory_space<semaphore_mem>>) src(%dma_wait3A_380 : memref<10000x128xf32, #tpu.memory_space<hbm>>) dst(%arg15 : memref<80x128xf32, #tpu.memory_space<vmem>>)
          %add3A_381 = arith.constant 1 : i32
          %add3A_382 = arith.addi %mul3A_308, %add3A_381 : i32
          %gt3A_383 = arith.constant 0 : i32
          %gt3A_384 = arith.cmpi sgt, %add3A_382, %gt3A_383 : i32
          %convert_element_type3A_385 = arith.extui %gt3A_384 : i1 to i32
          %cond3A_386 = arith.constant 0 : i32
          %cond3A_387 = arith.cmpi ne, %convert_element_type3A_385, %cond3A_386 : i32
          scf.if %cond3A_387 {
            %dma_wait3A_411 = arith.constant 0 : i32
            %dma_wait3A_412 = arith.constant 0 : i32
            %dma_wait3A_413 = tpu.memref_slice %arg8[%dma_wait3A_411, %dma_wait3A_412] : memref<20x80xi32, #tpu.memory_space<vmem>> -> memref<1x80xi32, #tpu.memory_space<vmem>>
            %dma_wait3A_414 = tpu.memref_squeeze %dma_wait3A_413 : memref<1x80xi32, #tpu.memory_space<vmem>> -> memref<80xi32, #tpu.memory_space<vmem>>
            %dma_wait3A_415 = arith.constant 0 : i32
            %dma_wait3A_416 = arith.constant 0 : i32
            %dma_wait3A_417 = tpu.memref_slice %arg19[%dma_wait3A_415, %dma_wait3A_416] : memref<10000x144xf32, #tpu.memory_space<vmem_shared>> -> memref<10000x144xf32, #tpu.memory_space<vmem_shared>>
            tpu.wait_indirect_dma semaphore(%arg26 : memref<!tpu.dma_semaphore, #tpu.memory_space<semaphore_mem>>) src(%arg16 : memref<80x144xf32, #tpu.memory_space<vmem>>) dst(%dma_wait3A_417 : memref<10000x144xf32, #tpu.memory_space<vmem_shared>>)
          } else {
          }
          %scan3A_388 = arith.constant 0 : i32
          %scan3A_389 = arith.constant 5 : i32
          %scan3A_390 = arith.addi %scan3A_388, %scan3A_389 : i32
          %scan3A_391 = arith.constant 1 : i32
          scf.for %scan3A_411 = %scan3A_388 to %scan3A_390 step %scan3A_391  : i32 {
            %mul3A_412 = arith.constant 1 : i32
            %mul3A_413 = arith.muli %scan3A_411, %mul3A_412 : i32
            %add3A_414 = arith.constant 0 : i32
            %add3A_415 = arith.addi %add3A_414, %mul3A_413 : i32
            %mul3A_416 = arith.constant 16 : i32
            %mul3A_417 = arith.muli %add3A_415, %mul3A_416 : i32
            %add3A_418 = vector.broadcast %mul3A_417 : i32 to vector<16xi32>
            %add3A_419 = arith.addi %iota3A, %add3A_418 : vector<16xi32>
            %broadcast_in_dim3A_420 = arith.constant 8 : i32
            %broadcast_in_dim3A_421 = vector.broadcast %broadcast_in_dim3A_420 : i32 to vector<16xi32>
            %gather3A = tpu.vector_load_idx %arg13[%add3A_419, %broadcast_in_dim3A_421] : memref<80x16xf32, #tpu.memory_space<vmem>>[vector<16xi32>, vector<16xi32>], vector<16xf32>,
            %broadcast_in_dim3A_422 = arith.constant 12 : i32
            %broadcast_in_dim3A_423 = vector.broadcast %broadcast_in_dim3A_422 : i32 to vector<16xi32>
            %gather3A_424 = tpu.vector_load_idx %arg14[%add3A_419, %broadcast_in_dim3A_423] : memref<80x16xf32, #tpu.memory_space<vmem>>[vector<16xi32>, vector<16xi32>], vector<16xf32>,
            %get3A = arith.constant 0 : i32
            %get3A_425 = arith.index_cast %get3A : i32 to index
            %get3A_426 = arith.constant 0 : index
            %get3A_427 = tpu.vector_load %arg18[%get3A_425, %get3A_426] {strides = array<i32>} : memref<4x16xf32, #tpu.memory_space<vmem>>, vector<16xf32>,
            %add3A_428 = arith.addf %gather3A, %gather3A_424 : vector<16xf32>
            %mul3A_429 = arith.constant 2.000000e-02 : f32
            %mul3A_430 = vector.broadcast %mul3A_429 : f32 to vector<16xf32>
            %mul3A_431 = arith.mulf %add3A_428, %mul3A_430 : vector<16xf32>
            %max3A = arith.maximumf %add3A_428, %mul3A_431 : vector<16xf32>
            %add3A_432 = arith.addf %gather3A, %get3A_427 : vector<16xf32>
            %mul3A_433 = arith.constant 2.000000e-02 : f32
            %mul3A_434 = vector.broadcast %mul3A_433 : f32 to vector<16xf32>
            %mul3A_435 = arith.mulf %add3A_432, %mul3A_434 : vector<16xf32>
            %max3A_436 = arith.maximumf %add3A_432, %mul3A_435 : vector<16xf32>
            %sub3A_437 = arith.subf %max3A, %max3A_436 : vector<16xf32>
            %exp3A = math.exp %sub3A_437 : vector<16xf32>
            %broadcast_in_dim3A_438 = arith.constant 128 : i32
            %broadcast_in_dim3A_439 = vector.broadcast %broadcast_in_dim3A_438 : i32 to vector<16xi32>
            tpu.vector_store_idx %arg16[%add3A_419, %broadcast_in_dim3A_439], %exp3A : memref<80x144xf32, #tpu.memory_space<vmem>>[vector<16xi32>, vector<16xi32>], vector<16xf32>,
            %swap3A = arith.constant 16 : index
            %swap3A_440 = tpu.vector_load %arg17[%swap3A] {strides = array<i32>} : memref<96xf32, #tpu.memory_space<vmem>>, vector<16xf32>,
            tpu.vector_store %arg17[%swap3A], %exp3A {strides = array<i32>} : memref<96xf32, #tpu.memory_space<vmem>>, vector<16xf32>,
            %broadcast_in_dim3A_441 = arith.constant 9 : i32
            %broadcast_in_dim3A_442 = vector.broadcast %broadcast_in_dim3A_441 : i32 to vector<16xi32>
            %gather3A_443 = tpu.vector_load_idx %arg13[%add3A_419, %broadcast_in_dim3A_442] : memref<80x16xf32, #tpu.memory_space<vmem>>[vector<16xi32>, vector<16xi32>], vector<16xf32>,
            %broadcast_in_dim3A_444 = arith.constant 13 : i32
            %broadcast_in_dim3A_445 = vector.broadcast %broadcast_in_dim3A_444 : i32 to vector<16xi32>
            %gather3A_446 = tpu.vector_load_idx %arg14[%add3A_419, %broadcast_in_dim3A_445] : memref<80x16xf32, #tpu.memory_space<vmem>>[vector<16xi32>, vector<16xi32>], vector<16xf32>,
            %get3A_447 = arith.constant 1 : i32
            %get3A_448 = arith.index_cast %get3A_447 : i32 to index
            %get3A_449 = arith.constant 0 : index
            %get3A_450 = tpu.vector_load %arg18[%get3A_448, %get3A_449] {strides = array<i32>} : memref<4x16xf32, #tpu.memory_space<vmem>>, vector<16xf32>,
            %add3A_451 = arith.addf %gather3A_443, %gather3A_446 : vector<16xf32>
            %mul3A_452 = arith.constant 2.000000e-02 : f32
            %mul3A_453 = vector.broadcast %mul3A_452 : f32 to vector<16xf32>
            %mul3A_454 = arith.mulf %add3A_451, %mul3A_453 : vector<16xf32>
            %max3A_455 = arith.maximumf %add3A_451, %mul3A_454 : vector<16xf32>
            %add3A_456 = arith.addf %gather3A_443, %get3A_450 : vector<16xf32>
            %mul3A_457 = arith.constant 2.000000e-02 : f32
            %mul3A_458 = vector.broadcast %mul3A_457 : f32 to vector<16xf32>
            %mul3A_459 = arith.mulf %add3A_456, %mul3A_458 : vector<16xf32>
            %max3A_460 = arith.maximumf %add3A_456, %mul3A_459 : vector<16xf32>
            %sub3A_461 = arith.subf %max3A_455, %max3A_460 : vector<16xf32>
            %exp3A_462 = math.exp %sub3A_461 : vector<16xf32>
            %broadcast_in_dim3A_463 = arith.constant 129 : i32
            %broadcast_in_dim3A_464 = vector.broadcast %broadcast_in_dim3A_463 : i32 to vector<16xi32>
            tpu.vector_store_idx %arg16[%add3A_419, %broadcast_in_dim3A_464], %exp3A_462 : memref<80x144xf32, #tpu.memory_space<vmem>>[vector<16xi32>, vector<16xi32>], vector<16xf32>,
            %swap3A_465 = arith.constant 32 : index
            %swap3A_466 = tpu.vector_load %arg17[%swap3A_465] {strides = array<i32>} : memref<96xf32, #tpu.memory_space<vmem>>, vector<16xf32>,
            tpu.vector_store %arg17[%swap3A_465], %exp3A_462 {strides = array<i32>} : memref<96xf32, #tpu.memory_space<vmem>>, vector<16xf32>,
            %broadcast_in_dim3A_467 = arith.constant 10 : i32
            %broadcast_in_dim3A_468 = vector.broadcast %broadcast_in_dim3A_467 : i32 to vector<16xi32>
            %gather3A_469 = tpu.vector_load_idx %arg13[%add3A_419, %broadcast_in_dim3A_468] : memref<80x16xf32, #tpu.memory_space<vmem>>[vector<16xi32>, vector<16xi32>], vector<16xf32>,
            %broadcast_in_dim3A_470 = arith.constant 14 : i32
            %broadcast_in_dim3A_471 = vector.broadcast %broadcast_in_dim3A_470 : i32 to vector<16xi32>
            %gather3A_472 = tpu.vector_load_idx %arg14[%add3A_419, %broadcast_in_dim3A_471] : memref<80x16xf32, #tpu.memory_space<vmem>>[vector<16xi32>, vector<16xi32>], vector<16xf32>,
            %get3A_473 = arith.constant 2 : i32
            %get3A_474 = arith.index_cast %get3A_473 : i32 to index
            %get3A_475 = arith.constant 0 : index
            %get3A_476 = tpu.vector_load %arg18[%get3A_474, %get3A_475] {strides = array<i32>} : memref<4x16xf32, #tpu.memory_space<vmem>>, vector<16xf32>,
            %add3A_477 = arith.addf %gather3A_469, %gather3A_472 : vector<16xf32>
            %mul3A_478 = arith.constant 2.000000e-02 : f32
            %mul3A_479 = vector.broadcast %mul3A_478 : f32 to vector<16xf32>
            %mul3A_480 = arith.mulf %add3A_477, %mul3A_479 : vector<16xf32>
            %max3A_481 = arith.maximumf %add3A_477, %mul3A_480 : vector<16xf32>
            %add3A_482 = arith.addf %gather3A_469, %get3A_476 : vector<16xf32>
            %mul3A_483 = arith.constant 2.000000e-02 : f32
            %mul3A_484 = vector.broadcast %mul3A_483 : f32 to vector<16xf32>
            %mul3A_485 = arith.mulf %add3A_482, %mul3A_484 : vector<16xf32>
            %max3A_486 = arith.maximumf %add3A_482, %mul3A_485 : vector<16xf32>
            %sub3A_487 = arith.subf %max3A_481, %max3A_486 : vector<16xf32>
            %exp3A_488 = math.exp %sub3A_487 : vector<16xf32>
            %broadcast_in_dim3A_489 = arith.constant 130 : i32
            %broadcast_in_dim3A_490 = vector.broadcast %broadcast_in_dim3A_489 : i32 to vector<16xi32>
            tpu.vector_store_idx %arg16[%add3A_419, %broadcast_in_dim3A_490], %exp3A_488 : memref<80x144xf32, #tpu.memory_space<vmem>>[vector<16xi32>, vector<16xi32>], vector<16xf32>,
            %swap3A_491 = arith.constant 48 : index
            %swap3A_492 = tpu.vector_load %arg17[%swap3A_491] {strides = array<i32>} : memref<96xf32, #tpu.memory_space<vmem>>, vector<16xf32>,
            tpu.vector_store %arg17[%swap3A_491], %exp3A_488 {strides = array<i32>} : memref<96xf32, #tpu.memory_space<vmem>>, vector<16xf32>,
            %broadcast_in_dim3A_493 = arith.constant 11 : i32
            %broadcast_in_dim3A_494 = vector.broadcast %broadcast_in_dim3A_493 : i32 to vector<16xi32>
            %gather3A_495 = tpu.vector_load_idx %arg13[%add3A_419, %broadcast_in_dim3A_494] : memref<80x16xf32, #tpu.memory_space<vmem>>[vector<16xi32>, vector<16xi32>], vector<16xf32>,
            %broadcast_in_dim3A_496 = arith.constant 15 : i32
            %broadcast_in_dim3A_497 = vector.broadcast %broadcast_in_dim3A_496 : i32 to vector<16xi32>
            %gather3A_498 = tpu.vector_load_idx %arg14[%add3A_419, %broadcast_in_dim3A_497] : memref<80x16xf32, #tpu.memory_space<vmem>>[vector<16xi32>, vector<16xi32>], vector<16xf32>,
            %get3A_499 = arith.constant 3 : i32
            %get3A_500 = arith.index_cast %get3A_499 : i32 to index
            %get3A_501 = arith.constant 0 : index
            %get3A_502 = tpu.vector_load %arg18[%get3A_500, %get3A_501] {strides = array<i32>} : memref<4x16xf32, #tpu.memory_space<vmem>>, vector<16xf32>,
            %add3A_503 = arith.addf %gather3A_495, %gather3A_498 : vector<16xf32>
            %mul3A_504 = arith.constant 2.000000e-02 : f32
            %mul3A_505 = vector.broadcast %mul3A_504 : f32 to vector<16xf32>
            %mul3A_506 = arith.mulf %add3A_503, %mul3A_505 : vector<16xf32>
            %max3A_507 = arith.maximumf %add3A_503, %mul3A_506 : vector<16xf32>
            %add3A_508 = arith.addf %gather3A_495, %get3A_502 : vector<16xf32>
            %mul3A_509 = arith.constant 2.000000e-02 : f32
            %mul3A_510 = vector.broadcast %mul3A_509 : f32 to vector<16xf32>
            %mul3A_511 = arith.mulf %add3A_508, %mul3A_510 : vector<16xf32>
            %max3A_512 = arith.maximumf %add3A_508, %mul3A_511 : vector<16xf32>
            %sub3A_513 = arith.subf %max3A_507, %max3A_512 : vector<16xf32>
            %exp3A_514 = math.exp %sub3A_513 : vector<16xf32>
            %broadcast_in_dim3A_515 = arith.constant 131 : i32
            %broadcast_in_dim3A_516 = vector.broadcast %broadcast_in_dim3A_515 : i32 to vector<16xi32>
            tpu.vector_store_idx %arg16[%add3A_419, %broadcast_in_dim3A_516], %exp3A_514 : memref<80x144xf32, #tpu.memory_space<vmem>>[vector<16xi32>, vector<16xi32>], vector<16xf32>,
            %swap3A_517 = arith.constant 64 : index
            %swap3A_518 = tpu.vector_load %arg17[%swap3A_517] {strides = array<i32>} : memref<96xf32, #tpu.memory_space<vmem>>, vector<16xf32>,
            tpu.vector_store %arg17[%swap3A_517], %exp3A_514 {strides = array<i32>} : memref<96xf32, #tpu.memory_space<vmem>>, vector<16xf32>,
            %parallel_loop3A = arith.constant 0 : i32
            %parallel_loop3A_519 = arith.constant 16 : i32
            %parallel_loop3A_520 = arith.constant 1 : i32
            scf.for %parallel_loop3A_521 = %parallel_loop3A to %parallel_loop3A_519 step %parallel_loop3A_520  : i32 {
              %parallel_loop3A_522 = arith.constant 16 : i32
              %parallel_loop3A_523 = arith.muli %add3A_415, %parallel_loop3A_522 : i32
              %parallel_loop3A_524 = arith.addi %parallel_loop3A_523, %parallel_loop3A_521 : i32
              %parallel_loop3A_525 = arith.constant 16 : i32
              %parallel_loop3A_526 = vector.broadcast %parallel_loop3A_525 : i32 to vector<16xi32>
              %parallel_loop3A_527 = vector.broadcast %parallel_loop3A_521 : i32 to vector<16xi32>
              %parallel_loop3A_528 = arith.addi %parallel_loop3A_526, %parallel_loop3A_527 : vector<16xi32>
              %parallel_loop3A_529 = tpu.vector_load_idx %arg17[%parallel_loop3A_528] : memref<96xf32, #tpu.memory_space<vmem>>[vector<16xi32>], vector<16xf32>,
              %parallel_loop3A_530 = arith.index_cast %parallel_loop3A_524 : i32 to index
              %parallel_loop3A_531 = arith.constant 0 : index
              %parallel_loop3A_532 = tpu.vector_load %arg15[%parallel_loop3A_530, %parallel_loop3A_531] {strides = array<i32>} : memref<80x128xf32, #tpu.memory_space<vmem>>, vector<16xf32>,
              %parallel_loop3A_533 = arith.mulf %parallel_loop3A_532, %parallel_loop3A_529 : vector<16xf32>
              %parallel_loop3A_534 = arith.index_cast %parallel_loop3A_524 : i32 to index
              %parallel_loop3A_535 = arith.constant 0 : index
              %parallel_loop3A_536 = tpu.vector_load %arg16[%parallel_loop3A_534, %parallel_loop3A_535] {strides = array<i32>} : memref<80x144xf32, #tpu.memory_space<vmem>>, vector<16xf32>,
              tpu.vector_store %arg16[%parallel_loop3A_534, %parallel_loop3A_535], %parallel_loop3A_533 {strides = array<i32>} : memref<80x144xf32, #tpu.memory_space<vmem>>, vector<16xf32>,
              %parallel_loop3A_537 = arith.index_cast %parallel_loop3A_524 : i32 to index
              %parallel_loop3A_538 = arith.constant 16 : index
              %parallel_loop3A_539 = tpu.vector_load %arg15[%parallel_loop3A_537, %parallel_loop3A_538] {strides = array<i32>} : memref<80x128xf32, #tpu.memory_space<vmem>>, vector<16xf32>,
              %parallel_loop3A_540 = arith.mulf %parallel_loop3A_539, %parallel_loop3A_529 : vector<16xf32>
              %parallel_loop3A_541 = arith.index_cast %parallel_loop3A_524 : i32 to index
              %parallel_loop3A_542 = arith.constant 16 : index
              %parallel_loop3A_543 = tpu.vector_load %arg16[%parallel_loop3A_541, %parallel_loop3A_542] {strides = array<i32>} : memref<80x144xf32, #tpu.memory_space<vmem>>, vector<16xf32>,
              tpu.vector_store %arg16[%parallel_loop3A_541, %parallel_loop3A_542], %parallel_loop3A_540 {strides = array<i32>} : memref<80x144xf32, #tpu.memory_space<vmem>>, vector<16xf32>,
              %parallel_loop3A_544 = arith.constant 32 : i32
              %parallel_loop3A_545 = vector.broadcast %parallel_loop3A_544 : i32 to vector<16xi32>
              %parallel_loop3A_546 = vector.broadcast %parallel_loop3A_521 : i32 to vector<16xi32>
              %parallel_loop3A_547 = arith.addi %parallel_loop3A_545, %parallel_loop3A_546 : vector<16xi32>
              %parallel_loop3A_548 = tpu.vector_load_idx %arg17[%parallel_loop3A_547] : memref<96xf32, #tpu.memory_space<vmem>>[vector<16xi32>], vector<16xf32>,
              %parallel_loop3A_549 = arith.index_cast %parallel_loop3A_524 : i32 to index
              %parallel_loop3A_550 = arith.constant 32 : index
              %parallel_loop3A_551 = tpu.vector_load %arg15[%parallel_loop3A_549, %parallel_loop3A_550] {strides = array<i32>} : memref<80x128xf32, #tpu.memory_space<vmem>>, vector<16xf32>,
              %parallel_loop3A_552 = arith.mulf %parallel_loop3A_551, %parallel_loop3A_548 : vector<16xf32>
              %parallel_loop3A_553 = arith.index_cast %parallel_loop3A_524 : i32 to index
              %parallel_loop3A_554 = arith.constant 32 : index
              %parallel_loop3A_555 = tpu.vector_load %arg16[%parallel_loop3A_553, %parallel_loop3A_554] {strides = array<i32>} : memref<80x144xf32, #tpu.memory_space<vmem>>, vector<16xf32>,
              tpu.vector_store %arg16[%parallel_loop3A_553, %parallel_loop3A_554], %parallel_loop3A_552 {strides = array<i32>} : memref<80x144xf32, #tpu.memory_space<vmem>>, vector<16xf32>,
              %parallel_loop3A_556 = arith.index_cast %parallel_loop3A_524 : i32 to index
              %parallel_loop3A_557 = arith.constant 48 : index
              %parallel_loop3A_558 = tpu.vector_load %arg15[%parallel_loop3A_556, %parallel_loop3A_557] {strides = array<i32>} : memref<80x128xf32, #tpu.memory_space<vmem>>, vector<16xf32>,
              %parallel_loop3A_559 = arith.mulf %parallel_loop3A_558, %parallel_loop3A_548 : vector<16xf32>
              %parallel_loop3A_560 = arith.index_cast %parallel_loop3A_524 : i32 to index
              %parallel_loop3A_561 = arith.constant 48 : index
              %parallel_loop3A_562 = tpu.vector_load %arg16[%parallel_loop3A_560, %parallel_loop3A_561] {strides = array<i32>} : memref<80x144xf32, #tpu.memory_space<vmem>>, vector<16xf32>,
              tpu.vector_store %arg16[%parallel_loop3A_560, %parallel_loop3A_561], %parallel_loop3A_559 {strides = array<i32>} : memref<80x144xf32, #tpu.memory_space<vmem>>, vector<16xf32>,
              %parallel_loop3A_563 = arith.constant 48 : i32
              %parallel_loop3A_564 = vector.broadcast %parallel_loop3A_563 : i32 to vector<16xi32>
              %parallel_loop3A_565 = vector.broadcast %parallel_loop3A_521 : i32 to vector<16xi32>
              %parallel_loop3A_566 = arith.addi %parallel_loop3A_564, %parallel_loop3A_565 : vector<16xi32>
              %parallel_loop3A_567 = tpu.vector_load_idx %arg17[%parallel_loop3A_566] : memref<96xf32, #tpu.memory_space<vmem>>[vector<16xi32>], vector<16xf32>,
              %parallel_loop3A_568 = arith.index_cast %parallel_loop3A_524 : i32 to index
              %parallel_loop3A_569 = arith.constant 64 : index
              %parallel_loop3A_570 = tpu.vector_load %arg15[%parallel_loop3A_568, %parallel_loop3A_569] {strides = array<i32>} : memref<80x128xf32, #tpu.memory_space<vmem>>, vector<16xf32>,
              %parallel_loop3A_571 = arith.mulf %parallel_loop3A_570, %parallel_loop3A_567 : vector<16xf32>
              %parallel_loop3A_572 = arith.index_cast %parallel_loop3A_524 : i32 to index
              %parallel_loop3A_573 = arith.constant 64 : index
              %parallel_loop3A_574 = tpu.vector_load %arg16[%parallel_loop3A_572, %parallel_loop3A_573] {strides = array<i32>} : memref<80x144xf32, #tpu.memory_space<vmem>>, vector<16xf32>,
              tpu.vector_store %arg16[%parallel_loop3A_572, %parallel_loop3A_573], %parallel_loop3A_571 {strides = array<i32>} : memref<80x144xf32, #tpu.memory_space<vmem>>, vector<16xf32>,
              %parallel_loop3A_575 = arith.index_cast %parallel_loop3A_524 : i32 to index
              %parallel_loop3A_576 = arith.constant 80 : index
              %parallel_loop3A_577 = tpu.vector_load %arg15[%parallel_loop3A_575, %parallel_loop3A_576] {strides = array<i32>} : memref<80x128xf32, #tpu.memory_space<vmem>>, vector<16xf32>,
              %parallel_loop3A_578 = arith.mulf %parallel_loop3A_577, %parallel_loop3A_567 : vector<16xf32>
              %parallel_loop3A_579 = arith.index_cast %parallel_loop3A_524 : i32 to index
              %parallel_loop3A_580 = arith.constant 80 : index
              %parallel_loop3A_581 = tpu.vector_load %arg16[%parallel_loop3A_579, %parallel_loop3A_580] {strides = array<i32>} : memref<80x144xf32, #tpu.memory_space<vmem>>, vector<16xf32>,
              tpu.vector_store %arg16[%parallel_loop3A_579, %parallel_loop3A_580], %parallel_loop3A_578 {strides = array<i32>} : memref<80x144xf32, #tpu.memory_space<vmem>>, vector<16xf32>,
              %parallel_loop3A_582 = arith.constant 64 : i32
              %parallel_loop3A_583 = vector.broadcast %parallel_loop3A_582 : i32 to vector<16xi32>
              %parallel_loop3A_584 = vector.broadcast %parallel_loop3A_521 : i32 to vector<16xi32>
              %parallel_loop3A_585 = arith.addi %parallel_loop3A_583, %parallel_loop3A_584 : vector<16xi32>
              %parallel_loop3A_586 = tpu.vector_load_idx %arg17[%parallel_loop3A_585] : memref<96xf32, #tpu.memory_space<vmem>>[vector<16xi32>], vector<16xf32>,
              %parallel_loop3A_587 = arith.index_cast %parallel_loop3A_524 : i32 to index
              %parallel_loop3A_588 = arith.constant 96 : index
              %parallel_loop3A_589 = tpu.vector_load %arg15[%parallel_loop3A_587, %parallel_loop3A_588] {strides = array<i32>} : memref<80x128xf32, #tpu.memory_space<vmem>>, vector<16xf32>,
              %parallel_loop3A_590 = arith.mulf %parallel_loop3A_589, %parallel_loop3A_586 : vector<16xf32>
              %parallel_loop3A_591 = arith.index_cast %parallel_loop3A_524 : i32 to index
              %parallel_loop3A_592 = arith.constant 96 : index
              %parallel_loop3A_593 = tpu.vector_load %arg16[%parallel_loop3A_591, %parallel_loop3A_592] {strides = array<i32>} : memref<80x144xf32, #tpu.memory_space<vmem>>, vector<16xf32>,
              tpu.vector_store %arg16[%parallel_loop3A_591, %parallel_loop3A_592], %parallel_loop3A_590 {strides = array<i32>} : memref<80x144xf32, #tpu.memory_space<vmem>>, vector<16xf32>,
              %parallel_loop3A_594 = arith.index_cast %parallel_loop3A_524 : i32 to index
              %parallel_loop3A_595 = arith.constant 112 : index
              %parallel_loop3A_596 = tpu.vector_load %arg15[%parallel_loop3A_594, %parallel_loop3A_595] {strides = array<i32>} : memref<80x128xf32, #tpu.memory_space<vmem>>, vector<16xf32>,
              %parallel_loop3A_597 = arith.mulf %parallel_loop3A_596, %parallel_loop3A_586 : vector<16xf32>
              %parallel_loop3A_598 = arith.index_cast %parallel_loop3A_524 : i32 to index
              %parallel_loop3A_599 = arith.constant 112 : index
              %parallel_loop3A_600 = tpu.vector_load %arg16[%parallel_loop3A_598, %parallel_loop3A_599] {strides = array<i32>} : memref<80x144xf32, #tpu.memory_space<vmem>>, vector<16xf32>,
              tpu.vector_store %arg16[%parallel_loop3A_598, %parallel_loop3A_599], %parallel_loop3A_597 {strides = array<i32>} : memref<80x144xf32, #tpu.memory_space<vmem>>, vector<16xf32>,
            } {sc.loop_unroll_factor = 4 : i64, sc.parallel_access}
          }
          %scan3A_392 = arith.constant 5 : i32
          %dma_start3A_393 = arith.constant 0 : i32
          %dma_start3A_394 = tpu.memref_slice %arg8[%add3A_382, %dma_start3A_393] : memref<20x80xi32, #tpu.memory_space<vmem>> -> memref<1x80xi32, #tpu.memory_space<vmem>>
          %dma_start3A_395 = tpu.memref_squeeze %dma_start3A_394 : memref<1x80xi32, #tpu.memory_space<vmem>> -> memref<80xi32, #tpu.memory_space<vmem>>
          %dma_start3A_396 = arith.constant 0 : i32
          %dma_start3A_397 = arith.constant 0 : i32
          %dma_start3A_398 = tpu.memref_slice %arg19[%dma_start3A_396, %dma_start3A_397] : memref<10000x144xf32, #tpu.memory_space<vmem_shared>> -> memref<10000x144xf32, #tpu.memory_space<vmem_shared>>
          tpu.enqueue_indirect_dma source(%arg16 : memref<80x144xf32, #tpu.memory_space<vmem>>) target(%dma_start3A_398 : memref<10000x144xf32, #tpu.memory_space<vmem_shared>>) offsets(%dma_start3A_395 : memref<80xi32, #tpu.memory_space<vmem>>) semaphore(%arg26 : memref<!tpu.dma_semaphore, #tpu.memory_space<semaphore_mem>>) {add = true}
          %sub3A_399 = arith.constant 1 : i32
          %sub3A_400 = arith.subi %select_n3A, %sub3A_399 : i32
          %eq3A_401 = arith.cmpi eq, %add3A_382, %sub3A_400 : i32
          %convert_element_type3A_402 = arith.extui %eq3A_401 : i1 to i32
          %cond3A_403 = arith.constant 0 : i32
          %cond3A_404 = arith.cmpi ne, %convert_element_type3A_402, %cond3A_403 : i32
          scf.if %cond3A_404 {
            %dma_wait3A_411 = arith.constant 0 : i32
            %dma_wait3A_412 = arith.constant 0 : i32
            %dma_wait3A_413 = tpu.memref_slice %arg8[%dma_wait3A_411, %dma_wait3A_412] : memref<20x80xi32, #tpu.memory_space<vmem>> -> memref<1x80xi32, #tpu.memory_space<vmem>>
            %dma_wait3A_414 = tpu.memref_squeeze %dma_wait3A_413 : memref<1x80xi32, #tpu.memory_space<vmem>> -> memref<80xi32, #tpu.memory_space<vmem>>
            %dma_wait3A_415 = arith.constant 0 : i32
            %dma_wait3A_416 = arith.constant 0 : i32
            %dma_wait3A_417 = tpu.memref_slice %arg19[%dma_wait3A_415, %dma_wait3A_416] : memref<10000x144xf32, #tpu.memory_space<vmem_shared>> -> memref<10000x144xf32, #tpu.memory_space<vmem_shared>>
            tpu.wait_indirect_dma semaphore(%arg26 : memref<!tpu.dma_semaphore, #tpu.memory_space<semaphore_mem>>) src(%arg16 : memref<80x144xf32, #tpu.memory_space<vmem>>) dst(%dma_wait3A_417 : memref<10000x144xf32, #tpu.memory_space<vmem_shared>>)
          } else {
          }
          %add3A_405 = arith.constant 3 : i32
          %add3A_406 = arith.addi %mul3A_308, %add3A_405 : i32
          %lt3A_407 = arith.cmpi slt, %add3A_406, %select_n3A : i32
          %convert_element_type3A_408 = arith.extui %lt3A_407 : i1 to i32
          %cond3A_409 = arith.constant 0 : i32
          %cond3A_410 = arith.cmpi ne, %convert_element_type3A_408, %cond3A_409 : i32
          scf.if %cond3A_410 {
            %add3A_411 = arith.constant 3 : i32
            %add3A_412 = arith.addi %mul3A_308, %add3A_411 : i32
            %dma_start3A_413 = arith.constant 0 : i32
            %dma_start3A_414 = tpu.memref_slice %arg8[%add3A_412, %dma_start3A_413] : memref<20x80xi32, #tpu.memory_space<vmem>> -> memref<1x80xi32, #tpu.memory_space<vmem>>
            %dma_start3A_415 = tpu.memref_squeeze %dma_start3A_414 : memref<1x80xi32, #tpu.memory_space<vmem>> -> memref<80xi32, #tpu.memory_space<vmem>>
            %dma_start3A_416 = arith.constant 0 : i32
            %dma_start3A_417 = arith.constant 0 : i32
            %dma_start3A_418 = tpu.memref_slice %arg3[%dma_start3A_416, %dma_start3A_417] : memref<10000x16xf32, #tpu.memory_space<hbm>> -> memref<10000x16xf32, #tpu.memory_space<hbm>>
            tpu.enqueue_indirect_dma source(%dma_start3A_418 : memref<10000x16xf32, #tpu.memory_space<hbm>>) target(%arg13 : memref<80x16xf32, #tpu.memory_space<vmem>>) offsets(%dma_start3A_415 : memref<80xi32, #tpu.memory_space<vmem>>) semaphore(%arg23 : memref<!tpu.dma_semaphore, #tpu.memory_space<semaphore_mem>>)
            %dma_start3A_419 = arith.constant 0 : i32
            %dma_start3A_420 = tpu.memref_slice %arg9[%add3A_412, %dma_start3A_419] : memref<20x80xi32, #tpu.memory_space<vmem>> -> memref<1x80xi32, #tpu.memory_space<vmem>>
            %dma_start3A_421 = tpu.memref_squeeze %dma_start3A_420 : memref<1x80xi32, #tpu.memory_space<vmem>> -> memref<80xi32, #tpu.memory_space<vmem>>
            %dma_start3A_422 = arith.constant 0 : i32
            %dma_start3A_423 = arith.constant 0 : i32
            %dma_start3A_424 = tpu.memref_slice %arg3[%dma_start3A_422, %dma_start3A_423] : memref<10000x16xf32, #tpu.memory_space<hbm>> -> memref<10000x16xf32, #tpu.memory_space<hbm>>
            tpu.enqueue_indirect_dma source(%dma_start3A_424 : memref<10000x16xf32, #tpu.memory_space<hbm>>) target(%arg14 : memref<80x16xf32, #tpu.memory_space<vmem>>) offsets(%dma_start3A_421 : memref<80xi32, #tpu.memory_space<vmem>>) semaphore(%arg24 : memref<!tpu.dma_semaphore, #tpu.memory_space<semaphore_mem>>)
            %dma_start3A_425 = arith.constant 0 : i32
            %dma_start3A_426 = tpu.memref_slice %arg9[%add3A_412, %dma_start3A_425] : memref<20x80xi32, #tpu.memory_space<vmem>> -> memref<1x80xi32, #tpu.memory_space<vmem>>
            %dma_start3A_427 = tpu.memref_squeeze %dma_start3A_426 : memref<1x80xi32, #tpu.memory_space<vmem>> -> memref<80xi32, #tpu.memory_space<vmem>>
            %dma_start3A_428 = arith.constant 0 : i32
            %dma_start3A_429 = arith.constant 0 : i32
            %dma_start3A_430 = tpu.memref_slice %arg2[%dma_start3A_428, %dma_start3A_429] : memref<10000x128xf32, #tpu.memory_space<hbm>> -> memref<10000x128xf32, #tpu.memory_space<hbm>>
            tpu.enqueue_indirect_dma source(%dma_start3A_430 : memref<10000x128xf32, #tpu.memory_space<hbm>>) target(%arg15 : memref<80x128xf32, #tpu.memory_space<vmem>>) offsets(%dma_start3A_427 : memref<80xi32, #tpu.memory_space<vmem>>) semaphore(%arg25 : memref<!tpu.dma_semaphore, #tpu.memory_space<semaphore_mem>>)
          } else {
          }
        } else {
        }
      }
    }
    %scan3A_120 = arith.constant 7 : i32
    %barrier3A_121 = arith.constant 0 : index
    tpu.barrier barrier_id(%barrier3A_121)
    %mul3A_122 = arith.constant 625 : i32
    %mul3A_123 = arith.muli %arg1, %mul3A_122 : i32
    %add3A_124 = arith.constant 0 : i32
    %add3A_125 = arith.addi %mul3A_123, %add3A_124 : i32
    %add3A_126 = arith.constant 0 : i32
    %add3A_127 = arith.addi %mul3A_123, %add3A_126 : i32
    %dma_start3A_128 = arith.constant 0 : i32
    %dma_start3A_129 = tpu.memref_slice %arg7[%arg0, %add3A_127, %dma_start3A_128] : memref<2x10000x144xf32, #tpu.memory_space<hbm>> -> memref<1x125x144xf32, #tpu.memory_space<hbm>>
    %dma_start3A_130 = tpu.memref_squeeze %dma_start3A_129 : memref<1x125x144xf32, #tpu.memory_space<hbm>> -> memref<125x144xf32, #tpu.memory_space<hbm>>
    %dma_start3A_131 = arith.constant 0 : i32
    %dma_start3A_132 = tpu.memref_slice %arg19[%add3A_125, %dma_start3A_131] : memref<10000x144xf32, #tpu.memory_space<vmem_shared>> -> memref<125x144xf32, #tpu.memory_space<vmem_shared>>
    tpu.enqueue_dma source(%dma_start3A_132 : memref<125x144xf32, #tpu.memory_space<vmem_shared>>) target(%dma_start3A_130 : memref<125x144xf32, #tpu.memory_space<hbm>>) target_semaphore(%arg26 : memref<!tpu.dma_semaphore, #tpu.memory_space<semaphore_mem>>)
    %add3A_133 = arith.constant 125 : i32
    %add3A_134 = arith.addi %mul3A_123, %add3A_133 : i32
    %add3A_135 = arith.constant 125 : i32
    %add3A_136 = arith.addi %mul3A_123, %add3A_135 : i32
    %dma_start3A_137 = arith.constant 0 : i32
    %dma_start3A_138 = tpu.memref_slice %arg7[%arg0, %add3A_136, %dma_start3A_137] : memref<2x10000x144xf32, #tpu.memory_space<hbm>> -> memref<1x125x144xf32, #tpu.memory_space<hbm>>
    %dma_start3A_139 = tpu.memref_squeeze %dma_start3A_138 : memref<1x125x144xf32, #tpu.memory_space<hbm>> -> memref<125x144xf32, #tpu.memory_space<hbm>>
    %dma_start3A_140 = arith.constant 0 : i32
    %dma_start3A_141 = tpu.memref_slice %arg19[%add3A_134, %dma_start3A_140] : memref<10000x144xf32, #tpu.memory_space<vmem_shared>> -> memref<125x144xf32, #tpu.memory_space<vmem_shared>>
    tpu.enqueue_dma source(%dma_start3A_141 : memref<125x144xf32, #tpu.memory_space<vmem_shared>>) target(%dma_start3A_139 : memref<125x144xf32, #tpu.memory_space<hbm>>) target_semaphore(%arg26 : memref<!tpu.dma_semaphore, #tpu.memory_space<semaphore_mem>>)
    %add3A_142 = arith.constant 250 : i32
    %add3A_143 = arith.addi %mul3A_123, %add3A_142 : i32
    %add3A_144 = arith.constant 250 : i32
    %add3A_145 = arith.addi %mul3A_123, %add3A_144 : i32
    %dma_start3A_146 = arith.constant 0 : i32
    %dma_start3A_147 = tpu.memref_slice %arg7[%arg0, %add3A_145, %dma_start3A_146] : memref<2x10000x144xf32, #tpu.memory_space<hbm>> -> memref<1x125x144xf32, #tpu.memory_space<hbm>>
    %dma_start3A_148 = tpu.memref_squeeze %dma_start3A_147 : memref<1x125x144xf32, #tpu.memory_space<hbm>> -> memref<125x144xf32, #tpu.memory_space<hbm>>
    %dma_start3A_149 = arith.constant 0 : i32
    %dma_start3A_150 = tpu.memref_slice %arg19[%add3A_143, %dma_start3A_149] : memref<10000x144xf32, #tpu.memory_space<vmem_shared>> -> memref<125x144xf32, #tpu.memory_space<vmem_shared>>
    tpu.enqueue_dma source(%dma_start3A_150 : memref<125x144xf32, #tpu.memory_space<vmem_shared>>) target(%dma_start3A_148 : memref<125x144xf32, #tpu.memory_space<hbm>>) target_semaphore(%arg26 : memref<!tpu.dma_semaphore, #tpu.memory_space<semaphore_mem>>)
    %add3A_151 = arith.constant 375 : i32
    %add3A_152 = arith.addi %mul3A_123, %add3A_151 : i32
    %add3A_153 = arith.constant 375 : i32
    %add3A_154 = arith.addi %mul3A_123, %add3A_153 : i32
    %dma_start3A_155 = arith.constant 0 : i32
    %dma_start3A_156 = tpu.memref_slice %arg7[%arg0, %add3A_154, %dma_start3A_155] : memref<2x10000x144xf32, #tpu.memory_space<hbm>> -> memref<1x125x144xf32, #tpu.memory_space<hbm>>
    %dma_start3A_157 = tpu.memref_squeeze %dma_start3A_156 : memref<1x125x144xf32, #tpu.memory_space<hbm>> -> memref<125x144xf32, #tpu.memory_space<hbm>>
    %dma_start3A_158 = arith.constant 0 : i32
    %dma_start3A_159 = tpu.memref_slice %arg19[%add3A_152, %dma_start3A_158] : memref<10000x144xf32, #tpu.memory_space<vmem_shared>> -> memref<125x144xf32, #tpu.memory_space<vmem_shared>>
    tpu.enqueue_dma source(%dma_start3A_159 : memref<125x144xf32, #tpu.memory_space<vmem_shared>>) target(%dma_start3A_157 : memref<125x144xf32, #tpu.memory_space<hbm>>) target_semaphore(%arg26 : memref<!tpu.dma_semaphore, #tpu.memory_space<semaphore_mem>>)
    %add3A_160 = arith.constant 500 : i32
    %add3A_161 = arith.addi %mul3A_123, %add3A_160 : i32
    %add3A_162 = arith.constant 500 : i32
    %add3A_163 = arith.addi %mul3A_123, %add3A_162 : i32
    %dma_start3A_164 = arith.constant 0 : i32
    %dma_start3A_165 = tpu.memref_slice %arg7[%arg0, %add3A_163, %dma_start3A_164] : memref<2x10000x144xf32, #tpu.memory_space<hbm>> -> memref<1x125x144xf32, #tpu.memory_space<hbm>>
    %dma_start3A_166 = tpu.memref_squeeze %dma_start3A_165 : memref<1x125x144xf32, #tpu.memory_space<hbm>> -> memref<125x144xf32, #tpu.memory_space<hbm>>
    %dma_start3A_167 = arith.constant 0 : i32
    %dma_start3A_168 = tpu.memref_slice %arg19[%add3A_161, %dma_start3A_167] : memref<10000x144xf32, #tpu.memory_space<vmem_shared>> -> memref<125x144xf32, #tpu.memory_space<vmem_shared>>
    tpu.enqueue_dma source(%dma_start3A_168 : memref<125x144xf32, #tpu.memory_space<vmem_shared>>) target(%dma_start3A_166 : memref<125x144xf32, #tpu.memory_space<hbm>>) target_semaphore(%arg26 : memref<!tpu.dma_semaphore, #tpu.memory_space<semaphore_mem>>)
    %add3A_169 = arith.constant 0 : i32
    %add3A_170 = arith.addi %mul3A_123, %add3A_169 : i32
    %add3A_171 = arith.constant 0 : i32
    %add3A_172 = arith.addi %mul3A_123, %add3A_171 : i32
    %dma_wait3A_173 = arith.constant 0 : i32
    %dma_wait3A_174 = tpu.memref_slice %arg7[%arg0, %add3A_172, %dma_wait3A_173] : memref<2x10000x144xf32, #tpu.memory_space<hbm>> -> memref<1x125x144xf32, #tpu.memory_space<hbm>>
    %dma_wait3A_175 = tpu.memref_squeeze %dma_wait3A_174 : memref<1x125x144xf32, #tpu.memory_space<hbm>> -> memref<125x144xf32, #tpu.memory_space<hbm>>
    %dma_wait3A_176 = arith.constant 0 : i32
    %dma_wait3A_177 = tpu.memref_slice %arg19[%add3A_170, %dma_wait3A_176] : memref<10000x144xf32, #tpu.memory_space<vmem_shared>> -> memref<125x144xf32, #tpu.memory_space<vmem_shared>>
    tpu.wait_dma2 semaphore(%arg26 : memref<!tpu.dma_semaphore, #tpu.memory_space<semaphore_mem>>) src(%dma_wait3A_177 : memref<125x144xf32, #tpu.memory_space<vmem_shared>>) dst(%dma_wait3A_175 : memref<125x144xf32, #tpu.memory_space<hbm>>)
    %add3A_178 = arith.constant 125 : i32
    %add3A_179 = arith.addi %mul3A_123, %add3A_178 : i32
    %add3A_180 = arith.constant 125 : i32
    %add3A_181 = arith.addi %mul3A_123, %add3A_180 : i32
    %dma_wait3A_182 = arith.constant 0 : i32
    %dma_wait3A_183 = tpu.memref_slice %arg7[%arg0, %add3A_181, %dma_wait3A_182] : memref<2x10000x144xf32, #tpu.memory_space<hbm>> -> memref<1x125x144xf32, #tpu.memory_space<hbm>>
    %dma_wait3A_184 = tpu.memref_squeeze %dma_wait3A_183 : memref<1x125x144xf32, #tpu.memory_space<hbm>> -> memref<125x144xf32, #tpu.memory_space<hbm>>
    %dma_wait3A_185 = arith.constant 0 : i32
    %dma_wait3A_186 = tpu.memref_slice %arg19[%add3A_179, %dma_wait3A_185] : memref<10000x144xf32, #tpu.memory_space<vmem_shared>> -> memref<125x144xf32, #tpu.memory_space<vmem_shared>>
    tpu.wait_dma2 semaphore(%arg26 : memref<!tpu.dma_semaphore, #tpu.memory_space<semaphore_mem>>) src(%dma_wait3A_186 : memref<125x144xf32, #tpu.memory_space<vmem_shared>>) dst(%dma_wait3A_184 : memref<125x144xf32, #tpu.memory_space<hbm>>)
    %add3A_187 = arith.constant 250 : i32
    %add3A_188 = arith.addi %mul3A_123, %add3A_187 : i32
    %add3A_189 = arith.constant 250 : i32
    %add3A_190 = arith.addi %mul3A_123, %add3A_189 : i32
    %dma_wait3A_191 = arith.constant 0 : i32
    %dma_wait3A_192 = tpu.memref_slice %arg7[%arg0, %add3A_190, %dma_wait3A_191] : memref<2x10000x144xf32, #tpu.memory_space<hbm>> -> memref<1x125x144xf32, #tpu.memory_space<hbm>>
    %dma_wait3A_193 = tpu.memref_squeeze %dma_wait3A_192 : memref<1x125x144xf32, #tpu.memory_space<hbm>> -> memref<125x144xf32, #tpu.memory_space<hbm>>
    %dma_wait3A_194 = arith.constant 0 : i32
    %dma_wait3A_195 = tpu.memref_slice %arg19[%add3A_188, %dma_wait3A_194] : memref<10000x144xf32, #tpu.memory_space<vmem_shared>> -> memref<125x144xf32, #tpu.memory_space<vmem_shared>>
    tpu.wait_dma2 semaphore(%arg26 : memref<!tpu.dma_semaphore, #tpu.memory_space<semaphore_mem>>) src(%dma_wait3A_195 : memref<125x144xf32, #tpu.memory_space<vmem_shared>>) dst(%dma_wait3A_193 : memref<125x144xf32, #tpu.memory_space<hbm>>)
    %add3A_196 = arith.constant 375 : i32
    %add3A_197 = arith.addi %mul3A_123, %add3A_196 : i32
    %add3A_198 = arith.constant 375 : i32
    %add3A_199 = arith.addi %mul3A_123, %add3A_198 : i32
    %dma_wait3A_200 = arith.constant 0 : i32
    %dma_wait3A_201 = tpu.memref_slice %arg7[%arg0, %add3A_199, %dma_wait3A_200] : memref<2x10000x144xf32, #tpu.memory_space<hbm>> -> memref<1x125x144xf32, #tpu.memory_space<hbm>>
    %dma_wait3A_202 = tpu.memref_squeeze %dma_wait3A_201 : memref<1x125x144xf32, #tpu.memory_space<hbm>> -> memref<125x144xf32, #tpu.memory_space<hbm>>
    %dma_wait3A_203 = arith.constant 0 : i32
    %dma_wait3A_204 = tpu.memref_slice %arg19[%add3A_197, %dma_wait3A_203] : memref<10000x144xf32, #tpu.memory_space<vmem_shared>> -> memref<125x144xf32, #tpu.memory_space<vmem_shared>>
    tpu.wait_dma2 semaphore(%arg26 : memref<!tpu.dma_semaphore, #tpu.memory_space<semaphore_mem>>) src(%dma_wait3A_204 : memref<125x144xf32, #tpu.memory_space<vmem_shared>>) dst(%dma_wait3A_202 : memref<125x144xf32, #tpu.memory_space<hbm>>)
    %add3A_205 = arith.constant 500 : i32
    %add3A_206 = arith.addi %mul3A_123, %add3A_205 : i32
    %add3A_207 = arith.constant 500 : i32
    %add3A_208 = arith.addi %mul3A_123, %add3A_207 : i32
    %dma_wait3A_209 = arith.constant 0 : i32
    %dma_wait3A_210 = tpu.memref_slice %arg7[%arg0, %add3A_208, %dma_wait3A_209] : memref<2x10000x144xf32, #tpu.memory_space<hbm>> -> memref<1x125x144xf32, #tpu.memory_space<hbm>>
    %dma_wait3A_211 = tpu.memref_squeeze %dma_wait3A_210 : memref<1x125x144xf32, #tpu.memory_space<hbm>> -> memref<125x144xf32, #tpu.memory_space<hbm>>
    %dma_wait3A_212 = arith.constant 0 : i32
    %dma_wait3A_213 = tpu.memref_slice %arg19[%add3A_206, %dma_wait3A_212] : memref<10000x144xf32, #tpu.memory_space<vmem_shared>> -> memref<125x144xf32, #tpu.memory_space<vmem_shared>>
    tpu.wait_dma2 semaphore(%arg26 : memref<!tpu.dma_semaphore, #tpu.memory_space<semaphore_mem>>) src(%dma_wait3A_213 : memref<125x144xf32, #tpu.memory_space<vmem_shared>>) dst(%dma_wait3A_211 : memref<125x144xf32, #tpu.memory_space<hbm>>)
    return
  }
}

module attributes {stable_mosaic.version = 14 : i64} {
  func.func @_scores_body(%arg0: memref<10000x128xf32, #tpu.memory_space<vmem>>, %arg1: memref<128x16xf32, #tpu.memory_space<vmem>>, %arg2: memref<10000x16xf32, #tpu.memory_space<vmem>>) attributes {dimension_semantics = [], scalar_prefetch = 0 : i64, scratch_operands = 0 : i64, tpu.core_type = #tpu.core_type<tc>} {
    %get3A = arith.constant 0 : index
    %get3A_0 = arith.constant 0 : index
    %get3A_1 = vector.load %arg0[%get3A, %get3A_0] : memref<10000x128xf32, #tpu.memory_space<vmem>>, vector<10000x128xf32>
    %get3A_2 = arith.constant 0 : index
    %get3A_3 = arith.constant 0 : index
    %get3A_4 = vector.load %arg1[%get3A_2, %get3A_3] : memref<128x16xf32, #tpu.memory_space<vmem>>, vector<128x16xf32>
    %dot_general3A = arith.constant dense<0.000000e+00> : vector<10000x16xf32>
    %dot_general3A_5 = tpu.matmul %get3A_1, %get3A_4, %dot_general3A {dimension_numbers = #tpu.dot_dimension_numbers<[1], [0], [0], [1], [0, 0, 1, 1], [], []>, transpose_lhs_hint = false} : vector<10000x128xf32>, vector<128x16xf32>, vector<10000x16xf32> -> vector<10000x16xf32>
    %swap3A = arith.constant 0 : index
    %swap3A_6 = arith.constant 0 : index
    %swap3A_7 = vector.load %arg2[%swap3A, %swap3A_6] : memref<10000x16xf32, #tpu.memory_space<vmem>>, vector<10000x16xf32>
    tpu.vector_store %arg2[%swap3A, %swap3A_6], %dot_general3A_5 {strides = array<i32>} : memref<10000x16xf32, #tpu.memory_space<vmem>>, vector<10000x16xf32>,
    return
  }
}

module attributes {stable_mosaic.version = 14 : i64} {
  func.func @_norm_body(%arg0: i32, %arg1: memref<2x1000x144xf32, #tpu.memory_space<vmem>>, %arg2: memref<1000x128xf32, #tpu.memory_space<vmem>>) attributes {dimension_semantics = [#tpu.dimension_semantics<arbitrary>], iteration_bounds = array<i64: 10>, scalar_prefetch = 0 : i64, scratch_operands = 0 : i64, tpu.core_type = #tpu.core_type<tc>, window_params = [{transform_indices = @transform_0, window_bounds = array<i64: 2, 1000, 144>}, {transform_indices = @transform_1, window_bounds = array<i64: 1000, 128>}]} {
    %get3A = arith.constant 0 : index
    %get3A_0 = arith.constant 0 : index
    %get3A_1 = arith.constant 0 : index
    %get3A_2 = vector.load %arg1[%get3A, %get3A_0, %get3A_1] : memref<2x1000x144xf32, #tpu.memory_space<vmem>>, vector<2x1000x144xf32>
    %slice3A = vector.extract_strided_slice %get3A_2 {offsets = [0, 0, 0], sizes = [1, 1000, 144], strides = [1, 1, 1]} : vector<2x1000x144xf32> to vector<1x1000x144xf32>
    %squeeze3A = vector.shape_cast %slice3A : vector<1x1000x144xf32> to vector<1000x144xf32>
    %slice3A_3 = vector.extract_strided_slice %get3A_2 {offsets = [1, 0, 0], sizes = [1, 1000, 144], strides = [1, 1, 1]} : vector<2x1000x144xf32> to vector<1x1000x144xf32>
    %squeeze3A_4 = vector.shape_cast %slice3A_3 : vector<1x1000x144xf32> to vector<1000x144xf32>
    %add3A = arith.addf %squeeze3A, %squeeze3A_4 : vector<1000x144xf32>
    %slice3A_5 = vector.extract_strided_slice %add3A {offsets = [0, 128], sizes = [1000, 1], strides = [1, 1]} : vector<1000x144xf32> to vector<1000x1xf32>
    %squeeze3A_6 = vector.shape_cast %slice3A_5 : vector<1000x1xf32> to vector<1000xf32>
    %broadcast_in_dim3A = vector.shape_cast %squeeze3A_6 : vector<1000xf32> to vector<1000x1xf32>
    %add3A_7 = arith.constant 1.000000e-16 : f32
    %add3A_8 = vector.broadcast %add3A_7 : f32 to vector<1000x1xf32>
    %add3A_9 = arith.addf %broadcast_in_dim3A, %add3A_8 : vector<1000x1xf32>
    %slice3A_10 = vector.extract_strided_slice %add3A {offsets = [0, 0], sizes = [1000, 32], strides = [1, 1]} : vector<1000x144xf32> to vector<1000x32xf32>
    %div3A = vector.broadcast %add3A_9 : vector<1000x1xf32> to vector<1000x32xf32>
    %div3A_11 = arith.divf %slice3A_10, %div3A : vector<1000x32xf32>
    %slice3A_12 = vector.extract_strided_slice %add3A {offsets = [0, 129], sizes = [1000, 1], strides = [1, 1]} : vector<1000x144xf32> to vector<1000x1xf32>
    %squeeze3A_13 = vector.shape_cast %slice3A_12 : vector<1000x1xf32> to vector<1000xf32>
    %broadcast_in_dim3A_14 = vector.shape_cast %squeeze3A_13 : vector<1000xf32> to vector<1000x1xf32>
    %add3A_15 = arith.constant 1.000000e-16 : f32
    %add3A_16 = vector.broadcast %add3A_15 : f32 to vector<1000x1xf32>
    %add3A_17 = arith.addf %broadcast_in_dim3A_14, %add3A_16 : vector<1000x1xf32>
    %slice3A_18 = vector.extract_strided_slice %add3A {offsets = [0, 32], sizes = [1000, 32], strides = [1, 1]} : vector<1000x144xf32> to vector<1000x32xf32>
    %div3A_19 = vector.broadcast %add3A_17 : vector<1000x1xf32> to vector<1000x32xf32>
    %div3A_20 = arith.divf %slice3A_18, %div3A_19 : vector<1000x32xf32>
    %slice3A_21 = vector.extract_strided_slice %add3A {offsets = [0, 130], sizes = [1000, 1], strides = [1, 1]} : vector<1000x144xf32> to vector<1000x1xf32>
    %squeeze3A_22 = vector.shape_cast %slice3A_21 : vector<1000x1xf32> to vector<1000xf32>
    %broadcast_in_dim3A_23 = vector.shape_cast %squeeze3A_22 : vector<1000xf32> to vector<1000x1xf32>
    %add3A_24 = arith.constant 1.000000e-16 : f32
    %add3A_25 = vector.broadcast %add3A_24 : f32 to vector<1000x1xf32>
    %add3A_26 = arith.addf %broadcast_in_dim3A_23, %add3A_25 : vector<1000x1xf32>
    %slice3A_27 = vector.extract_strided_slice %add3A {offsets = [0, 64], sizes = [1000, 32], strides = [1, 1]} : vector<1000x144xf32> to vector<1000x32xf32>
    %div3A_28 = vector.broadcast %add3A_26 : vector<1000x1xf32> to vector<1000x32xf32>
    %div3A_29 = arith.divf %slice3A_27, %div3A_28 : vector<1000x32xf32>
    %slice3A_30 = vector.extract_strided_slice %add3A {offsets = [0, 131], sizes = [1000, 1], strides = [1, 1]} : vector<1000x144xf32> to vector<1000x1xf32>
    %squeeze3A_31 = vector.shape_cast %slice3A_30 : vector<1000x1xf32> to vector<1000xf32>
    %broadcast_in_dim3A_32 = vector.shape_cast %squeeze3A_31 : vector<1000xf32> to vector<1000x1xf32>
    %add3A_33 = arith.constant 1.000000e-16 : f32
    %add3A_34 = vector.broadcast %add3A_33 : f32 to vector<1000x1xf32>
    %add3A_35 = arith.addf %broadcast_in_dim3A_32, %add3A_34 : vector<1000x1xf32>
    %slice3A_36 = vector.extract_strided_slice %add3A {offsets = [0, 96], sizes = [1000, 32], strides = [1, 1]} : vector<1000x144xf32> to vector<1000x32xf32>
    %div3A_37 = vector.broadcast %add3A_35 : vector<1000x1xf32> to vector<1000x32xf32>
    %div3A_38 = arith.divf %slice3A_36, %div3A_37 : vector<1000x32xf32>
    %concatenate3A = tpu.concatenate %div3A_11, %div3A_20, %div3A_29, %div3A_38 in 1 : vector<1000x32xf32>, vector<1000x32xf32>, vector<1000x32xf32>, vector<1000x32xf32> -> vector<1000x128xf32>
    %swap3A = arith.constant 0 : index
    %swap3A_39 = arith.constant 0 : index
    %swap3A_40 = vector.load %arg2[%swap3A, %swap3A_39] : memref<1000x128xf32, #tpu.memory_space<vmem>>, vector<1000x128xf32>
    tpu.vector_store %arg2[%swap3A, %swap3A_39], %concatenate3A {strides = array<i32>} : memref<1000x128xf32, #tpu.memory_space<vmem>>, vector<1000x128xf32>,
    return
  }
  func.func @transform_0(%arg0: i32) -> (i32, i32, i32) {
    %c0_i32 = arith.constant 0 : i32
    %c0_i32_0 = arith.constant 0 : i32
    %c0_i32_1 = arith.constant 0 : i32
    return %c0_i32, %arg0, %c0_i32_0 : i32, i32, i32
  }
  func.func @transform_1(%arg0: i32) -> (i32, i32) {
    %c0_i32 = arith.constant 0 : i32
    %c0_i32_0 = arith.constant 0 : i32
    return %arg0, %c0_i32 : i32, i32
  }
}

</mosaic_0001>

<sc_bundles>
// kernel: kernel.5.cloned.1.call-start
scs
__scs_entry_jumppad:
0x0: {  	(pc) =	sbr.rel $0x88, $3  }
0x1: {  	(tag) =	ssettag $0x0;
	lr =	simm.s32 $0x1  }
0x2: {  	[smem:$0x3F9E] =	sst lr;
	_ =	strace $0xD0000000  }
0x3: {  	_ = 	snop  }
0x4: {  	_ = 	snop  }
0x5: {  	_ = 	snop  }
0x6: {  	_ = 	snop  }
0x7: {  	_ = 	snop  }
__scs_overlays_trampoline_lowered:
0x8: {  	[smem:$0x3FAD] =	sst s0  }
0x9: {  	[smem:$0x3FAE] =	sst s1  }
0xa: {  	[smem:$0x3FAF] =	sst s2  }
0xb: {  	[smem:$0x3FB0] =	sst s3  }
0xc: {  	[smem:$0x3FB1] =	sst s4  }
0xd: {  	[smem:$0x3FB2] =	sst s5  }
0xe: {  	[smem:$0x3FB3] =	sst s6  }
0xf: {  	[smem:$0x3FB4] =	sst s7  }
0x10: {  	[smem:$0x3FB5] =	sst s8  }
0x11: {  	[smem:$0x3FB6] =	sst s9;
	s0 =	simm.s32 @!p0 $0x0  }
0x12: {  	s1 =	sld [smem:$0x3F9C];
	s0 =	simm.s32 @p0 $0x1  }
0x13: {  	[smem:$0x3FB7] =	sst s0;
	s0 =	simm.s32 @!p1 $0x0  }
0x14: {  	s2 =	sld [smem:$0x3F9B];
	s0 =	simm.s32 @p1 $0x1  }
0x15: {  	[smem:$0x3FB8] =	sst s0;
	s0 =	simm.s32 @!p2 $0x0  }
0x16: {  	s3 =	sld [smem:$0x3FDB];
	s0 =	simm.s32 @p2 $0x1  }
0x17: {  	s4 =	simm.s32 $0x1BF5;
	[smem:$0x3FBA] =	sst s0  }
0x18: {  	s0 =	sld [smem:$0x3F9D];
	_ =	swait.ge [sflag:s4], $0x0  }
0x19: {  	s7 =	sld [smem:$0x3F9E]  }
0x1a: {  	s8 =	sadd.s32 $0xFFFFE003, lr  }
0x1b: {  	s9 =	sadd.s32 $0xFFFFFEF7, lr;
	s5 =	simm.s32 $0xFFFFFFFF;
	p2 =	slt.u32 s8, $0xFFFFF086  }
0x1c: {  	p1 =	slt.u32 s9, $0xF7A;
	s5 =	simm.s32 @!p2 $0x0  }
0x1d: {  	s5 =	simm.s32 @p1 $0x1;
	p0 =	seq.s32 s7, s2  }
0x1e: {  	s7 =	smul.u32 @!p0 $0xF7A, s2;
	p2 =	seq.s32 @!p0 s5, $0x0  }
0x1f: {  	s9 =	smul.u32 $0xF7A, s1;
	s8 =	simm.s32 @!p0 $0x1BF5;
	p2 =	por !p2, p0  }
0x20: {  	[sflag:s8] =	ssyncset.s32 @!p0 $0xFFFFF086;
	s6 =	sadd.s32 @!p0 s3, s7;
	s7 =	simm.s32 @!p0 $0x108  }
0x21: {  	s3 =	sadd.s32 s3, s9;
	s6 =	sadd.s32 @!p0 $0x88, s6;
	s7 =	simm.s32 @p2 $0x1082  }
0x22: {  	[simem:s7], [sflag:s8] =	dma.local @!p0 [hbm:s6], $0xF7A  }
0x23: {  	s9 =	sor.u32 $0xD0000000, s2;
	s6 =	simm.s32 $0x108;
	_ =	swait.ge @!p0 [sflag:s8], $0x0  }
0x24: {  	s3 =	sadd.s32 $0x88, s3;
	s6 =	simm.s32 @!p1 $0x1082;
	[sflag:s4] =	ssyncset.s32 $0xFFFFF086  }
0x25: {  	[simem:s6], [sflag:s4] =	dma.local [hbm:s3], $0xF7A  }
0x26: {  	[smem:$0x3F9E] =	sst s1;
	(tag) =	ssettag s2;
	_ =	strace s9  }
0x27: {  	s1 =	sld [smem:$0x3FAE]  }
0x28: {  	s2 =	sld [smem:$0x3FAF]  }
0x29: {  	s4 =	sld [smem:$0x3FB1]  }
0x2a: {  	p0 =	seq.s32 s5, $0x0;
	s5 =	sld [smem:$0x3FB2]  }
0x2b: {  	s6 =	sld [smem:$0x3FB3]  }
0x2c: {  	s7 =	sld [smem:$0x3FB4]  }
0x2d: {  	s3 =	simm.s32 $0x108;
	s8 =	sld [smem:$0x3FB5]  }
0x2e: {  	s3 =	simm.s32 @!p0 $0x1082;
	s9 =	sld [smem:$0x3FB6]  }
0x2f: {  	lr =	sadd.s32 s0, s3;
	s0 =	sld [smem:$0x3FAD]  }
0x30: {  	s3 =	sld [smem:$0x3FB0]  }
0x31: {  	[smem:$0x3FB9] =	sst s10  }
0x32: {  	s10 =	sld [smem:$0x3FB7];
	_ =	sdelay $0x3  }
0x33: {  	p0 =	seq.s32 s10, $0x1;
	s10 =	sld [smem:$0x3FB9];
	_ =	sdelay $0x3  }
0x34: {  	[smem:$0x3FB9] =	sst s10  }
0x35: {  	s10 =	sld [smem:$0x3FB8];
	_ =	sdelay $0x3  }
0x36: {  	p1 =	seq.s32 s10, $0x1;
	s10 =	sld [smem:$0x3FB9];
	_ =	sdelay $0x3  }
0x37: {  	[smem:$0x3FB9] =	sst s10  }
0x38: {  	s10 =	sld [smem:$0x3FBA]  }
0x39: {  	_ = 	snop;
	(pc) =	sbr.ind lr, $3  }
0x3a: {  	_ = 	snop  }
0x3b: {  	_ = 	snop  }
0x3c: {  	p2 =	seq.s32 s10, $0x1;
	s10 =	sld [smem:$0x3FB9]  }
0x3d: {  	_ =	shalt  }
0x3e: {  	_ =	shalt  }
0x3f: {  	_ =	shalt  }
0x40: {  	_ =	shalt  }
0x41: {  	_ =	shalt  }
0x42: {  	_ =	shalt  }
0x43: {  	_ =	shalt  }
0x44: {  	_ =	shalt  }
0x45: {  	_ =	shalt  }
0x46: {  	_ =	shalt  }
0x47: {  	_ =	shalt  }
0x48: {  	_ =	shalt  }
0x49: {  	_ =	shalt  }
0x4a: {  	_ =	shalt  }
0x4b: {  	_ =	shalt  }
0x4c: {  	_ =	shalt  }
0x4d: {  	_ =	shalt  }
0x4e: {  	_ =	shalt  }
0x4f: {  	_ =	shalt  }
0x50: {  	_ =	shalt  }
0x51: {  	_ =	shalt  }
0x52: {  	_ =	shalt  }
0x53: {  	_ =	shalt  }
0x54: {  	_ =	shalt  }
0x55: {  	_ =	shalt  }
0x56: {  	_ =	shalt  }
0x57: {  	_ =	shalt  }
0x58: {  	_ =	shalt  }
0x59: {  	_ =	shalt  }
0x5a: {  	_ =	shalt  }
0x5b: {  	_ =	shalt  }
0x5c: {  	_ =	shalt  }
0x5d: {  	_ =	shalt  }
0x5e: {  	_ =	shalt  }
0x5f: {  	_ =	shalt  }
0x60: {  	_ =	shalt  }
0x61: {  	_ =	shalt  }
0x62: {  	_ =	shalt  }
0x63: {  	_ =	shalt  }
0x64: {  	_ =	shalt  }
0x65: {  	_ =	shalt  }
0x66: {  	_ =	shalt  }
0x67: {  	_ =	shalt  }
0x68: {  	_ =	shalt  }
0x69: {  	_ =	shalt  }
0x6a: {  	_ =	shalt  }
0x6b: {  	_ =	shalt  }
0x6c: {  	_ =	shalt  }
0x6d: {  	_ =	shalt  }
0x6e: {  	_ =	shalt  }
0x6f: {  	_ =	shalt  }
0x70: {  	_ =	shalt  }
0x71: {  	_ =	shalt  }
0x72: {  	_ =	shalt  }
0x73: {  	_ =	shalt  }
0x74: {  	_ =	shalt  }
0x75: {  	_ =	shalt  }
0x76: {  	_ =	shalt  }
0x77: {  	_ =	shalt  }
0x78: {  	_ =	shalt  }
0x79: {  	_ =	shalt  }
0x7a: {  	_ =	shalt  }
0x7b: {  	_ =	shalt  }
0x7c: {  	_ =	shalt  }
0x7d: {  	_ =	shalt  }
0x7e: {  	_ =	shalt  }
0x7f: {  	_ =	shalt  }
0x80: {  	_ =	shalt  }
0x81: {  	_ =	shalt  }
0x82: {  	_ =	shalt  }
0x83: {  	_ =	shalt  }
0x84: {  	_ =	shalt  }
0x85: {  	_ =	shalt  }
0x86: {  	_ =	shalt  }
0x87: {  	_ =	shalt  }
.Lfunc_end0:
.L_simem_size_0:
called_computation_lowered:
.L_overlay_start_0:
0x88: {  	s2 =	sld [smem:$0x3FD9]  }
0x89: {  	s3 =	sld [smem:$0x3FFE];
	_ =	sdelay $0x1  }
0x8a: {  	s1 =	srdreg.scid  }
0x8b: {  	s0 =	sand.u32 $0x1, s1  }
0x8c: {  	s17 =	sshll.u32 s0, $0xA;
	s2 =	sadd.s32 s3, s2  }
0x8d: {  	s2 =	sadd.s32 s2, s17  }
0x8e: {  	[smem:$0x3FC5] =	sst s2  }
0x8f: {  	_ = 	snop  }
0x90: {  	s2 =	sld [smem:$0x3FC9]  }
0x91: {  	s18 =	sld [smem:$0x3FD0];
	(tm) =	ssettm $0x1  }
0x92: {  	s4 =	sld [smem:$0x3FFB];
	_ =	sdelay $0x3  }
0x93: {  	_ =	strace s4  }
0x94: {  	s4 =	sld [smem:$0x3FFC];
	_ =	sdelay $0x3  }
0x95: {  	_ =	strace s4  }
0x96: {  	s4 =	sld [smem:$0x3FFD];
	_ =	sdelay $0x3  }
0x97: {  	_ =	strace s4  }
0x98: {  	_ =	strace $0x8FFFFFFF  }
0x99: {  	s19 =	sld [smem:$0x3FDB];
	_ =	sdelay $0x1  }
0x9a: {  	s5 =	simm.s32 $_scs_section_size  }
0x9b: {  	s6 =	simm.s32 $_size__tile_overlayer_lowered;
	s7 =	simm.s32 $_tile_overlayer_lowered  }
0x9c: {  	s22 =	simm.s32 $0x1BFF;
	s21 =	sshll.u32 s7, $0x1;
	s4 =	sadd.s32 s5, s19  }
0x9d: {  	s8 =	simm.s32 $0x0;
	s20 =	sshll.u32 s6, $0x1;
	s6 =	sadd.s32 s21, s4  }
0x9e: {  	[timem:s8], [sflag:s22] =	dma.local [hbm:s6], s20  }
0x9f: {  	_ =	swait.ge [sflag:s22], s20  }
0xa0: {  	s5 =	ssub.s32 $0x0, s20;
	[sflag:s22] =	ssyncset.done $0x0  }
0xa1: {  	[sflag:s22] =	ssyncadd.s32 s5;
	_ =	sdelay $0x1  }
0xa2: {  	s23 =	simm.s32 $0x1B8B  }
0xa3: {  	_ =	swait.ge [sflag:s23], $0x1  }
0xa4: {  	[sflag:s23] =	ssyncset.done $0x0  }
0xa5: {  	s25 =	simm.s32 $0x1B8E;
	s24 =	sld [smem:$0x3FFE];
	[sflag:s23] =	ssyncadd.s32 $0xFFFFFFFF  }
0xa6: {  	s26 =	simm.s32 $execute0_lowered;
	[smem:$0x3FD2] =	sst s25  }
0xa7: {  	s6 =	sshll.u32 s26, $0x1;
	_ =	strace $0x80000046;
	[dreg:$0x1] =	wrdreg $0xFFFFFFFF  }
0xa8: {  	s28 =	simm.s32 $_size_execute0_lowered;
	s4 =	sadd.s32 s4, s6;
	[dreg:$0x0] =	wrdreg $0x0  }
0xa9: {  	s6 =	sshll.u32 s28, $0x1;
	[dreg:$0x2] =	wrdreg s4  }
0xaa: {  	[dreg:$0x3] =	wrdreg s6  }
0xab: {  	[dreg:$0x4] =	wrdreg $0xC0  }
0xac: {  	_ =	task [dreg:s8], $0x5FFFF  }
0xad: {  	[dreg:$0x1] =	wrdreg $0xFFFFFFFF  }
0xae: {  	[dreg:$0x0] =	wrdreg $0x60  }
0xaf: {  	[dreg:$0x2] =	wrdreg s2  }
0xb0: {  	[dreg:$0x3] =	wrdreg s24  }
0xb1: {  	[dreg:$0x4] =	wrdreg s18  }
0xb2: {  	[dreg:$0x5] =	wrdreg $0x9E200  }
0xb3: {  	[dreg:$0x6] =	wrdreg $0x9  }
0xb4: {  	_ =	task.clear_ibuf [dreg:s8], $0x7FFFF;
	_ =	strace $0x90000046  }
0xb5: {  	s29 =	simm.s32 $0x9;
	_ =	strace $0x80000048  }
0xb6: {  	_ =	swait.ge [sflag:s29], $0x1  }
0xb7: {  	[sflag:s29] =	ssyncadd.s32 $0xFFFFFFFF  }
0xb8: {  	_ =	strace $0x90000048  }
0xb9: {  	_ =	sfence  }
0xba: {  	s30 =	sld [smem:$0x0];
	_ =	sdelay $0x2  }
0xbb: {  	s31 =	sshll.u32 s1, $0xD;
	s1 =	sshrl.u32 s1, $0x2  }
0xbc: {  	s3 =	sand.u32 $0x4000, s31;
	s1 =	sadd.s32 s1, s30  }
0xbd: {  	s0 =	sor.u32 s3, s0;
	s1 =	sshll.u32 s1, $0x11  }
0xbe: {  	s0 =	sor.u32 s1, s0  }
0xbf: {  	s0 =	sadd.s32 $0x8F2B, s0  }
0xc0: {  	[sflag:s0] =	ssyncadd.remote.s32 $0x1  }
0xc1: {  	_ =	sfence.sel $0xFFFF  }
0xc2: {  	[dreg:$0x0] =	wrdreg $0xFFFFFFFF;
	(pc) =	sbr.abs _section_cstart, $3  }
0xc3: {  	[dreg:$0x1] =	wrdreg $0xFFFFFFFF  }
0xc4: {  	_ =	task.clear_ibuf [dreg:s8], $0x2FFFF;
	_ =	strace $0x9FFFFFFF  }
0xc5: {  	(tm) =	ssettm $0x7FFFFFFF  }
tec
execute0_lowered:
.L_overlay_start_1:
0x0: {  	(tag) =	ssettag $0x1  }
0x1: {  	s30 =	rddreg [dreg:$0x0]  }
0x2: {  	s2 =	rddreg [dreg:$0x1]  }
0x3: {  	s12 =	rddreg [dreg:$0x3];
	s0 =	srdreg.scid  }
0x4: {  	s13 =	simm.s32 $0x0;
	s8 =	stileid.u32;
	s29 =	simm.s32 $0x7080  }
0x5: {  	s0 =	sand.u32 $0x1, s0;
	[smem:$0x7FF] =	sst s13;
	s3 =	smul.u32 $0x57E40, s8  }
0x6: {  	s4 =	sadd.s32 $0xF000, s2;
	s7 =	smul.u32 $0x15F90, s8;
	s1 =	ssub.s32 $0x2, s0  }
0x7: {  	_ =	strace $0x80000047;
	s6 =	sshll.u32 s0, $0x4;
	s0 =	smul.u32 $0x15F900, s0  }
0x8: {  	s5 =	sshrl.u32 s1, $0x1;
	s3 =	sshrl.u32 s3, $0x2;
	s22 =	sor.u32 s8, s6  }
0x9: {  	s15 =	sadd.s32 s7, s12;
	s26 =	sadd.s32 $0x4650, s7;
	s3 =	sadd.s32 s3, s12  }
0xa: {  	s14 =	sadd.s32 $0xD2F0, s7;
	[dreg:$0x6] =	wrdreg s15;
	s23 =	sadd.s32 $0x2D00, s3  }
0xb: {  	s1 =	ssub.s32 s1, s5;
	s24 =	sadd.s32 $0x5A00, s3;
	[dreg:$0x7] =	wrdreg s23  }
0xc: {  	s31 =	sadd.s32 s7, s0;
	s25 =	sadd.s32 $0x8700, s3;
	[dreg:$0x8] =	wrdreg s24  }
0xd: {  	s9 =	sadd.s32 s0, s26;
	s28 =	sadd.s32 $0xB400, s3;
	[dreg:$0x9] =	wrdreg s25  }
0xe: {  	s19 =	smul.u32 $0x7D, s22;
	s10 =	sadd.s32 $0xE100, s3;
	[dreg:$0xa] =	wrdreg s28  }
0xf: {  	s20 =	sadd.s32 s26, s12;
	s17 =	sadd.s32 $0x10E00, s3;
	[dreg:$0xb] =	wrdreg s10  }
0x10: {  	s22 =	sadd.s32 s14, s12;
	s18 =	sadd.s32 $0x13B00, s3;
	[dreg:$0x11] =	wrdreg s17  }
0x11: {  	s8 =	sshrl.u32 s31, $0x3;
	s9 =	sshrl.u32 s9, $0x3;
	[dreg:$0x12] =	wrdreg s18  }
0x12: {  	s1 =	smax.u32 s1, $0x1;
	s31 =	sadd.s32 $0xEE00, s2;
	[dreg:$0x13] =	wrdreg s19  }
0x13: {  	s8 =	sadd.s32 s4, s8;
	s9 =	sadd.s32 s4, s9;
	[dreg:$0x14] =	wrdreg s1  }
0x14: {  	s10 =	sadd.s32 $0x8CA0, s7;
	s7 =	sadd.s32 $0x11940, s7;
	[dreg:$0x1a] =	wrdreg s31  }
0x15: {  	s25 =	sshrl.u32 s22, $0x3;
	s28 =	sadd.s32 $0x5000, s2;
	[dreg:$0xc] =	wrdreg s8  }
0x16: {  	s17 =	simm.s32 $0x2;
	s18 =	simm.s32 $0x3;
	[dreg:$0xd] =	wrdreg s9  }
0x17: {  	s19 =	simm.s32 $0x9D80;
	s11 =	sadd.s32 s0, s10;
	[dreg:$0x17] =	wrdreg s25  }
0x18: {  	s21 =	sadd.s32 s10, s12;
	s23 =	sadd.s32 s7, s12;
	[dreg:$0x19] =	wrdreg s28  }
0x19: {  	s8 =	simm.s32 $0x50;
	s10 =	simm.s32 $0x1180;
	s9 =	sshrl.u32 s11, $0x3  }
0x1a: {  	s11 =	sadd.s32 s0, s14;
	s0 =	sadd.s32 s0, s7;
	s24 =	sshrl.u32 s21, $0x3  }
0x1b: {  	s26 =	sshrl.u32 s23, $0x3;
	s9 =	sadd.s32 s4, s9;
	[dreg:$0x16] =	wrdreg s24  }
.Ltmp0:
0x1c: {  	s16 =	sshrl.u32 s11, $0x3;
	[dreg:$0x18] =	wrdreg s26;
	(pc) =	sbr.rel .LBB2_1-.Ltmp0, $4  }
0x1d: {  	s0 =	sshrl.u32 s0, $0x3;
	[dreg:$0xe] =	wrdreg s9;
	s9 =	sadd.s32 s4, s16  }
0x1e: {  	s12 =	simm.s32 $0x3E80;
	s0 =	sadd.s32 s4, s0;
	[dreg:$0xf] =	wrdreg s9  }
0x1f: {  	s14 =	simm.s32 $0x4380;
	[dreg:$0x10] =	wrdreg s0;
	s0 =	sshrl.u32 s20, $0x3  }
0x20: {  	v0 =	vimm.f32 $0.0e+00;
	v1 =	vlaneseq.u32;
	s16 =	simm.s32 $0x1;
	s9 =	simm.s32 $0xC80;
	[dreg:$0x15] =	wrdreg s0  }
.LBB2_17:
0x21: {  	s0 =	stileid.u32;
	[bflag:$0x0] =	sbarrier.arrive $0xFFFF  }
0x22: {  	s0 =	sshll.u32 s0, $0x6;
	s15 =	rddreg [dreg:$0x6]  }
0x23: {  	s3 =	rddreg [dreg:$0xc];
	s0 =	sor.u32 $0x1C07, s0;
	s1 =	sshrl.u32 s15, $0x3  }
0x24: {  	[hbm:s3], [sflag:s0] =	dma.local [spmem:s1], $0x8CA  }
0x25: {  	s1 =	rddreg [dreg:$0xd]  }
0x26: {  	s3 =	rddreg [dreg:$0x15]  }
0x27: {  	[hbm:s1], [sflag:s0] =	dma.local [spmem:s3], $0x8CA  }
0x28: {  	s1 =	rddreg [dreg:$0xe]  }
0x29: {  	s3 =	rddreg [dreg:$0x16]  }
0x2a: {  	[hbm:s1], [sflag:s0] =	dma.local [spmem:s3], $0x8CA  }
0x2b: {  	s1 =	rddreg [dreg:$0xf]  }
0x2c: {  	s3 =	rddreg [dreg:$0x17]  }
0x2d: {  	[hbm:s1], [sflag:s0] =	dma.local [spmem:s3], $0x8CA  }
0x2e: {  	s1 =	rddreg [dreg:$0x10]  }
0x2f: {  	s28 =	simm.s32 $0x7;
	s3 =	rddreg [dreg:$0x18]  }
0x30: {  	[hbm:s1], [sflag:s0] =	dma.local [spmem:s3], $0x8CA  }
0x31: {  	_ =	swait.ge [sflag:s28], $0x8CA  }
0x32: {  	[sflag:s28] =	ssyncset.done $0x0  }
0x33: {  	[sflag:s28] =	ssyncadd.s32 $0xFFFFF736  }
0x34: {  	_ =	swait.ge [sflag:s28], $0x8CA  }
0x35: {  	[sflag:s28] =	ssyncset.done $0x0  }
0x36: {  	[sflag:s28] =	ssyncadd.s32 $0xFFFFF736  }
0x37: {  	_ =	swait.ge [sflag:s28], $0x8CA  }
0x38: {  	[sflag:s28] =	ssyncset.done $0x0  }
0x39: {  	[sflag:s28] =	ssyncadd.s32 $0xFFFFF736  }
0x3a: {  	_ =	swait.ge [sflag:s28], $0x8CA  }
0x3b: {  	[sflag:s28] =	ssyncset.done $0x0  }
0x3c: {  	[sflag:s28] =	ssyncadd.s32 $0xFFFFF736  }
0x3d: {  	_ =	swait.ge [sflag:s28], $0x8CA  }
0x3e: {  	s13 =	rddreg [dreg:$0x5]  }
0x3f: {  	s31 =	rddreg [dreg:$0x14];
	s13 =	sadd.s32 $0x1, s13  }
0x40: {  	p0 =	sne.s32 s13, s31  }
.Ltmp1:
0x41: {  	_ = 	snop;
	(pc) =	sbr.rel @!p0 .LBB2_18-.Ltmp1, $3  }
0x42: {  	_ =	sdelay $0x1  }
0x43: {  	[sflag:s28] =	ssyncset.done $0x0  }
0x44: {  	[sflag:s28] =	ssyncadd.s32 $0xFFFFF736  }
.LBB2_1:
0x45: {  	[dreg:$0x5] =	wrdreg s13;
	s0 =	simm.s32 $0x0;
	s1 =	simm.s32 $0x240  }
.LBB2_2:
0x46: {  	p0 =	sne.s32 s1, $0xB1C0;
	[tilespmem:s0+$0x7100] =	vst v0  }
0x47: {  	[tilespmem:s0+$0x7080] =	vst v0  }
0x48: {  	[tilespmem:s0+$0x7090] =	vst v0  }
0x49: {  	[tilespmem:s0+$0x70A0] =	vst v0  }
.Ltmp2:
0x4a: {  	[tilespmem:s0+$0x70B0] =	vst v0;
	(pc) =	sbr.rel @p0 .LBB2_2-.Ltmp2, $4  }
0x4b: {  	[tilespmem:s0+$0x70C0] =	vst v0  }
0x4c: {  	[tilespmem:s0+$0x70D0] =	vst v0  }
0x4d: {  	[tilespmem:s0+$0x70E0] =	vst v0  }
0x4e: {  	[tilespmem:s0+$0x70F0] =	vst v0;
	s0 =	sshra.s32 s1, $0x2;
	s1 =	sadd.s32 $0x240, s1  }
0x4f: {  	[tilespmem:s0+$0x7100] =	vst v0  }
0x50: {  	[tilespmem:s0+$0x7080] =	vst v0  }
0x51: {  	[tilespmem:s0+$0x7090] =	vst v0  }
0x52: {  	[tilespmem:s0+$0x70A0] =	vst v0  }
0x53: {  	[tilespmem:s0+$0x70B0] =	vst v0  }
0x54: {  	[tilespmem:s0+$0x70C0] =	vst v0  }
0x55: {  	[tilespmem:s0+$0x70D0] =	vst v0  }
0x56: {  	[tilespmem:s0+$0x70E0] =	vst v0  }
0x57: {  	[tilespmem:s0+$0x70F0] =	vst v0  }
0x58: {  	[spmem:s15] =	stream.linear.scatter [tilespmem:s29], [sflag:$0x7], $0x2D00, $0x38;
	[tilespmem:$0x1FDB0] =	vst v63  }
0x59: {  	s15 =	rddreg [dreg:$0x7]  }
0x5a: {  	[spmem:s15] =	stream.linear.scatter [tilespmem:s29], [sflag:$0x7], $0x2D00, $0x38;
	[tilespmem:$0x1FDB0] =	vst v63  }
0x5b: {  	s20 =	rddreg [dreg:$0x8]  }
0x5c: {  	[spmem:s20] =	stream.linear.scatter [tilespmem:s29], [sflag:$0x7], $0x2D00, $0x38;
	[tilespmem:$0x1FDB0] =	vst v63  }
0x5d: {  	s21 =	rddreg [dreg:$0x9]  }
0x5e: {  	[spmem:s21] =	stream.linear.scatter [tilespmem:s29], [sflag:$0x7], $0x2D00, $0x38;
	[tilespmem:$0x1FDB0] =	vst v63  }
0x5f: {  	s22 =	rddreg [dreg:$0xa]  }
0x60: {  	[spmem:s22] =	stream.linear.scatter [tilespmem:s29], [sflag:$0x7], $0x2D00, $0x38;
	[tilespmem:$0x1FDB0] =	vst v63  }
0x61: {  	s23 =	rddreg [dreg:$0xb]  }
0x62: {  	[spmem:s23] =	stream.linear.scatter [tilespmem:s29], [sflag:$0x7], $0x2D00, $0x38;
	[tilespmem:$0x1FDB0] =	vst v63  }
0x63: {  	s24 =	rddreg [dreg:$0x11]  }
0x64: {  	[spmem:s24] =	stream.linear.scatter [tilespmem:s29], [sflag:$0x7], $0x2D00, $0x38;
	[tilespmem:$0x1FDB0] =	vst v63  }
0x65: {  	s25 =	rddreg [dreg:$0x12];
	s26 =	simm.s32 $0x7  }
0x66: {  	[spmem:s25] =	stream.linear.scatter [tilespmem:s29], [sflag:$0x7], $0x2490, $0x38;
	[tilespmem:$0x1FDB0] =	vst v63  }
0x67: {  	_ =	swait.ge [sflag:s26], $0x2D00  }
0x68: {  	[sflag:s26] =	ssyncset.done $0x0  }
0x69: {  	[sflag:s26] =	ssyncadd.s32 $0xFFFFD300  }
0x6a: {  	_ =	swait.ge [sflag:s26], $0x2D00  }
0x6b: {  	[sflag:s26] =	ssyncset.done $0x0  }
0x6c: {  	[sflag:s26] =	ssyncadd.s32 $0xFFFFD300  }
0x6d: {  	_ =	swait.ge [sflag:s26], $0x2D00  }
0x6e: {  	[sflag:s26] =	ssyncset.done $0x0  }
0x6f: {  	[sflag:s26] =	ssyncadd.s32 $0xFFFFD300  }
0x70: {  	_ =	swait.ge [sflag:s26], $0x2D00  }
0x71: {  	[sflag:s26] =	ssyncset.done $0x0  }
0x72: {  	[sflag:s26] =	ssyncadd.s32 $0xFFFFD300  }
0x73: {  	_ =	swait.ge [sflag:s26], $0x2D00  }
0x74: {  	[sflag:s26] =	ssyncset.done $0x0  }
0x75: {  	[sflag:s26] =	ssyncadd.s32 $0xFFFFD300  }
0x76: {  	_ =	swait.ge [sflag:s26], $0x2D00  }
0x77: {  	[sflag:s26] =	ssyncset.done $0x0  }
0x78: {  	[sflag:s26] =	ssyncadd.s32 $0xFFFFD300  }
0x79: {  	_ =	swait.ge [sflag:s26], $0x2D00  }
0x7a: {  	[sflag:s26] =	ssyncset.done $0x0  }
0x7b: {  	[sflag:s26] =	ssyncadd.s32 $0xFFFFD300  }
0x7c: {  	_ =	swait.ge [sflag:s26], $0x2490  }
0x7d: {  	s3 =	simm.s32 $0x0;
	s1 =	simm.s32 $0x9DE0;
	[sflag:s26] =	ssyncset.done $0x0  }
0x7e: {  	s31 =	simm.s32 $0x8;
	s28 =	rddreg [dreg:$0x1a];
	[sflag:s26] =	ssyncadd.s32 $0xFFFFDB70  }
0x7f: {  	[tilespmem:s1], [sflag:$0x8] =	stream.linear.gather [hbm4b:s28+s3], $0x40, $0x38;
	[tilespmem:$0x1FDB0] =	vst v63  }
.Ltmp3:
0x80: {  	_ =	swait.ge [sflag:s31], $0x40;
	(pc) =	sbr.rel .LBB2_4-.Ltmp3, $4  }
0x81: {  	[sflag:s31] =	ssyncset.done $0x0  }
0x82: {  	[sflag:s31] =	ssyncadd.s32 $0xFFFFFFC0  }
0x83: {  	[bflag:$0x0] =	sbarrier.arrive $0xFFFF  }
0x84: {  	s5 =	simm.s32 $0x0  }
.LBB2_16:
0x85: {  	s5 =	rddreg [dreg:$0x1b]  }
0x86: {  	s5 =	sadd.s32 $0x1, s5  }
0x87: {  	p0 =	sne.s32 s5, $0x7  }
.Ltmp4:
0x88: {  	_ = 	snop;
	(pc) =	sbr.rel @!p0 .LBB2_17-.Ltmp4, $1  }
0x89: {  	_ =	sdelay $0x3  }
.LBB2_4:
0x8a: {  	s0 =	smul.u32 $0x14, s5  }
0x8b: {  	s1 =	rddreg [dreg:$0x13]  }
0x8c: {  	s0 =	sadd.s32 s1, s0  }
0x8d: {  	s0 =	smul.u32 $0xA, s0  }
0x8e: {  	s20 =	rddreg [dreg:$0x2]  }
0x8f: {  	s4 =	simm.s32 $0x0;
	s3 =	simm.s32 $0x8;
	s1 =	sadd.s32 s20, s0  }
0x90: {  	[tilespmem:s4], [sflag:$0x8] =	stream.linear.gather [hbm4b:s1+s4], $0x640, $0x38;
	[tilespmem:$0x1FDB0] =	vst v63  }
0x91: {  	_ =	swait.ge [sflag:s3], $0x640  }
0x92: {  	[sflag:s3] =	ssyncset.done $0x0;
	s21 =	rddreg [dreg:$0x19]  }
0x93: {  	s22 =	simm.s32 $0x640;
	[sflag:s3] =	ssyncadd.s32 $0xFFFFF9C0;
	s0 =	sadd.s32 s21, s0  }
0x94: {  	[tilespmem:s22], [sflag:$0x8] =	stream.linear.gather [hbm4b:s0+s4], $0x640, $0x38;
	[tilespmem:$0x1FDB0] =	vst v63  }
0x95: {  	_ =	swait.ge [sflag:s3], $0x640  }
0x96: {  	[sflag:s3] =	ssyncset.done $0x0  }
0x97: {  	[sflag:s3] =	ssyncadd.s32 $0xFFFFF9C0  }
0x98: {  	[tilespmem:s9], [sflag:$0x1] =	stream.indirect.gather [hbm4b:s2+s8], $0x10, s4, s8, $0xb8;
	[tilespmem:$0x1FDB0] =	vst v63  }
0x99: {  	_ = 	snop  }
0x9a: {  	[tilespmem:s10], [sflag:$0x2] =	stream.indirect.gather [hbm4b:s2+s8], $0x10, s22, s8, $0xb8;
	[tilespmem:$0x1FDB0] =	vst v63  }
0x9b: {  	s23 =	simm.s32 $0x1680  }
0x9c: {  	[tilespmem:s23], [sflag:$0x3] =	stream.indirect.gather [hbm4b:s30+s8], $0x80, s22, s8, $0xb8;
	[tilespmem:$0x1FDB0] =	vst v63  }
0x9d: {  	p0 =	seq.s32 s5, $0x6;
	s25 =	simm.s32 $0x5  }
0x9e: {  	[tilespmem:s12], [sflag:$0x4] =	stream.indirect.gather [hbm4b:s2+s8], $0x10, s8, s8, $0xb8;
	[tilespmem:$0x1FDB0] =	vst v63  }
.Ltmp5:
0x9f: {  	s24 =	simm.s32 $0x690;
	s25 =	simm.s32 @!p0 $0x14;
	(pc) =	sbr.rel .LBB2_5-.Ltmp5, $4  }
0xa0: {  	s26 =	simm.s32 $0x4880;
	s6 =	simm.s32 $0x0;
	s31 =	sadd.s32 $0x1, s25  }
0xa1: {  	[tilespmem:s14], [sflag:$0x5] =	stream.indirect.gather [hbm4b:s2+s8], $0x10, s24, s8, $0xb8;
	[tilespmem:$0x1FDB0] =	vst v63  }
0xa2: {  	s7 =	sadd.s32 $0xFFFFFFFF, s25;
	s28 =	sshrl.u32 s31, $0x1;
	[dreg:$0x1b] =	wrdreg s5  }
0xa3: {  	[tilespmem:s26], [sflag:$0x6] =	stream.indirect.gather [hbm4b:s30+s8], $0x80, s24, s8, $0xb8;
	[tilespmem:$0x1FDB0] =	vst v63  }
.LBB2_15:
0xa4: {  	s6 =	sadd.s32 $0x1, s6  }
0xa5: {  	p0 =	sne.s32 s6, s28  }
.Ltmp6:
0xa6: {  	_ = 	snop;
	(pc) =	sbr.rel @!p0 .LBB2_16-.Ltmp6, $1  }
0xa7: {  	_ =	sdelay $0x3  }
.LBB2_5:
0xa8: {  	_ =	swait.ge [sflag:s16], $0x500  }
0xa9: {  	[sflag:s16] =	ssyncset.done $0x0  }
0xaa: {  	[sflag:s16] =	ssyncadd.s32 $0xFFFFFB00  }
0xab: {  	_ =	swait.ge [sflag:s17], $0x500  }
0xac: {  	[sflag:s17] =	ssyncset.done $0x0  }
0xad: {  	[sflag:s17] =	ssyncadd.s32 $0xFFFFFB00  }
0xae: {  	_ =	swait.ge [sflag:s18], $0x2800  }
0xaf: {  	p0 =	seq.s32 s6, $0x0;
	[sflag:s18] =	ssyncset.done $0x0  }
0xb0: {  	s0 =	simm.s32 @!p0 $0x7;
	[sflag:s18] =	ssyncadd.s32 $0xFFFFD800  }
0xb1: {  	s3 =	sshll.u32 s6, $0x1;
	_ =	swait.ge @!p0 [sflag:s0], $0x2D00  }
0xb2: {  	s11 =	simm.s32 $0x0;
	s15 =	simm.s32 $0x1780;
	[sflag:s0] =	ssyncset.done @!p0 $0x0  }
0xb3: {  	s20 =	simm.s32 $0x71A0;
	s26 =	simm.s32 $0x0;
	[sflag:s0] =	ssyncadd.s32 @!p0 $0xFFFFD300  }
.LBB2_6:
0xb4: {  	s0 =	sshll.u32 s26, $0x4  }
0xb5: {  	v2 =	vor.u32 s0, v1  }
0xb6: {  	v3 =	vshll.u32 v2, $0x4  }
0xb7: {  	v4 =	vor.u32 $0x8, v3  }
0xb8: {  	v5 =	vor.u32 $0xC, v3;
	_ =	sdelay $0x2  }
0xb9: {  	v6 =	vld [tilespmem:$0x9DE0]  }
0xba: {  	v4 =	vld.idx.msk [tilespmem:v4+s9+$0x0], $0xffff  }
0xbb: {  	v5 =	vld.idx.msk [tilespmem:v5+s10+$0x0], $0xffff;
	_ =	sdelay $0x4  }
0xbc: {  	v5 =	vadd.f32 v5, v4;
	v4 =	vadd.f32 v6, v4;
	_ =	sdelay $0x1  }
0xbd: {  	v6 =	vmul.f32 $1.999999960e-02, v5;
	v7 =	vmul.f32 $1.999999960e-02, v4;
	_ =	sdelay $0x1  }
0xbe: {  	v5 =	vmax.f32 v5, v6;
	v4 =	vmax.f32 v4, v7  }
0xbf: {  	v4 =	vsub.f32 v5, v4;
	_ =	sdelay $0x1  }
0xc0: {  	v4 =	vmul.f32 $1.442695020e+00, v4;
	_ =	sdelay $0x1  }
0xc1: {  	(erf) = vpow2.f32 v4;
	_ =	sdelay $0x2  }
0xc2: {  	v2 =	vmul.u32 $0x90, v2;
	_ =	sdelay $0x1  }
0xc3: {  	v4 =	vadd.s32 $0x80, v2;
	_ =	sdelay $0x1  }
0xc4: {  	v5 =	vor.u32 $0x9, v3  }
0xc5: {  	v6 =	vor.u32 $0xD, v3  }
0xc6: {  	v7 =	vpop (erf)  }
0xc7: {  	[tilespmem:v4+s29+$0x0] =	vst.idx.msk $0xffff, v7  }
0xc8: {  	[tilespmem:$0x9D90] =	vst v7  }
0xc9: {  	v4 =	vld.idx.msk [tilespmem:v5+s9+$0x0], $0xffff  }
0xca: {  	v5 =	vld.idx.msk [tilespmem:v6+s10+$0x0], $0xffff  }
0xcb: {  	v6 =	vld [tilespmem:$0x9DF0];
	_ =	sdelay $0x4  }
0xcc: {  	v5 =	vadd.f32 v5, v4;
	v4 =	vadd.f32 v6, v4;
	_ =	sdelay $0x1  }
0xcd: {  	v6 =	vmul.f32 $1.999999960e-02, v5;
	v7 =	vmul.f32 $1.999999960e-02, v4;
	_ =	sdelay $0x1  }
0xce: {  	v5 =	vmax.f32 v5, v6;
	v4 =	vmax.f32 v4, v7  }
0xcf: {  	v4 =	vsub.f32 v5, v4;
	_ =	sdelay $0x1  }
0xd0: {  	v4 =	vmul.f32 $1.442695020e+00, v4;
	_ =	sdelay $0x1  }
0xd1: {  	(erf) = vpow2.f32 v4;
	_ =	sdelay $0x4  }
0xd2: {  	v4 =	vadd.s32 $0x81, v2;
	_ =	sdelay $0x1  }
0xd3: {  	v5 =	vor.u32 $0xA, v3  }
0xd4: {  	v6 =	vor.u32 $0xE, v3  }
0xd5: {  	v7 =	vpop (erf)  }
0xd6: {  	[tilespmem:v4+s29+$0x0] =	vst.idx.msk $0xffff, v7  }
0xd7: {  	[tilespmem:$0x9DA0] =	vst v7  }
0xd8: {  	v4 =	vld.idx.msk [tilespmem:v5+s9+$0x0], $0xffff  }
0xd9: {  	v5 =	vld.idx.msk [tilespmem:v6+s10+$0x0], $0xffff  }
0xda: {  	v6 =	vld [tilespmem:$0x9E00];
	_ =	sdelay $0x4  }
0xdb: {  	v5 =	vadd.f32 v5, v4;
	v4 =	vadd.f32 v6, v4;
	_ =	sdelay $0x1  }
0xdc: {  	v6 =	vmul.f32 $1.999999960e-02, v5;
	v7 =	vmul.f32 $1.999999960e-02, v4;
	_ =	sdelay $0x1  }
0xdd: {  	v5 =	vmax.f32 v5, v6;
	v4 =	vmax.f32 v4, v7  }
0xde: {  	v4 =	vsub.f32 v5, v4;
	_ =	sdelay $0x1  }
0xdf: {  	v4 =	vmul.f32 $1.442695020e+00, v4;
	_ =	sdelay $0x1  }
0xe0: {  	(erf) = vpow2.f32 v4;
	_ =	sdelay $0x4  }
0xe1: {  	v4 =	vadd.s32 $0x82, v2;
	_ =	sdelay $0x1  }
0xe2: {  	v5 =	vor.u32 $0xB, v3  }
0xe3: {  	v3 =	vor.u32 $0xF, v3  }
0xe4: {  	v6 =	vpop (erf)  }
0xe5: {  	[tilespmem:v4+s29+$0x0] =	vst.idx.msk $0xffff, v6  }
0xe6: {  	[tilespmem:$0x9DB0] =	vst v6  }
0xe7: {  	v4 =	vld.idx.msk [tilespmem:v5+s9+$0x0], $0xffff  }
0xe8: {  	v3 =	vld.idx.msk [tilespmem:v3+s10+$0x0], $0xffff  }
0xe9: {  	v5 =	vld [tilespmem:$0x9E10];
	_ =	sdelay $0x4  }
0xea: {  	v3 =	vadd.f32 v3, v4;
	v4 =	vadd.f32 v5, v4;
	_ =	sdelay $0x1  }
0xeb: {  	v5 =	vmul.f32 $1.999999960e-02, v3;
	v6 =	vmul.f32 $1.999999960e-02, v4;
	_ =	sdelay $0x1  }
0xec: {  	v3 =	vmax.f32 v3, v5;
	v4 =	vmax.f32 v4, v6  }
0xed: {  	v3 =	vsub.f32 v3, v4;
	_ =	sdelay $0x1  }
0xee: {  	v3 =	vmul.f32 $1.442695020e+00, v3;
	_ =	sdelay $0x1  }
0xef: {  	(erf) = vpow2.f32 v3;
	_ =	sdelay $0x4  }
0xf0: {  	v2 =	vadd.s32 $0x83, v2  }
0xf1: {  	s13 =	simm.s32 $0x2  }
0xf2: {  	v7 =	vmov s13  }
0xf3: {  	v4 =	vor.u32 $0x10, v7  }
0xf4: {  	v3 =	vpop (erf)  }
0xf5: {  	v9 =	vmov s11;
	s21 =	simm.s32 $0x1;
	[tilespmem:v2+s29+$0x0] =	vst.idx.msk $0xffff, v3  }
0xf6: {  	v8 =	vmov s21;
	v2 =	vor.u32 $0x10, v9;
	[tilespmem:$0x9DC0] =	vst v3  }
0xf7: {  	v3 =	vor.u32 $0x10, v8;
	v10 =	vld [tilespmem:s15+$0x0]  }
0xf8: {  	s22 =	simm.s32 $0x3;
	v4 =	vld.idx.msk [tilespmem:v4+s19+$0x0], $0xffff  }
0xf9: {  	v6 =	vmov s22;
	v5 =	vld [tilespmem:s15+$0xFFFFFF00]  }
0xfa: {  	v11 =	vor.u32 $0x10, v6;
	v12 =	vld [tilespmem:s15+$0xFFFFFF80]  }
0xfb: {  	v2 =	vld.idx.msk [tilespmem:v2+s19+$0x0], $0xffff  }
0xfc: {  	v3 =	vld.idx.msk [tilespmem:v3+s19+$0x0], $0xffff  }
0xfd: {  	v10 =	vmul.f32 v10, v4  }
0xfe: {  	v13 =	vld [tilespmem:s15+$0x80]  }
0xff: {  	v11 =	vld.idx.msk [tilespmem:v11+s19+$0x0], $0xffff;
	[tilespmem:s20+$0x0] =	vst v10  }
0x100: {  	v5 =	vmul.f32 v5, v2;
	v10 =	vld [tilespmem:s15+$0x10]  }
0x101: {  	v12 =	vmul.f32 v12, v3  }
0x102: {  	[tilespmem:s20+$0xFFFFFEE0] =	vst v5  }
0x103: {  	v5 =	vld [tilespmem:s15+$0xFFFFFF10];
	[tilespmem:s20+$0xFFFFFF70] =	vst v12  }
0x104: {  	v12 =	vmul.f32 v13, v11;
	v13 =	vor.u32 $0x20, v7;
	v14 =	vld [tilespmem:s15+$0xFFFFFF90]  }
0x105: {  	v4 =	vmul.f32 v10, v4  }
0x106: {  	[tilespmem:s20+$0x90] =	vst v12;
	v12 =	vor.u32 $0x20, v9  }
0x107: {  	v10 =	vld [tilespmem:s15+$0x90];
	[tilespmem:s20+$0x10] =	vst v4;
	v4 =	vor.u32 $0x20, v8  }
0x108: {  	v2 =	vmul.f32 v5, v2  }
0x109: {  	v5 =	vld.idx.msk [tilespmem:v13+s19+$0x0], $0xffff;
	v3 =	vmul.f32 v14, v3  }
0x10a: {  	v13 =	vor.u32 $0x20, v6;
	[tilespmem:s20+$0xFFFFFEF0] =	vst v2;
	v2 =	vld [tilespmem:s15+$0x20]  }
0x10b: {  	v12 =	vld.idx.msk [tilespmem:v12+s19+$0x0], $0xffff;
	[tilespmem:s20+$0xFFFFFF80] =	vst v3  }
0x10c: {  	v3 =	vmul.f32 v10, v11;
	v11 =	vld.idx.msk [tilespmem:v4+s19+$0x0], $0xffff  }
0x10d: {  	v4 =	vld [tilespmem:s15+$0xFFFFFF20]  }
0x10e: {  	v10 =	vld [tilespmem:s15+$0xFFFFFFA0];
	[tilespmem:s20+$0xA0] =	vst v3  }
0x10f: {  	v13 =	vld.idx.msk [tilespmem:v13+s19+$0x0], $0xffff  }
0x110: {  	v3 =	vld [tilespmem:s15+$0xA0]  }
0x111: {  	v2 =	vmul.f32 v2, v5  }
0x112: {  	s13 =	sadd.s32 $0x200, s15;
	v4 =	vmul.f32 v4, v12  }
0x113: {  	s23 =	simm.s32 $0x4;
	v15 =	vld [tilespmem:s13+$0xFFFFFF00];
	[tilespmem:s20+$0x20] =	vst v2;
	v10 =	vmul.f32 v10, v11  }
0x114: {  	v2 =	vmov s23;
	v14 =	vld [tilespmem:s15+$0x30];
	[tilespmem:s20+$0xFFFFFF00] =	vst v4  }
0x115: {  	v17 =	vor.u32 $0x10, v2;
	v4 =	vmul.f32 v3, v13;
	[tilespmem:s20+$0xFFFFFF90] =	vst v10;
	v18 =	vld [tilespmem:s15+$0xFFFFFF30]  }
0x116: {  	s1 =	simm.s32 $0x5;
	v10 =	vld [tilespmem:s15+$0xFFFFFFB0]  }
0x117: {  	s24 =	simm.s32 $0x6;
	v16 =	vor.u32 $0x30, v7;
	v20 =	vld [tilespmem:s13+$0xFFFFFF80];
	[tilespmem:s20+$0xB0] =	vst v4;
	v4 =	vmov s1  }
0x118: {  	v3 =	vmov s24;
	v19 =	vld [tilespmem:s15+$0xB0];
	v23 =	vor.u32 $0x10, v4  }
0x119: {  	v25 =	vld [tilespmem:s13+$0x80];
	v5 =	vmul.f32 v14, v5;
	v14 =	vor.u32 $0x10, v3  }
0x11a: {  	v21 =	vor.u32 $0x30, v9;
	v17 =	vld.idx.msk [tilespmem:v17+s19+$0x0], $0xffff  }
0x11b: {  	[tilespmem:s20+$0x30] =	vst v5;
	v12 =	vmul.f32 v18, v12;
	v18 =	vld [tilespmem:s13+$0x0];
	v10 =	vmul.f32 v10, v11  }
0x11c: {  	v16 =	vld.idx.msk [tilespmem:v16+s19+$0x0], $0xffff  }
0x11d: {  	s31 =	simm.s32 $0x7;
	v24 =	vor.u32 $0x30, v8;
	[tilespmem:s20+$0xFFFFFFA0] =	vst v10;
	v10 =	vmul.f32 v19, v13;
	v19 =	vld.idx.msk [tilespmem:v23+s19+$0x0], $0xffff  }
0x11e: {  	v5 =	vmov s31;
	[tilespmem:s20+$0xFFFFFF10] =	vst v12;
	v14 =	vld.idx.msk [tilespmem:v14+s19+$0x0], $0xffff  }
0x11f: {  	v22 =	vor.u32 $0x10, v5;
	v21 =	vld.idx.msk [tilespmem:v21+s19+$0x0], $0xffff  }
0x120: {  	v11 =	vld [tilespmem:s15+$0xFFFFFF40]  }
0x121: {  	v26 =	vor.u32 $0x30, v6;
	v12 =	vld [tilespmem:s15+$0x40]  }
0x122: {  	v23 =	vld.idx.msk [tilespmem:v24+s19+$0x0], $0xffff  }
0x123: {  	v15 =	vmul.f32 v15, v17;
	[tilespmem:s20+$0xC0] =	vst v10;
	v10 =	vld [tilespmem:s15+$0xFFFFFFC0]  }
0x124: {  	s23 =	sadd.s32 $0x240, s20;
	v22 =	vld.idx.msk [tilespmem:v22+s19+$0x0], $0xffff;
	v13 =	vmul.f32 v18, v14  }
0x125: {  	[tilespmem:s23+$0xFFFFFEE0] =	vst v15;
	v15 =	vmul.f32 v20, v19;
	v20 =	vld [tilespmem:s15+$0xC0];
	v11 =	vmul.f32 v11, v21  }
0x126: {  	v18 =	vld.idx.msk [tilespmem:v26+s19+$0x0], $0xffff;
	[tilespmem:s23+$0x0] =	vst v13  }
0x127: {  	v12 =	vmul.f32 v12, v16;
	[tilespmem:s20+$0xFFFFFF20] =	vst v11;
	v11 =	vld [tilespmem:s13+$0xFFFFFF10]  }
0x128: {  	[tilespmem:s23+$0xFFFFFF70] =	vst v15;
	v10 =	vmul.f32 v10, v23;
	v13 =	vld [tilespmem:s13+$0x10]  }
0x129: {  	[tilespmem:s20+$0x40] =	vst v12;
	v62 =	vld [tilespmem:s13+$0xFFFFFF90]  }
0x12a: {  	v12 =	vor.u32 $0x20, v2;
	v60 =	vmul.f32 v25, v22;
	[tilespmem:s20+$0xFFFFFFB0] =	vst v10;
	v10 =	vld [tilespmem:s15+$0x50]  }
0x12b: {  	v15 =	vor.u32 $0x20, v3;
	v61 =	vld [tilespmem:s15+$0xFFFFFF50];
	v20 =	vmul.f32 v20, v18  }
0x12c: {  	v63 =	vld [tilespmem:s15+$0xFFFFFFD0];
	[tilespmem:s23+$0x90] =	vst v60;
	v17 =	vmul.f32 v11, v17  }
0x12d: {  	[tilespmem:s20+$0xD0] =	vst v20;
	v13 =	vmul.f32 v13, v14;
	v14 =	vld [tilespmem:s13+$0x90]  }
0x12e: {  	v7 =	vor.u32 $0x40, v7;
	[tilespmem:s23+$0xFFFFFEF0] =	vst v17;
	v17 =	vld [tilespmem:s15+$0xD0]  }
0x12f: {  	v9 =	vor.u32 $0x40, v9;
	v10 =	vmul.f32 v10, v16;
	[tilespmem:s23+$0x10] =	vst v13;
	v13 =	vld.idx.msk [tilespmem:v12+s19+$0x0], $0xffff  }
0x130: {  	v16 =	vmul.f32 v62, v19;
	v11 =	vld.idx.msk [tilespmem:v15+s19+$0x0], $0xffff  }
0x131: {  	[tilespmem:s20+$0x50] =	vst v10;
	v15 =	vmul.f32 v61, v21;
	v21 =	vld [tilespmem:s13+$0x20]  }
0x132: {  	v19 =	vor.u32 $0x20, v4;
	[tilespmem:s23+$0xFFFFFF80] =	vst v16;
	v16 =	vld [tilespmem:s15+$0x60]  }
0x133: {  	[tilespmem:s20+$0xFFFFFF30] =	vst v15;
	v15 =	vor.u32 $0x40, v8;
	v8 =	vld.idx.msk [tilespmem:v7+s19+$0x0], $0xffff  }
0x134: {  	v9 =	vld.idx.msk [tilespmem:v9+s19+$0x0], $0xffff  }
0x135: {  	v10 =	vmul.f32 v63, v23;
	v12 =	vld [tilespmem:s15+$0xFFFFFF60]  }
0x136: {  	v20 =	vld [tilespmem:s13+$0xFFFFFFA0];
	v17 =	vmul.f32 v17, v18  }
0x137: {  	[tilespmem:s20+$0xFFFFFFC0] =	vst v10;
	v7 =	vor.u32 $0x20, v5;
	v14 =	vmul.f32 v14, v22;
	v18 =	vld.idx.msk [tilespmem:v19+s19+$0x0], $0xffff  }
0x138: {  	v19 =	vld [tilespmem:s15+$0xFFFFFFE0];
	[tilespmem:s20+$0xE0] =	vst v17;
	v17 =	vmul.f32 v21, v11  }
0x139: {  	[tilespmem:s23+$0xA0] =	vst v14;
	v10 =	vld.idx.msk [tilespmem:v15+s19+$0x0], $0xffff;
	v16 =	vmul.f32 v16, v8  }
0x13a: {  	v15 =	vld [tilespmem:s13+$0xFFFFFF20];
	[tilespmem:s23+$0x20] =	vst v17;
	v12 =	vmul.f32 v12, v9  }
0x13b: {  	s5 =	simm.s32 $0x8;
	s0 =	smov.u32 s20;
	v14 =	vld [tilespmem:s15+$0xE0];
	[tilespmem:s20+$0x60] =	vst v16  }
0x13c: {  	s4 =	smov.u32 s23;
	s24 =	smov.u32 s15;
	s1 =	sadd.s32 $0x200, s13;
	v17 =	vld.idx.msk [tilespmem:v7+s19+$0x0], $0xffff;
	v7 =	vor.u32 $0x40, v6;
	v6 =	vor.u32 $0x40, v5;
	[tilespmem:s20+$0xFFFFFF40] =	vst v12  }
.LBB2_7:
0x13d: {  	s31 =	sadd.s32 $0x1, s5  }
0x13e: {  	v16 =	vmov s5;
	p0 =	slt.u32 s5, $0xC;
	v21 =	vld [tilespmem:s13+$0xA0];
	s21 =	smov.u32 s5;
	s5 =	sadd.s32 $0x4, s5  }
0x13f: {  	v22 =	vor.u32 $0x10, v16;
	v12 =	vmov s31;
	s31 =	sadd.s32 $0x2, s21;
	v23 =	vmul.f32 v15, v13;
	v24 =	vld [tilespmem:s24+$0xFFFFFF70]  }
0x140: {  	s21 =	sadd.s32 $0x3, s21;
	v25 =	vor.u32 $0x10, v12;
	v15 =	vmov s31;
	v26 =	vld [tilespmem:s13+$0x30]  }
0x141: {  	v20 =	vmul.f32 v20, v18;
	v29 =	vmov s21;
	v27 =	vld [tilespmem:s1+$0xFFFFFF00];
	v28 =	vor.u32 $0x10, v15;
	[tilespmem:s23+$0xFFFFFF00] =	vst v23  }
0x142: {  	v23 =	vor.u32 $0x10, v29;
	v30 =	vor.u32 $0x40, v29;
	v31 =	vld [tilespmem:s13+$0xFFFFFF30];
	v19 =	vmul.f32 v19, v10  }
0x143: {  	[tilespmem:s23+$0xFFFFFF90] =	vst v20;
	v20 =	vmul.f32 v21, v17;
	v21 =	vld.idx.msk [tilespmem:v7+s19+$0x0], $0xffff;
	v7 =	vmov v6;
	v6 =	vmov v30  }
0x144: {  	v32 =	vor.u32 $0x30, v3;
	v30 =	vld [tilespmem:s13+$0xFFFFFFB0];
	v9 =	vmul.f32 v24, v9;
	[tilespmem:s0+$0xFFFFFFD0] =	vst v19  }
0x145: {  	v11 =	vmul.f32 v26, v11;
	[tilespmem:s23+$0xB0] =	vst v20;
	v19 =	vld [tilespmem:s24+$0xFFFFFFF0]  }
0x146: {  	v20 =	vld [tilespmem:s13+$0xB0];
	[tilespmem:s0+$0xFFFFFF50] =	vst v9  }
0x147: {  	v9 =	vld [tilespmem:s1+$0xFFFFFF80];
	[tilespmem:s23+$0x30] =	vst v11  }
0x148: {  	v11 =	vmul.f32 v31, v13;
	v13 =	vld [tilespmem:s24+$0x70]  }
0x149: {  	v24 =	vor.u32 $0x30, v2;
	v14 =	vmul.f32 v14, v21;
	v18 =	vmul.f32 v30, v18;
	v26 =	vld.idx.msk [tilespmem:v32+s19+$0x0], $0xffff  }
0x14a: {  	v22 =	vld.idx.msk [tilespmem:v22+s19+$0x0], $0xffff;
	[tilespmem:s23+$0xFFFFFF10] =	vst v11;
	v10 =	vmul.f32 v19, v10  }
0x14b: {  	s23 =	sadd.s32 $0x240, s23;
	v11 =	vld [tilespmem:s1+$0x0];
	[tilespmem:s4+$0xFFFFFFA0] =	vst v18;
	v17 =	vmul.f32 v20, v17  }
0x14c: {  	v18 =	vld.idx.msk [tilespmem:v28+s19+$0x0], $0xffff;
	[tilespmem:s0+$0xFFFFFFE0] =	vst v10  }
0x14d: {  	v10 =	vld [tilespmem:s13+$0x40];
	[tilespmem:s4+$0xC0] =	vst v17;
	v8 =	vmul.f32 v13, v8  }
0x14e: {  	v17 =	vor.u32 $0x30, v4;
	v13 =	vld.idx.msk [tilespmem:v24+s19+$0x0], $0xffff;
	[tilespmem:s0+$0xF0] =	vst v14  }
0x14f: {  	v14 =	vld [tilespmem:s1+$0x80];
	[tilespmem:s0+$0x70] =	vst v8  }
0x150: {  	v19 =	vor.u32 $0x30, v5;
	v5 =	vmov v29;
	v8 =	vld [tilespmem:s13+$0xFFFFFF40]  }
0x151: {  	v20 =	vld.idx.msk [tilespmem:v23+s19+$0x0], $0xffff  }
0x152: {  	v23 =	vld.idx.msk [tilespmem:v25+s19+$0x0], $0xffff;
	v10 =	vmul.f32 v10, v26  }
0x153: {  	v17 =	vld.idx.msk [tilespmem:v17+s19+$0x0], $0xffff  }
0x154: {  	v24 =	vmul.f32 v27, v22;
	v11 =	vmul.f32 v11, v18;
	v25 =	vld [tilespmem:s13+$0xFFFFFFC0];
	[tilespmem:s4+$0x40] =	vst v10  }
0x155: {  	v8 =	vmul.f32 v8, v13;
	v10 =	vld.idx.msk [tilespmem:v19+s19+$0x0], $0xffff  }
0x156: {  	[tilespmem:s23+$0x0] =	vst v11;
	v11 =	vld [tilespmem:s24+$0xF0];
	s24 =	smov.u32 s13;
	s13 =	smov.u32 s1  }
0x157: {  	v14 =	vmul.f32 v14, v20;
	v19 =	vld [tilespmem:s1+$0x10];
	[tilespmem:s4+$0xFFFFFF20] =	vst v8  }
0x158: {  	v8 =	vmul.f32 v9, v23;
	[tilespmem:s23+$0xFFFFFEE0] =	vst v24;
	v9 =	vld [tilespmem:s24+$0xC0]  }
0x159: {  	v24 =	vld [tilespmem:s1+$0xFFFFFF10];
	v25 =	vmul.f32 v25, v17  }
0x15a: {  	[tilespmem:s23+$0xFFFFFF70] =	vst v8;
	v8 =	vor.u32 $0x20, v15;
	v27 =	vld [tilespmem:s24+$0xFFFFFF50]  }
0x15b: {  	v28 =	vld [tilespmem:s1+$0xFFFFFF90];
	[tilespmem:s23+$0x90] =	vst v14;
	v11 =	vmul.f32 v11, v21  }
0x15c: {  	v14 =	vor.u32 $0x20, v16;
	v18 =	vmul.f32 v19, v18;
	v19 =	vld [tilespmem:s1+$0x90];
	[tilespmem:s4+$0xFFFFFFB0] =	vst v25  }
0x15d: {  	v21 =	vor.u32 $0x40, v2;
	v2 =	vmov v16;
	v25 =	vld [tilespmem:s24+$0x50];
	v9 =	vmul.f32 v9, v10;
	[tilespmem:s0+$0x100] =	vst v11;
	s0 =	smov.u32 s4;
	s4 =	smov.u32 s23  }
0x15e: {  	v16 =	vmul.f32 v24, v22;
	[tilespmem:s23+$0x10] =	vst v18;
	v18 =	vld [tilespmem:s24+$0xFFFFFFD0]  }
0x15f: {  	v11 =	vld.idx.msk [tilespmem:v8+s19+$0x0], $0xffff;
	v8 =	vmul.f32 v27, v13;
	[tilespmem:s0+$0xD0] =	vst v9  }
0x160: {  	v22 =	vor.u32 $0x40, v3;
	v3 =	vmov v15;
	[tilespmem:s23+$0xFFFFFEF0] =	vst v16;
	v16 =	vmul.f32 v28, v23;
	v23 =	vld [tilespmem:s24+$0xD0]  }
0x161: {  	v13 =	vld.idx.msk [tilespmem:v14+s19+$0x0], $0xffff;
	v14 =	vmul.f32 v19, v20;
	[tilespmem:s0+$0xFFFFFF30] =	vst v8  }
0x162: {  	v9 =	vld.idx.msk [tilespmem:v21+s19+$0x0], $0xffff;
	v8 =	vmul.f32 v25, v26  }
0x163: {  	v15 =	vld [tilespmem:s24+$0xFFFFFF60];
	v17 =	vmul.f32 v18, v17;
	v18 =	vor.u32 $0x40, v4;
	v4 =	vmov v12  }
0x164: {  	v12 =	vor.u32 $0x20, v4;
	v19 =	vld [tilespmem:s1+$0x20];
	[tilespmem:s0+$0x50] =	vst v8  }
0x165: {  	[tilespmem:s0+$0xFFFFFFC0] =	vst v17;
	v8 =	vld.idx.msk [tilespmem:v22+s19+$0x0], $0xffff;
	v10 =	vmul.f32 v23, v10  }
0x166: {  	[tilespmem:s23+$0xFFFFFF80] =	vst v16;
	v16 =	vor.u32 $0x20, v5;
	v21 =	vld [tilespmem:s24+$0x60]  }
0x167: {  	v20 =	vld [tilespmem:s1+$0xFFFFFFA0];
	[tilespmem:s0+$0xE0] =	vst v10  }
0x168: {  	v22 =	vmul.f32 v15, v9;
	v10 =	vld.idx.msk [tilespmem:v18+s19+$0x0], $0xffff  }
.Ltmp7:
0x169: {  	v18 =	vld.idx.msk [tilespmem:v12+s19+$0x0], $0xffff;
	v12 =	vmul.f32 v19, v11;
	(pc) =	sbr.rel @p0 .LBB2_7-.Ltmp7, $4  }
0x16a: {  	v15 =	vld [tilespmem:s1+$0xFFFFFF20];
	[tilespmem:s23+$0xA0] =	vst v14  }
0x16b: {  	[tilespmem:s23+$0x20] =	vst v12;
	v17 =	vld.idx.msk [tilespmem:v16+s19+$0x0], $0xffff;
	v12 =	vmul.f32 v21, v8  }
0x16c: {  	[tilespmem:s0+$0xFFFFFF40] =	vst v22;
	v14 =	vld [tilespmem:s24+$0xE0]  }
0x16d: {  	s1 =	sadd.s32 $0x200, s1;
	v19 =	vld [tilespmem:s24+$0xFFFFFFE0];
	[tilespmem:s0+$0x60] =	vst v12  }
0x16e: {  	v34 =	vld [tilespmem:s13+$0xA0];
	v16 =	vmul.f32 v20, v18  }
0x16f: {  	v35 =	vld [tilespmem:s13+$0x30];
	v12 =	vmul.f32 v15, v13  }
0x170: {  	[tilespmem:s23+$0xFFFFFF90] =	vst v16  }
0x171: {  	[tilespmem:s23+$0xFFFFFF00] =	vst v12;
	v21 =	vld [tilespmem:s13+$0xFFFFFFB0]  }
0x172: {  	v22 =	vor.u32 $0x30, v3;
	v12 =	vld [tilespmem:s13+$0xFFFFFF30]  }
0x173: {  	v15 =	vmul.f32 v34, v17  }
0x174: {  	v38 =	vor.u32 $0x30, v4;
	v11 =	vmul.f32 v35, v11  }
0x175: {  	[tilespmem:s23+$0xB0] =	vst v15  }
0x176: {  	v36 =	vor.u32 $0x30, v2;
	[tilespmem:s23+$0x30] =	vst v11;
	v37 =	vld [tilespmem:s13+$0xB0];
	v40 =	vmul.f32 v21, v18  }
0x177: {  	v42 =	vld.idx.msk [tilespmem:v22+s19+$0x0], $0xffff;
	v12 =	vmul.f32 v12, v13  }
0x178: {  	v44 =	vld [tilespmem:s13+$0x40];
	[tilespmem:s4+$0xFFFFFFA0] =	vst v40  }
0x179: {  	v5 =	vor.u32 $0x30, v5;
	[tilespmem:s23+$0xFFFFFF10] =	vst v12;
	v12 =	vld.idx.msk [tilespmem:v38+s19+$0x0], $0xffff  }
0x17a: {  	v45 =	vld [tilespmem:s13+$0xFFFFFFC0]  }
0x17b: {  	v39 =	vld.idx.msk [tilespmem:v36+s19+$0x0], $0xffff;
	v43 =	vmul.f32 v37, v17  }
0x17c: {  	v41 =	vld [tilespmem:s13+$0xFFFFFF40]  }
0x17d: {  	[tilespmem:s4+$0xC0] =	vst v43  }
0x17e: {  	v13 =	vmul.f32 v44, v42;
	v5 =	vld.idx.msk [tilespmem:v5+s19+$0x0], $0xffff  }
0x17f: {  	v46 =	vld [tilespmem:s13+$0xC0]  }
0x180: {  	[tilespmem:s4+$0x40] =	vst v13;
	v11 =	vmul.f32 v45, v12  }
0x181: {  	v13 =	vld [tilespmem:s13+$0x50];
	v16 =	vmul.f32 v41, v39  }
0x182: {  	[tilespmem:s4+$0xFFFFFFB0] =	vst v11  }
0x183: {  	[tilespmem:s4+$0xFFFFFF20] =	vst v16;
	v48 =	vld [tilespmem:s13+$0xFFFFFFD0]  }
0x184: {  	v3 =	vor.u32 $0x40, v3;
	v16 =	vld [tilespmem:s13+$0xFFFFFF50];
	v47 =	vmul.f32 v46, v5;
	_ =	sdelay $0x1  }
0x185: {  	v49 =	vor.u32 $0x40, v4;
	v13 =	vmul.f32 v13, v42;
	[tilespmem:s4+$0xD0] =	vst v47  }
0x186: {  	v2 =	vor.u32 $0x40, v2;
	v11 =	vld [tilespmem:s13+$0xD0]  }
0x187: {  	v7 =	vld.idx.msk [tilespmem:v7+s19+$0x0], $0xffff;
	[tilespmem:s4+$0x50] =	vst v13;
	v12 =	vmul.f32 v48, v12  }
0x188: {  	v3 =	vld.idx.msk [tilespmem:v3+s19+$0x0], $0xffff;
	v15 =	vmul.f32 v16, v39  }
0x189: {  	v50 =	vld [tilespmem:s13+$0x60];
	[tilespmem:s4+$0xFFFFFFC0] =	vst v12  }
0x18a: {  	[tilespmem:s4+$0xFFFFFF30] =	vst v15;
	v4 =	vld.idx.msk [tilespmem:v49+s19+$0x0], $0xffff  }
0x18b: {  	v2 =	vld.idx.msk [tilespmem:v2+s19+$0x0], $0xffff;
	v5 =	vmul.f32 v11, v5  }
0x18c: {  	v15 =	vld [tilespmem:s13+$0xFFFFFF60]  }
0x18d: {  	v51 =	vld [tilespmem:s13+$0xFFFFFFE0];
	[tilespmem:s4+$0xE0] =	vst v5  }
0x18e: {  	v53 =	vld [tilespmem:s13+$0xE0]  }
0x18f: {  	v52 =	vmul.f32 v19, v10;
	v6 =	vld.idx.msk [tilespmem:v6+s19+$0x0], $0xffff  }
0x190: {  	v54 =	vld [tilespmem:s24+$0xFFFFFF70];
	v55 =	vmul.f32 v14, v7  }
0x191: {  	v57 =	vld [tilespmem:s24+$0x70];
	[tilespmem:s0+$0xFFFFFFD0] =	vst v52;
	v15 =	vmul.f32 v15, v2  }
0x192: {  	v56 =	vld [tilespmem:s24+$0xFFFFFFF0];
	[tilespmem:s0+$0xF0] =	vst v55;
	v5 =	vmul.f32 v51, v4  }
0x193: {  	v12 =	vld [tilespmem:s24+$0xF0];
	v11 =	vmul.f32 v50, v3;
	[tilespmem:s4+$0xFFFFFF40] =	vst v15  }
0x194: {  	[tilespmem:s4+$0xFFFFFFD0] =	vst v5;
	v15 =	vld [tilespmem:s13+$0xFFFFFF70];
	v58 =	vmul.f32 v53, v6  }
0x195: {  	v9 =	vmul.f32 v54, v9;
	[tilespmem:s4+$0x60] =	vst v11;
	v59 =	vld [tilespmem:s13+$0xFFFFFFF0]  }
0x196: {  	v62 =	vmul.f32 v57, v8;
	v61 =	vld [tilespmem:s13+$0x70];
	[tilespmem:s4+$0xF0] =	vst v58  }
0x197: {  	[tilespmem:s0+$0xFFFFFF50] =	vst v9;
	v60 =	vmul.f32 v56, v10;
	v63 =	vld [tilespmem:s13+$0xF0]  }
0x198: {  	s26 =	sadd.s32 $0x1, s26;
	[tilespmem:s0+$0x70] =	vst v62;
	v7 =	vmul.f32 v12, v7  }
0x199: {  	p0 =	sne.s32 s26, $0x5;
	[tilespmem:s0+$0xFFFFFFE0] =	vst v60;
	v2 =	vmul.f32 v15, v2  }
.Ltmp8:
0x19a: {  	[tilespmem:s0+$0x100] =	vst v7;
	v4 =	vmul.f32 v59, v4;
	(pc) =	sbr.rel @p0 .LBB2_6-.Ltmp8, $4  }
0x19b: {  	[tilespmem:s4+$0xFFFFFF50] =	vst v2;
	v2 =	vmul.f32 v61, v3  }
0x19c: {  	[tilespmem:s4+$0xFFFFFFE0] =	vst v4;
	v3 =	vmul.f32 v63, v6  }
0x19d: {  	[tilespmem:s4+$0x70] =	vst v2  }
0x19e: {  	s15 =	sadd.s32 $0x800, s15;
	s20 =	sadd.s32 $0x900, s20;
	[tilespmem:s4+$0x100] =	vst v3  }
0x19f: {  	s0 =	smul.u32 $0x280, s6;
	_ =	sdelay $0x1  }
0x1a0: {  	s1 =	rddreg [dreg:$0x3];
	p0 =	sne.s32 s3, s7;
	s0 =	sshra.s32 s0, $0x2  }
0x1a1: {  	[spmem:s1] =	stream.indirect.scatter.add.f32 [tilespmem:s29], [sflag:$0x7], $0x90, s0, s8, $0xb8;
	[tilespmem:$0x1FDB0] =	vst v63  }
0x1a2: {  	s0 =	simm.s32 @!p0 $0x7;
	s1 =	sadd.s32 $0x2, s3  }
0x1a3: {  	s11 =	sor.u32 $0x1, s3;
	_ =	swait.ge @!p0 [sflag:s0], $0x2D00;
	p1 =	sge.u32 s1, s25  }
0x1a4: {  	[sflag:s0] =	ssyncset.done @!p0 $0x0;
	s1 =	smul.u32 @!p1 $0x50, s1;
	s4 =	simm.s32 @!p1 $0xC80  }
0x1a5: {  	[sflag:s0] =	ssyncadd.s32 @!p0 $0xFFFFD300;
	s0 =	simm.s32 @!p1 $0x50;
	p0 =	sge.u32 s11, s25  }
0x1a6: {  	[tilespmem:s4], [sflag:$0x1] =	stream.indirect.gather @!p1 [hbm4b:s2+s0], $0x10, s1, s0, $0xb8;
	[tilespmem:$0x1FDB0] =	vst v63  }
.Ltmp9:
0x1a7: {  	_ = 	snop;
	(pc) =	sbr.rel @p0 .LBB2_15-.Ltmp9, $4  }
0x1a8: {  	s1 =	sadd.s32 @!p1 $0x640, s1;
	s4 =	simm.s32 @!p1 $0x1180  }
0x1a9: {  	[tilespmem:s4], [sflag:$0x2] =	stream.indirect.gather @!p1 [hbm4b:s2+s0], $0x10, s1, s0, $0xb8;
	[tilespmem:$0x1FDB0] =	vst v63  }
0x1aa: {  	s4 =	simm.s32 @!p1 $0x1680  }
0x1ab: {  	[tilespmem:s4], [sflag:$0x3] =	stream.indirect.gather @!p1 [hbm4b:s30+s0], $0x80, s1, s0, $0xb8;
	[tilespmem:$0x1FDB0] =	vst v63  }
0x1ac: {  	s0 =	simm.s32 $0x4  }
0x1ad: {  	_ =	swait.ge [sflag:s0], $0x500  }
0x1ae: {  	[sflag:s0] =	ssyncset.done $0x0  }
0x1af: {  	s24 =	simm.s32 $0x5;
	[sflag:s0] =	ssyncadd.s32 $0xFFFFFB00  }
0x1b0: {  	_ =	swait.ge [sflag:s24], $0x500  }
0x1b1: {  	[sflag:s24] =	ssyncset.done $0x0  }
0x1b2: {  	s26 =	simm.s32 $0x6;
	[sflag:s24] =	ssyncadd.s32 $0xFFFFFB00  }
0x1b3: {  	_ =	swait.ge [sflag:s26], $0x2800  }
0x1b4: {  	[sflag:s26] =	ssyncset.done $0x0  }
0x1b5: {  	s31 =	simm.s32 $0x7;
	[sflag:s26] =	ssyncadd.s32 $0xFFFFD800  }
0x1b6: {  	_ =	swait.ge [sflag:s31], $0x2D00  }
0x1b7: {  	s15 =	simm.s32 $0x0;
	s5 =	simm.s32 $0x4980;
	[sflag:s31] =	ssyncset.done $0x0  }
0x1b8: {  	s13 =	simm.s32 $0x0;
	s24 =	simm.s32 $0x71A0;
	[sflag:s31] =	ssyncadd.s32 $0xFFFFD300  }
.LBB2_11:
0x1b9: {  	s0 =	sshll.u32 s13, $0x4  }
0x1ba: {  	v2 =	vor.u32 s0, v1  }
0x1bb: {  	v3 =	vshll.u32 v2, $0x4  }
0x1bc: {  	v4 =	vor.u32 $0x8, v3  }
0x1bd: {  	v5 =	vor.u32 $0xC, v3;
	_ =	sdelay $0x2  }
0x1be: {  	v6 =	vld [tilespmem:$0x9DE0]  }
0x1bf: {  	v4 =	vld.idx.msk [tilespmem:v4+s12+$0x0], $0xffff  }
0x1c0: {  	v5 =	vld.idx.msk [tilespmem:v5+s14+$0x0], $0xffff;
	_ =	sdelay $0x4  }
0x1c1: {  	v5 =	vadd.f32 v5, v4;
	v4 =	vadd.f32 v6, v4;
	_ =	sdelay $0x1  }
0x1c2: {  	v6 =	vmul.f32 $1.999999960e-02, v5;
	v7 =	vmul.f32 $1.999999960e-02, v4;
	_ =	sdelay $0x1  }
0x1c3: {  	v5 =	vmax.f32 v5, v6;
	v4 =	vmax.f32 v4, v7  }
0x1c4: {  	v4 =	vsub.f32 v5, v4;
	_ =	sdelay $0x1  }
0x1c5: {  	v4 =	vmul.f32 $1.442695020e+00, v4;
	_ =	sdelay $0x1  }
0x1c6: {  	(erf) = vpow2.f32 v4;
	_ =	sdelay $0x2  }
0x1c7: {  	v2 =	vmul.u32 $0x90, v2;
	_ =	sdelay $0x1  }
0x1c8: {  	v4 =	vadd.s32 $0x80, v2;
	_ =	sdelay $0x1  }
0x1c9: {  	v5 =	vor.u32 $0x9, v3  }
0x1ca: {  	v6 =	vor.u32 $0xD, v3  }
0x1cb: {  	v7 =	vpop (erf)  }
0x1cc: {  	[tilespmem:v4+s29+$0x0] =	vst.idx.msk $0xffff, v7  }
0x1cd: {  	[tilespmem:$0x9D90] =	vst v7  }
0x1ce: {  	v4 =	vld.idx.msk [tilespmem:v5+s12+$0x0], $0xffff  }
0x1cf: {  	v5 =	vld.idx.msk [tilespmem:v6+s14+$0x0], $0xffff  }
0x1d0: {  	v6 =	vld [tilespmem:$0x9DF0];
	_ =	sdelay $0x4  }
0x1d1: {  	v5 =	vadd.f32 v5, v4;
	v4 =	vadd.f32 v6, v4;
	_ =	sdelay $0x1  }
0x1d2: {  	v6 =	vmul.f32 $1.999999960e-02, v5;
	v7 =	vmul.f32 $1.999999960e-02, v4;
	_ =	sdelay $0x1  }
0x1d3: {  	v5 =	vmax.f32 v5, v6;
	v4 =	vmax.f32 v4, v7  }
0x1d4: {  	v4 =	vsub.f32 v5, v4;
	_ =	sdelay $0x1  }
0x1d5: {  	v4 =	vmul.f32 $1.442695020e+00, v4;
	_ =	sdelay $0x1  }
0x1d6: {  	(erf) = vpow2.f32 v4;
	_ =	sdelay $0x4  }
0x1d7: {  	v4 =	vadd.s32 $0x81, v2;
	_ =	sdelay $0x1  }
0x1d8: {  	v5 =	vor.u32 $0xA, v3  }
0x1d9: {  	v6 =	vor.u32 $0xE, v3  }
0x1da: {  	v7 =	vpop (erf)  }
0x1db: {  	[tilespmem:v4+s29+$0x0] =	vst.idx.msk $0xffff, v7  }
0x1dc: {  	[tilespmem:$0x9DA0] =	vst v7  }
0x1dd: {  	v4 =	vld.idx.msk [tilespmem:v5+s12+$0x0], $0xffff  }
0x1de: {  	v5 =	vld.idx.msk [tilespmem:v6+s14+$0x0], $0xffff  }
0x1df: {  	v6 =	vld [tilespmem:$0x9E00];
	_ =	sdelay $0x4  }
0x1e0: {  	v5 =	vadd.f32 v5, v4;
	v4 =	vadd.f32 v6, v4;
	_ =	sdelay $0x1  }
0x1e1: {  	v6 =	vmul.f32 $1.999999960e-02, v5;
	v7 =	vmul.f32 $1.999999960e-02, v4;
	_ =	sdelay $0x1  }
0x1e2: {  	v5 =	vmax.f32 v5, v6;
	v4 =	vmax.f32 v4, v7  }
0x1e3: {  	v4 =	vsub.f32 v5, v4;
	_ =	sdelay $0x1  }
0x1e4: {  	v4 =	vmul.f32 $1.442695020e+00, v4;
	_ =	sdelay $0x1  }
0x1e5: {  	(erf) = vpow2.f32 v4;
	_ =	sdelay $0x4  }
0x1e6: {  	v4 =	vadd.s32 $0x82, v2;
	_ =	sdelay $0x1  }
0x1e7: {  	v5 =	vor.u32 $0xB, v3  }
0x1e8: {  	v3 =	vor.u32 $0xF, v3  }
0x1e9: {  	v6 =	vpop (erf)  }
0x1ea: {  	[tilespmem:v4+s29+$0x0] =	vst.idx.msk $0xffff, v6  }
0x1eb: {  	[tilespmem:$0x9DB0] =	vst v6  }
0x1ec: {  	v4 =	vld.idx.msk [tilespmem:v5+s12+$0x0], $0xffff  }
0x1ed: {  	v3 =	vld.idx.msk [tilespmem:v3+s14+$0x0], $0xffff  }
0x1ee: {  	v5 =	vld [tilespmem:$0x9E10];
	_ =	sdelay $0x4  }
0x1ef: {  	v3 =	vadd.f32 v3, v4;
	v4 =	vadd.f32 v5, v4;
	_ =	sdelay $0x1  }
0x1f0: {  	v5 =	vmul.f32 $1.999999960e-02, v3;
	v6 =	vmul.f32 $1.999999960e-02, v4;
	_ =	sdelay $0x1  }
0x1f1: {  	v3 =	vmax.f32 v3, v5;
	v4 =	vmax.f32 v4, v6  }
0x1f2: {  	v3 =	vsub.f32 v3, v4;
	_ =	sdelay $0x1  }
0x1f3: {  	v3 =	vmul.f32 $1.442695020e+00, v3;
	_ =	sdelay $0x1  }
0x1f4: {  	(erf) = vpow2.f32 v3;
	_ =	sdelay $0x4  }
0x1f5: {  	v2 =	vadd.s32 $0x83, v2  }
0x1f6: {  	s4 =	simm.s32 $0x2  }
0x1f7: {  	v7 =	vmov s4  }
0x1f8: {  	v4 =	vor.u32 $0x10, v7  }
0x1f9: {  	v3 =	vpop (erf)  }
0x1fa: {  	v9 =	vmov s15;
	s20 =	simm.s32 $0x1;
	[tilespmem:v2+s29+$0x0] =	vst.idx.msk $0xffff, v3  }
0x1fb: {  	v8 =	vmov s20;
	v2 =	vor.u32 $0x10, v9;
	[tilespmem:$0x9DC0] =	vst v3  }
0x1fc: {  	v3 =	vor.u32 $0x10, v8;
	v10 =	vld [tilespmem:s5+$0x0]  }
0x1fd: {  	s21 =	simm.s32 $0x3;
	v4 =	vld.idx.msk [tilespmem:v4+s19+$0x0], $0xffff  }
0x1fe: {  	v6 =	vmov s21;
	v5 =	vld [tilespmem:s5+$0xFFFFFF00]  }
0x1ff: {  	v11 =	vor.u32 $0x10, v6;
	v12 =	vld [tilespmem:s5+$0xFFFFFF80]  }
0x200: {  	v2 =	vld.idx.msk [tilespmem:v2+s19+$0x0], $0xffff  }
0x201: {  	v3 =	vld.idx.msk [tilespmem:v3+s19+$0x0], $0xffff  }
0x202: {  	v10 =	vmul.f32 v10, v4  }
0x203: {  	v13 =	vld [tilespmem:s5+$0x80]  }
0x204: {  	v11 =	vld.idx.msk [tilespmem:v11+s19+$0x0], $0xffff;
	[tilespmem:s24+$0x0] =	vst v10  }
0x205: {  	v5 =	vmul.f32 v5, v2;
	v10 =	vld [tilespmem:s5+$0x10]  }
0x206: {  	v12 =	vmul.f32 v12, v3  }
0x207: {  	[tilespmem:s24+$0xFFFFFEE0] =	vst v5  }
0x208: {  	v5 =	vld [tilespmem:s5+$0xFFFFFF10];
	[tilespmem:s24+$0xFFFFFF70] =	vst v12  }
0x209: {  	v12 =	vmul.f32 v13, v11;
	v13 =	vor.u32 $0x20, v7;
	v14 =	vld [tilespmem:s5+$0xFFFFFF90]  }
0x20a: {  	v4 =	vmul.f32 v10, v4  }
0x20b: {  	[tilespmem:s24+$0x90] =	vst v12;
	v12 =	vor.u32 $0x20, v9  }
0x20c: {  	v10 =	vld [tilespmem:s5+$0x90];
	[tilespmem:s24+$0x10] =	vst v4;
	v4 =	vor.u32 $0x20, v8  }
0x20d: {  	v2 =	vmul.f32 v5, v2  }
0x20e: {  	v5 =	vld.idx.msk [tilespmem:v13+s19+$0x0], $0xffff;
	v3 =	vmul.f32 v14, v3  }
0x20f: {  	v13 =	vor.u32 $0x20, v6;
	[tilespmem:s24+$0xFFFFFEF0] =	vst v2;
	v2 =	vld [tilespmem:s5+$0x20]  }
0x210: {  	v12 =	vld.idx.msk [tilespmem:v12+s19+$0x0], $0xffff;
	[tilespmem:s24+$0xFFFFFF80] =	vst v3  }
0x211: {  	v3 =	vmul.f32 v10, v11;
	v11 =	vld.idx.msk [tilespmem:v4+s19+$0x0], $0xffff  }
0x212: {  	v4 =	vld [tilespmem:s5+$0xFFFFFF20]  }
0x213: {  	v10 =	vld [tilespmem:s5+$0xFFFFFFA0];
	[tilespmem:s24+$0xA0] =	vst v3  }
0x214: {  	v13 =	vld.idx.msk [tilespmem:v13+s19+$0x0], $0xffff  }
0x215: {  	v3 =	vld [tilespmem:s5+$0xA0]  }
0x216: {  	v2 =	vmul.f32 v2, v5  }
0x217: {  	s4 =	sadd.s32 $0x200, s5;
	v4 =	vmul.f32 v4, v12  }
0x218: {  	s22 =	simm.s32 $0x4;
	v15 =	vld [tilespmem:s4+$0xFFFFFF00];
	[tilespmem:s24+$0x20] =	vst v2;
	v10 =	vmul.f32 v10, v11  }
0x219: {  	v2 =	vmov s22;
	v14 =	vld [tilespmem:s5+$0x30];
	[tilespmem:s24+$0xFFFFFF00] =	vst v4  }
0x21a: {  	v17 =	vor.u32 $0x10, v2;
	v4 =	vmul.f32 v3, v13;
	[tilespmem:s24+$0xFFFFFF90] =	vst v10;
	v18 =	vld [tilespmem:s5+$0xFFFFFF30]  }
0x21b: {  	s1 =	simm.s32 $0x5;
	v10 =	vld [tilespmem:s5+$0xFFFFFFB0]  }
0x21c: {  	s23 =	simm.s32 $0x6;
	v16 =	vor.u32 $0x30, v7;
	v20 =	vld [tilespmem:s4+$0xFFFFFF80];
	[tilespmem:s24+$0xB0] =	vst v4;
	v4 =	vmov s1  }
0x21d: {  	v3 =	vmov s23;
	v19 =	vld [tilespmem:s5+$0xB0];
	v23 =	vor.u32 $0x10, v4  }
0x21e: {  	v25 =	vld [tilespmem:s4+$0x80];
	v5 =	vmul.f32 v14, v5;
	v14 =	vor.u32 $0x10, v3  }
0x21f: {  	v21 =	vor.u32 $0x30, v9;
	v17 =	vld.idx.msk [tilespmem:v17+s19+$0x0], $0xffff  }
0x220: {  	[tilespmem:s24+$0x30] =	vst v5;
	v12 =	vmul.f32 v18, v12;
	v18 =	vld [tilespmem:s4+$0x0];
	v10 =	vmul.f32 v10, v11  }
0x221: {  	v16 =	vld.idx.msk [tilespmem:v16+s19+$0x0], $0xffff  }
0x222: {  	s26 =	simm.s32 $0x7;
	v24 =	vor.u32 $0x30, v8;
	[tilespmem:s24+$0xFFFFFFA0] =	vst v10;
	v10 =	vmul.f32 v19, v13;
	v19 =	vld.idx.msk [tilespmem:v23+s19+$0x0], $0xffff  }
0x223: {  	v5 =	vmov s26;
	[tilespmem:s24+$0xFFFFFF10] =	vst v12;
	v14 =	vld.idx.msk [tilespmem:v14+s19+$0x0], $0xffff  }
0x224: {  	v22 =	vor.u32 $0x10, v5;
	v21 =	vld.idx.msk [tilespmem:v21+s19+$0x0], $0xffff  }
0x225: {  	v11 =	vld [tilespmem:s5+$0xFFFFFF40]  }
0x226: {  	v26 =	vor.u32 $0x30, v6;
	v12 =	vld [tilespmem:s5+$0x40]  }
0x227: {  	v23 =	vld.idx.msk [tilespmem:v24+s19+$0x0], $0xffff  }
0x228: {  	v15 =	vmul.f32 v15, v17;
	[tilespmem:s24+$0xC0] =	vst v10;
	v10 =	vld [tilespmem:s5+$0xFFFFFFC0]  }
0x229: {  	s23 =	sadd.s32 $0x240, s24;
	v22 =	vld.idx.msk [tilespmem:v22+s19+$0x0], $0xffff;
	v13 =	vmul.f32 v18, v14  }
0x22a: {  	[tilespmem:s23+$0xFFFFFEE0] =	vst v15;
	v15 =	vmul.f32 v20, v19;
	v20 =	vld [tilespmem:s5+$0xC0];
	v11 =	vmul.f32 v11, v21  }
0x22b: {  	v18 =	vld.idx.msk [tilespmem:v26+s19+$0x0], $0xffff;
	[tilespmem:s23+$0x0] =	vst v13  }
0x22c: {  	v12 =	vmul.f32 v12, v16;
	[tilespmem:s24+$0xFFFFFF20] =	vst v11;
	v11 =	vld [tilespmem:s4+$0xFFFFFF10]  }
0x22d: {  	[tilespmem:s23+$0xFFFFFF70] =	vst v15;
	v10 =	vmul.f32 v10, v23;
	v13 =	vld [tilespmem:s4+$0x10]  }
0x22e: {  	[tilespmem:s24+$0x40] =	vst v12;
	v62 =	vld [tilespmem:s4+$0xFFFFFF90]  }
0x22f: {  	v12 =	vor.u32 $0x20, v2;
	v60 =	vmul.f32 v25, v22;
	[tilespmem:s24+$0xFFFFFFB0] =	vst v10;
	v10 =	vld [tilespmem:s5+$0x50]  }
0x230: {  	v15 =	vor.u32 $0x20, v3;
	v61 =	vld [tilespmem:s5+$0xFFFFFF50];
	v20 =	vmul.f32 v20, v18  }
0x231: {  	v63 =	vld [tilespmem:s5+$0xFFFFFFD0];
	[tilespmem:s23+$0x90] =	vst v60;
	v17 =	vmul.f32 v11, v17  }
0x232: {  	[tilespmem:s24+$0xD0] =	vst v20;
	v13 =	vmul.f32 v13, v14;
	v14 =	vld [tilespmem:s4+$0x90]  }
0x233: {  	v7 =	vor.u32 $0x40, v7;
	[tilespmem:s23+$0xFFFFFEF0] =	vst v17;
	v17 =	vld [tilespmem:s5+$0xD0]  }
0x234: {  	v9 =	vor.u32 $0x40, v9;
	v10 =	vmul.f32 v10, v16;
	[tilespmem:s23+$0x10] =	vst v13;
	v13 =	vld.idx.msk [tilespmem:v12+s19+$0x0], $0xffff  }
0x235: {  	v16 =	vmul.f32 v62, v19;
	v11 =	vld.idx.msk [tilespmem:v15+s19+$0x0], $0xffff  }
0x236: {  	[tilespmem:s24+$0x50] =	vst v10;
	v15 =	vmul.f32 v61, v21;
	v21 =	vld [tilespmem:s4+$0x20]  }
0x237: {  	v19 =	vor.u32 $0x20, v4;
	[tilespmem:s23+$0xFFFFFF80] =	vst v16;
	v16 =	vld [tilespmem:s5+$0x60]  }
0x238: {  	[tilespmem:s24+$0xFFFFFF30] =	vst v15;
	v15 =	vor.u32 $0x40, v8;
	v8 =	vld.idx.msk [tilespmem:v7+s19+$0x0], $0xffff  }
0x239: {  	v9 =	vld.idx.msk [tilespmem:v9+s19+$0x0], $0xffff  }
0x23a: {  	v10 =	vmul.f32 v63, v23;
	v12 =	vld [tilespmem:s5+$0xFFFFFF60]  }
0x23b: {  	v20 =	vld [tilespmem:s4+$0xFFFFFFA0];
	v17 =	vmul.f32 v17, v18  }
0x23c: {  	[tilespmem:s24+$0xFFFFFFC0] =	vst v10;
	v7 =	vor.u32 $0x20, v5;
	v14 =	vmul.f32 v14, v22;
	v18 =	vld.idx.msk [tilespmem:v19+s19+$0x0], $0xffff  }
0x23d: {  	v19 =	vld [tilespmem:s5+$0xFFFFFFE0];
	[tilespmem:s24+$0xE0] =	vst v17;
	v17 =	vmul.f32 v21, v11  }
0x23e: {  	[tilespmem:s23+$0xA0] =	vst v14;
	v10 =	vld.idx.msk [tilespmem:v15+s19+$0x0], $0xffff;
	v16 =	vmul.f32 v16, v8  }
0x23f: {  	v15 =	vld [tilespmem:s4+$0xFFFFFF20];
	[tilespmem:s23+$0x20] =	vst v17;
	v12 =	vmul.f32 v12, v9  }
0x240: {  	s20 =	smov.u32 s5;
	s31 =	sadd.s32 $0x200, s4;
	v14 =	vld [tilespmem:s5+$0xE0];
	[tilespmem:s24+$0x60] =	vst v16  }
0x241: {  	s0 =	smov.u32 s23;
	s1 =	simm.s32 $0x8;
	s26 =	smov.u32 s24;
	v17 =	vld.idx.msk [tilespmem:v7+s19+$0x0], $0xffff;
	v7 =	vor.u32 $0x40, v6;
	v6 =	vor.u32 $0x40, v5;
	[tilespmem:s24+$0xFFFFFF40] =	vst v12  }
.LBB2_12:
0x242: {  	s21 =	sadd.s32 $0x1, s1  }
0x243: {  	v16 =	vmov s1;
	p0 =	slt.u32 s1, $0xC;
	v21 =	vld [tilespmem:s4+$0xA0];
	s22 =	smov.u32 s1;
	s1 =	sadd.s32 $0x4, s1  }
0x244: {  	v22 =	vor.u32 $0x10, v16;
	v12 =	vmov s21;
	s21 =	sadd.s32 $0x2, s22;
	v23 =	vmul.f32 v15, v13;
	v24 =	vld [tilespmem:s20+$0xFFFFFF70]  }
0x245: {  	v25 =	vor.u32 $0x10, v12;
	v15 =	vmov s21;
	s21 =	sadd.s32 $0x3, s22;
	v26 =	vld [tilespmem:s4+$0x30]  }
0x246: {  	v20 =	vmul.f32 v20, v18;
	v27 =	vld [tilespmem:s31+$0xFFFFFF00];
	v28 =	vor.u32 $0x10, v15;
	v29 =	vmov s21;
	[tilespmem:s23+$0xFFFFFF00] =	vst v23  }
0x247: {  	v23 =	vor.u32 $0x10, v29;
	v30 =	vor.u32 $0x40, v29;
	v31 =	vld [tilespmem:s4+$0xFFFFFF30];
	v19 =	vmul.f32 v19, v10  }
0x248: {  	[tilespmem:s23+$0xFFFFFF90] =	vst v20;
	v20 =	vmul.f32 v21, v17;
	v21 =	vld.idx.msk [tilespmem:v7+s19+$0x0], $0xffff;
	v7 =	vmov v6;
	v6 =	vmov v30  }
0x249: {  	v32 =	vor.u32 $0x30, v3;
	v30 =	vld [tilespmem:s4+$0xFFFFFFB0];
	v9 =	vmul.f32 v24, v9;
	[tilespmem:s26+$0xFFFFFFD0] =	vst v19  }
0x24a: {  	v11 =	vmul.f32 v26, v11;
	[tilespmem:s23+$0xB0] =	vst v20;
	v19 =	vld [tilespmem:s20+$0xFFFFFFF0]  }
0x24b: {  	v20 =	vld [tilespmem:s4+$0xB0];
	[tilespmem:s26+$0xFFFFFF50] =	vst v9  }
0x24c: {  	v9 =	vld [tilespmem:s31+$0xFFFFFF80];
	[tilespmem:s23+$0x30] =	vst v11  }
0x24d: {  	v11 =	vmul.f32 v31, v13;
	v13 =	vld [tilespmem:s20+$0x70]  }
0x24e: {  	v24 =	vor.u32 $0x30, v2;
	v14 =	vmul.f32 v14, v21;
	v18 =	vmul.f32 v30, v18;
	v26 =	vld.idx.msk [tilespmem:v32+s19+$0x0], $0xffff  }
0x24f: {  	v22 =	vld.idx.msk [tilespmem:v22+s19+$0x0], $0xffff;
	[tilespmem:s23+$0xFFFFFF10] =	vst v11;
	v10 =	vmul.f32 v19, v10  }
0x250: {  	s23 =	sadd.s32 $0x240, s23;
	v11 =	vld [tilespmem:s31+$0x0];
	[tilespmem:s0+$0xFFFFFFA0] =	vst v18;
	v17 =	vmul.f32 v20, v17  }
0x251: {  	v18 =	vld.idx.msk [tilespmem:v28+s19+$0x0], $0xffff;
	[tilespmem:s26+$0xFFFFFFE0] =	vst v10  }
0x252: {  	v10 =	vld [tilespmem:s4+$0x40];
	[tilespmem:s0+$0xC0] =	vst v17;
	v8 =	vmul.f32 v13, v8  }
0x253: {  	v17 =	vor.u32 $0x30, v4;
	v13 =	vld.idx.msk [tilespmem:v24+s19+$0x0], $0xffff;
	[tilespmem:s26+$0xF0] =	vst v14  }
0x254: {  	v14 =	vld [tilespmem:s31+$0x80];
	[tilespmem:s26+$0x70] =	vst v8  }
0x255: {  	v19 =	vor.u32 $0x30, v5;
	v5 =	vmov v29;
	v8 =	vld [tilespmem:s4+$0xFFFFFF40]  }
0x256: {  	v20 =	vld.idx.msk [tilespmem:v23+s19+$0x0], $0xffff  }
0x257: {  	v23 =	vld.idx.msk [tilespmem:v25+s19+$0x0], $0xffff;
	v10 =	vmul.f32 v10, v26  }
0x258: {  	v17 =	vld.idx.msk [tilespmem:v17+s19+$0x0], $0xffff  }
0x259: {  	v24 =	vmul.f32 v27, v22;
	v11 =	vmul.f32 v11, v18;
	v25 =	vld [tilespmem:s4+$0xFFFFFFC0];
	[tilespmem:s0+$0x40] =	vst v10  }
0x25a: {  	v8 =	vmul.f32 v8, v13;
	v10 =	vld.idx.msk [tilespmem:v19+s19+$0x0], $0xffff  }
0x25b: {  	[tilespmem:s23+$0x0] =	vst v11;
	v11 =	vld [tilespmem:s20+$0xF0];
	s20 =	smov.u32 s4;
	s4 =	smov.u32 s31  }
0x25c: {  	v14 =	vmul.f32 v14, v20;
	v19 =	vld [tilespmem:s31+$0x10];
	[tilespmem:s0+$0xFFFFFF20] =	vst v8  }
0x25d: {  	v8 =	vmul.f32 v9, v23;
	[tilespmem:s23+$0xFFFFFEE0] =	vst v24;
	v9 =	vld [tilespmem:s20+$0xC0]  }
0x25e: {  	v24 =	vld [tilespmem:s31+$0xFFFFFF10];
	v25 =	vmul.f32 v25, v17  }
0x25f: {  	[tilespmem:s23+$0xFFFFFF70] =	vst v8;
	v8 =	vor.u32 $0x20, v15;
	v27 =	vld [tilespmem:s20+$0xFFFFFF50]  }
0x260: {  	v28 =	vld [tilespmem:s31+$0xFFFFFF90];
	[tilespmem:s23+$0x90] =	vst v14;
	v11 =	vmul.f32 v11, v21  }
0x261: {  	v14 =	vor.u32 $0x20, v16;
	v18 =	vmul.f32 v19, v18;
	v19 =	vld [tilespmem:s31+$0x90];
	[tilespmem:s0+$0xFFFFFFB0] =	vst v25  }
0x262: {  	v21 =	vor.u32 $0x40, v2;
	v2 =	vmov v16;
	v25 =	vld [tilespmem:s20+$0x50];
	v9 =	vmul.f32 v9, v10;
	[tilespmem:s26+$0x100] =	vst v11;
	s26 =	smov.u32 s0;
	s0 =	smov.u32 s23  }
0x263: {  	v16 =	vmul.f32 v24, v22;
	[tilespmem:s23+$0x10] =	vst v18;
	v18 =	vld [tilespmem:s20+$0xFFFFFFD0]  }
0x264: {  	v11 =	vld.idx.msk [tilespmem:v8+s19+$0x0], $0xffff;
	v8 =	vmul.f32 v27, v13;
	[tilespmem:s26+$0xD0] =	vst v9  }
0x265: {  	v22 =	vor.u32 $0x40, v3;
	v3 =	vmov v15;
	[tilespmem:s23+$0xFFFFFEF0] =	vst v16;
	v16 =	vmul.f32 v28, v23;
	v23 =	vld [tilespmem:s20+$0xD0]  }
0x266: {  	v13 =	vld.idx.msk [tilespmem:v14+s19+$0x0], $0xffff;
	v14 =	vmul.f32 v19, v20;
	[tilespmem:s26+$0xFFFFFF30] =	vst v8  }
0x267: {  	v9 =	vld.idx.msk [tilespmem:v21+s19+$0x0], $0xffff;
	v8 =	vmul.f32 v25, v26  }
0x268: {  	v15 =	vld [tilespmem:s20+$0xFFFFFF60];
	v17 =	vmul.f32 v18, v17;
	v18 =	vor.u32 $0x40, v4;
	v4 =	vmov v12  }
0x269: {  	v12 =	vor.u32 $0x20, v4;
	v19 =	vld [tilespmem:s31+$0x20];
	[tilespmem:s26+$0x50] =	vst v8  }
0x26a: {  	[tilespmem:s26+$0xFFFFFFC0] =	vst v17;
	v8 =	vld.idx.msk [tilespmem:v22+s19+$0x0], $0xffff;
	v10 =	vmul.f32 v23, v10  }
0x26b: {  	[tilespmem:s23+$0xFFFFFF80] =	vst v16;
	v16 =	vor.u32 $0x20, v5;
	v21 =	vld [tilespmem:s20+$0x60]  }
0x26c: {  	v20 =	vld [tilespmem:s31+$0xFFFFFFA0];
	[tilespmem:s26+$0xE0] =	vst v10  }
0x26d: {  	v22 =	vmul.f32 v15, v9;
	v10 =	vld.idx.msk [tilespmem:v18+s19+$0x0], $0xffff  }
.Ltmp10:
0x26e: {  	v18 =	vld.idx.msk [tilespmem:v12+s19+$0x0], $0xffff;
	v12 =	vmul.f32 v19, v11;
	(pc) =	sbr.rel @p0 .LBB2_12-.Ltmp10, $4  }
0x26f: {  	v15 =	vld [tilespmem:s31+$0xFFFFFF20];
	[tilespmem:s23+$0xA0] =	vst v14  }
0x270: {  	[tilespmem:s23+$0x20] =	vst v12;
	v17 =	vld.idx.msk [tilespmem:v16+s19+$0x0], $0xffff;
	v12 =	vmul.f32 v21, v8  }
0x271: {  	[tilespmem:s26+$0xFFFFFF40] =	vst v22;
	v14 =	vld [tilespmem:s20+$0xE0]  }
0x272: {  	s31 =	sadd.s32 $0x200, s31;
	v19 =	vld [tilespmem:s20+$0xFFFFFFE0];
	[tilespmem:s26+$0x60] =	vst v12  }
0x273: {  	v34 =	vld [tilespmem:s4+$0xA0];
	v16 =	vmul.f32 v20, v18  }
0x274: {  	v35 =	vld [tilespmem:s4+$0x30];
	v12 =	vmul.f32 v15, v13  }
0x275: {  	[tilespmem:s23+$0xFFFFFF90] =	vst v16  }
0x276: {  	[tilespmem:s23+$0xFFFFFF00] =	vst v12;
	v21 =	vld [tilespmem:s4+$0xFFFFFFB0]  }
0x277: {  	v22 =	vor.u32 $0x30, v3;
	v12 =	vld [tilespmem:s4+$0xFFFFFF30]  }
0x278: {  	v15 =	vmul.f32 v34, v17  }
0x279: {  	v38 =	vor.u32 $0x30, v4;
	v11 =	vmul.f32 v35, v11  }
0x27a: {  	[tilespmem:s23+$0xB0] =	vst v15  }
0x27b: {  	v36 =	vor.u32 $0x30, v2;
	[tilespmem:s23+$0x30] =	vst v11;
	v37 =	vld [tilespmem:s4+$0xB0];
	v40 =	vmul.f32 v21, v18  }
0x27c: {  	v42 =	vld.idx.msk [tilespmem:v22+s19+$0x0], $0xffff;
	v12 =	vmul.f32 v12, v13  }
0x27d: {  	v44 =	vld [tilespmem:s4+$0x40];
	[tilespmem:s0+$0xFFFFFFA0] =	vst v40  }
0x27e: {  	v5 =	vor.u32 $0x30, v5;
	[tilespmem:s23+$0xFFFFFF10] =	vst v12;
	v12 =	vld.idx.msk [tilespmem:v38+s19+$0x0], $0xffff  }
0x27f: {  	v45 =	vld [tilespmem:s4+$0xFFFFFFC0]  }
0x280: {  	v39 =	vld.idx.msk [tilespmem:v36+s19+$0x0], $0xffff;
	v43 =	vmul.f32 v37, v17  }
0x281: {  	v41 =	vld [tilespmem:s4+$0xFFFFFF40]  }
0x282: {  	[tilespmem:s0+$0xC0] =	vst v43  }
0x283: {  	v13 =	vmul.f32 v44, v42;
	v5 =	vld.idx.msk [tilespmem:v5+s19+$0x0], $0xffff  }
0x284: {  	v46 =	vld [tilespmem:s4+$0xC0]  }
0x285: {  	[tilespmem:s0+$0x40] =	vst v13;
	v11 =	vmul.f32 v45, v12  }
0x286: {  	v13 =	vld [tilespmem:s4+$0x50];
	v16 =	vmul.f32 v41, v39  }
0x287: {  	[tilespmem:s0+$0xFFFFFFB0] =	vst v11  }
0x288: {  	[tilespmem:s0+$0xFFFFFF20] =	vst v16;
	v48 =	vld [tilespmem:s4+$0xFFFFFFD0]  }
0x289: {  	v3 =	vor.u32 $0x40, v3;
	v16 =	vld [tilespmem:s4+$0xFFFFFF50];
	v47 =	vmul.f32 v46, v5;
	_ =	sdelay $0x1  }
0x28a: {  	v49 =	vor.u32 $0x40, v4;
	v13 =	vmul.f32 v13, v42;
	[tilespmem:s0+$0xD0] =	vst v47  }
0x28b: {  	v2 =	vor.u32 $0x40, v2;
	v11 =	vld [tilespmem:s4+$0xD0]  }
0x28c: {  	v7 =	vld.idx.msk [tilespmem:v7+s19+$0x0], $0xffff;
	[tilespmem:s0+$0x50] =	vst v13;
	v12 =	vmul.f32 v48, v12  }
0x28d: {  	v3 =	vld.idx.msk [tilespmem:v3+s19+$0x0], $0xffff;
	v15 =	vmul.f32 v16, v39  }
0x28e: {  	v50 =	vld [tilespmem:s4+$0x60];
	[tilespmem:s0+$0xFFFFFFC0] =	vst v12  }
0x28f: {  	[tilespmem:s0+$0xFFFFFF30] =	vst v15;
	v4 =	vld.idx.msk [tilespmem:v49+s19+$0x0], $0xffff  }
0x290: {  	v2 =	vld.idx.msk [tilespmem:v2+s19+$0x0], $0xffff;
	v5 =	vmul.f32 v11, v5  }
0x291: {  	v15 =	vld [tilespmem:s4+$0xFFFFFF60]  }
0x292: {  	v51 =	vld [tilespmem:s4+$0xFFFFFFE0];
	[tilespmem:s0+$0xE0] =	vst v5  }
0x293: {  	v53 =	vld [tilespmem:s4+$0xE0]  }
0x294: {  	v52 =	vmul.f32 v19, v10;
	v6 =	vld.idx.msk [tilespmem:v6+s19+$0x0], $0xffff  }
0x295: {  	v54 =	vld [tilespmem:s20+$0xFFFFFF70];
	v55 =	vmul.f32 v14, v7  }
0x296: {  	v57 =	vld [tilespmem:s20+$0x70];
	[tilespmem:s26+$0xFFFFFFD0] =	vst v52;
	v15 =	vmul.f32 v15, v2  }
0x297: {  	v56 =	vld [tilespmem:s20+$0xFFFFFFF0];
	[tilespmem:s26+$0xF0] =	vst v55;
	v5 =	vmul.f32 v51, v4  }
0x298: {  	v12 =	vld [tilespmem:s20+$0xF0];
	v11 =	vmul.f32 v50, v3;
	[tilespmem:s0+$0xFFFFFF40] =	vst v15  }
0x299: {  	[tilespmem:s0+$0xFFFFFFD0] =	vst v5;
	v15 =	vld [tilespmem:s4+$0xFFFFFF70];
	v58 =	vmul.f32 v53, v6  }
0x29a: {  	v9 =	vmul.f32 v54, v9;
	[tilespmem:s0+$0x60] =	vst v11;
	v59 =	vld [tilespmem:s4+$0xFFFFFFF0]  }
0x29b: {  	v62 =	vmul.f32 v57, v8;
	v61 =	vld [tilespmem:s4+$0x70];
	[tilespmem:s0+$0xF0] =	vst v58  }
0x29c: {  	[tilespmem:s26+$0xFFFFFF50] =	vst v9;
	v60 =	vmul.f32 v56, v10;
	v63 =	vld [tilespmem:s4+$0xF0]  }
0x29d: {  	s13 =	sadd.s32 $0x1, s13;
	[tilespmem:s26+$0x70] =	vst v62;
	v7 =	vmul.f32 v12, v7  }
0x29e: {  	p0 =	sne.s32 s13, $0x5;
	[tilespmem:s26+$0xFFFFFFE0] =	vst v60;
	v2 =	vmul.f32 v15, v2  }
.Ltmp11:
0x29f: {  	[tilespmem:s26+$0x100] =	vst v7;
	v4 =	vmul.f32 v59, v4;
	(pc) =	sbr.rel @p0 .LBB2_11-.Ltmp11, $4  }
0x2a0: {  	[tilespmem:s0+$0xFFFFFF50] =	vst v2;
	v2 =	vmul.f32 v61, v3  }
0x2a1: {  	[tilespmem:s0+$0xFFFFFFE0] =	vst v4;
	v3 =	vmul.f32 v63, v6  }
0x2a2: {  	[tilespmem:s0+$0x70] =	vst v2  }
0x2a3: {  	s5 =	sadd.s32 $0x800, s5;
	s24 =	sadd.s32 $0x900, s24;
	[tilespmem:s0+$0x100] =	vst v3  }
0x2a4: {  	s0 =	smul.u32 $0x140, s11;
	_ =	sdelay $0x1  }
0x2a5: {  	s1 =	rddreg [dreg:$0x3];
	p0 =	sne.s32 s11, s7;
	s0 =	sshra.s32 s0, $0x2  }
0x2a6: {  	[spmem:s1] =	stream.indirect.scatter.add.f32 [tilespmem:s29], [sflag:$0x7], $0x90, s0, s8, $0xb8;
	[tilespmem:$0x1FDB0] =	vst v63  }
0x2a7: {  	s0 =	simm.s32 @!p0 $0x7;
	s1 =	sadd.s32 $0x3, s3  }
0x2a8: {  	_ =	swait.ge @!p0 [sflag:s0], $0x2D00;
	p1 =	sge.u32 s1, s25  }
0x2a9: {  	[sflag:s0] =	ssyncset.done @!p0 $0x0;
	s1 =	smul.u32 @!p1 $0x50, s1  }
0x2aa: {  	s3 =	simm.s32 @!p1 $0x3E80;
	[sflag:s0] =	ssyncadd.s32 @!p0 $0xFFFFD300;
	s0 =	simm.s32 @!p1 $0x50  }
0x2ab: {  	[tilespmem:s3], [sflag:$0x4] =	stream.indirect.gather @!p1 [hbm4b:s2+s0], $0x10, s1, s0, $0xb8;
	[tilespmem:$0x1FDB0] =	vst v63  }
.Ltmp12:
0x2ac: {  	_ = 	snop;
	(pc) =	sbr.rel .LBB2_15-.Ltmp12, $4  }
0x2ad: {  	s1 =	sadd.s32 @!p1 $0x640, s1;
	s3 =	simm.s32 @!p1 $0x4380  }
0x2ae: {  	[tilespmem:s3], [sflag:$0x5] =	stream.indirect.gather @!p1 [hbm4b:s2+s0], $0x10, s1, s0, $0xb8;
	[tilespmem:$0x1FDB0] =	vst v63  }
0x2af: {  	s3 =	simm.s32 @!p1 $0x4880  }
0x2b0: {  	[tilespmem:s3], [sflag:$0x6] =	stream.indirect.gather @!p1 [hbm4b:s30+s0], $0x80, s1, s0, $0xb8;
	[tilespmem:$0x1FDB0] =	vst v63  }
.LBB2_18:
0x2b1: {  	_ =	sfence.sel $0x180000  }
0x2b2: {  	[bflag:$0x0] =	sbarrier.arrive $0xFFFF  }
0x2b3: {  	_ =	strace $0x90000047  }
0x2b4: {  	s0 =	stileid.u32;
	[bflag:$0x2] =	sbarrier.arrive $0xFFFF  }
0x2b5: {  	p0 =	sne.s32 s0, $0x0;
	s0 =	rddreg [dreg:$0x4]  }
0x2b6: {  	s0 =	sadd.s32 @!p0 $0x100000, s0  }
0x2b7: {  	[sflag:s0] =	ssyncadd.tile.s32 @!p0 $0x1;
	_ =	shalt  }
.Lfunc_end2:
_tile_overlayer_lowered:
.L_overlay_start_2:
0x2b8: {  	(tag) =	ssettag $0x2  }
0x2b9: {  	s0 =	rddreg [dreg:$0x0];
	s2 =	stileid.u32  }
0x2ba: {  	s1 =	rddreg [dreg:$0x1];
	p0 =	sne.s32 s2, $0x0  }
0x2bb: {  	s3 =	rddreg [dreg:$0x2];
	[bflag:$0x3] =	sbarrier.arrive $0xFFFF;
	s2 =	simm.s32 @!p0 $0x1C08  }
0x2bc: {  	[timem:s3], [sflag:s2] =	dma.local @!p0 [hbm:s0], s1  }
0x2bd: {  	s0 =	simm.s32 @!p0 $0x8  }
0x2be: {  	_ =	swait.ge @!p0 [sflag:s0], s1  }
0x2bf: {  	s1 =	ssub.s32 @!p0 $0x0, s1;
	[sflag:s0] =	ssyncset.done @!p0 $0x0  }
0x2c0: {  	[sflag:s0] =	ssyncadd.s32 @!p0 s1  }
0x2c1: {  	[bflag:$0x3] =	sbarrier.arrive $0xFFFF  }
0x2c2: {  	_ =	shalt  }

</sc_bundles>
